<compile_context>
chip_gen: v7x
topology: tpu7x:2x2x1
jax: 0.10.2.dev20260603
libtpu: 0.0.44.dev20260713+nightly
codegen_flags: <defaults>
</compile_context>

<pallas_src>
import jax
import jax.numpy as jnp
from jax import lax
from jax.experimental import pallas as pl
from jax.experimental.pallas import tpu as pltpu
from jax.experimental.pallas import tpu_sc as plsc

_NCLS = 81
_B = 64
_A = 8732
_AP = 8736
_BB = 8
_AB = 1152
_NA = -(-_A // _AB)


def _stage_a(cls_ref, tgt_ref, lp_ref, lt_ref, v_ref, aux_ref):
    j = pl.program_id(1)
    x = cls_ref[...]
    tgt = tgt_ref[...]
    lse = jnp.log(jnp.sum(jnp.exp(x), axis=-1))
    cls_iota = jax.lax.broadcasted_iota(jnp.int32, x.shape, 2)
    picked = jnp.sum(jnp.where(cls_iota == tgt[..., None], x, 0.0), axis=-1)
    closs = jnp.where(tgt < 0, 0.0, lse - picked)

    a_iota = jax.lax.broadcasted_iota(jnp.int32, tgt.shape, 1)
    valid = (j * _AB + a_iota) < _A
    pos = (tgt > 0) & valid
    v_ref[...] = jnp.where(pos | (~valid), 0.0, closs)

    npos_p = jnp.sum(jnp.where(pos, 1.0, 0.0), axis=1, keepdims=True)
    psum_p = jnp.sum(jnp.where(pos, closs, 0.0), axis=1, keepdims=True)

    d = lp_ref[...] - lt_ref[...]
    ad = jnp.abs(d)
    sl1 = jnp.where(ad < 1.0, 0.5 * d * d, ad - 0.5)
    posb = (tgt > 0).astype(jnp.bfloat16)
    rep = (jax.lax.broadcasted_iota(jnp.int32, (128, 512), 1) // 4
           == jax.lax.broadcasted_iota(jnp.int32, (128, 512), 0)
           ).astype(jnp.bfloat16)
    loc_p = jnp.zeros((_BB, 1), jnp.float32)
    for jj in range(_AB // 128):
        m4 = jax.lax.dot(posb[:, 128 * jj:128 * (jj + 1)], rep,
                         preferred_element_type=jnp.float32)
        sl = sl1[:, 512 * jj:512 * (jj + 1)]
        li = jax.lax.broadcasted_iota(jnp.int32, sl.shape, 1)
        vmask = (j * _AB4 + 512 * jj + li) < _A4
        loc_p += jnp.sum(jnp.where(vmask, sl * m4, 0.0), axis=1,
                         keepdims=True)

    lane = jax.lax.broadcasted_iota(jnp.int32, (_BB, 128), 1)
    blk = jnp.where(lane == 0, npos_p,
                    jnp.where(lane == 1, psum_p,
                              jnp.where(lane == 2, loc_p, 0.0)))

    @pl.when(j == 0)
    def _():
        aux_ref[...] = jnp.zeros_like(aux_ref)

    aux_ref[...] += blk


_A4 = _A * 4
_AB4 = _AB * 4
_NA4 = -(-_A4 // _AB4)


_NCHUNK = _AP // 16


def _vsum16(x):
    t = x[0]
    for i in range(1, 16):
        t = t + x[i]
    return t


def _sc_stage_b(v_hbm, aux_hbm, out_hbm, vrow, auxv, outv, shared):
    wid = lax.axis_index("s")
    iota = lax.iota(jnp.int32, 16)
    contrib = jnp.float32(0.0)
    nposa = jnp.float32(0.0)
    loca = jnp.float32(0.0)
    for rr in range(4):
        r = wid * 4 + rr
        pltpu.sync_copy(v_hbm.at[r], vrow)
        pltpu.sync_copy(aux_hbm.at[r], auxv)

        def sbody(i, acc):
            return acc + vrow[pl.ds(i * 16, 16)]

        vs = lax.fori_loop(0, _NCHUNK, sbody, jnp.zeros((16,), jnp.float32))
        vsum = _vsum16(vs)
        av = auxv[pl.ds(0, 16)]
        npos_r = av[0]
        psum_r = av[1]
        kf = 3.0 * npos_r

        def _fast(_):
            return vsum

        def _slow(_):
            ki = 3 * npos_r.astype(jnp.int32)

            def mbody(jc, acc):
                return jnp.maximum(acc, vrow[pl.ds(jc * 16, 16)])

            mx = lax.fori_loop(0, _NCHUNK, mbody, jnp.zeros((16,), jnp.float32))
            vmax = mx[0]
            for i in range(1, 16):
                vmax = jnp.maximum(vmax, mx[i])

            def bbody(i, lh):
                lo, hi = lh
                mid = 0.5 * (lo + hi)
                midv = jnp.full((16,), mid)

                def ib(jc, a):
                    ch = vrow[pl.ds(jc * 16, 16)]
                    return a + jnp.where(ch >= midv, 1, 0).astype(jnp.int32)

                cv = lax.fori_loop(0, _NCHUNK, ib, jnp.zeros((16,), jnp.int32))
                cnt = _vsum16(cv)
                ok = cnt >= ki
                return (jnp.where(ok, mid, lo), jnp.where(ok, hi, mid))

            lo, hi = lax.fori_loop(
                0, 40, bbody,
                (jnp.float32(0.0), vmax + jnp.float32(1.0)))
            tvv = jnp.full((16,), lo)

            def fbody(jc, carry):
                gs, gc = carry
                ch = vrow[pl.ds(jc * 16, 16)]
                gm = ch > tvv
                return (gs + jnp.where(gm, ch, 0.0),
                        gc + jnp.where(gm, 1, 0).astype(jnp.int32))

            gs, gc = lax.fori_loop(
                0, _NCHUNK, fbody,
                (jnp.zeros((16,), jnp.float32), jnp.zeros((16,), jnp.int32)))
            return _vsum16(gs) + (kf - _vsum16(gc).astype(jnp.float32)) * lo

        neg = lax.cond(kf >= jnp.float32(_A), _fast, _slow, 0)
        contrib = contrib + psum_r + neg
        nposa = nposa + npos_r
        loca = loca + av[2]

    outv[...] = jnp.where(iota == 0, contrib,
                          jnp.where(iota == 1, nposa,
                                    jnp.where(iota == 2, loca, 0.0)))
    pltpu.sync_copy(outv, shared.at[pl.ds(wid * 16, 16)])
    plsc.subcore_barrier()

    @pl.when(wid == 0)
    def _():
        acc = jnp.zeros((16,), jnp.float32)
        for w in range(16):
            pltpu.sync_copy(shared.at[pl.ds(w * 16, 16)], outv)
            acc = acc + outv[...]
        num = jnp.full((16,), acc[2] + acc[0])
        den = jnp.where(lax.iota(jnp.int32, 16) >= 0, acc[1], 1.0)
        outv[...] = num / den
        pltpu.sync_copy(outv, out_hbm)


def kernel(loc_preds, loc_targets, cls_preds, cls_targets):
    v, aux = pl.pallas_call(
        _stage_a,
        grid=(_B // _BB, _NA),
        in_specs=[
            pl.BlockSpec((_BB, _AB, _NCLS), lambda b, j: (b, j, 0)),
            pl.BlockSpec((_BB, _AB), lambda b, j: (b, j)),
            pl.BlockSpec((_BB, _AB4), lambda b, j: (b, j)),
            pl.BlockSpec((_BB, _AB4), lambda b, j: (b, j)),
        ],
        out_specs=[
            pl.BlockSpec((_BB, _AB), lambda b, j: (b, j)),
            pl.BlockSpec((_BB, 128), lambda b, j: (b, 0)),
        ],
        out_shape=[
            jax.ShapeDtypeStruct((_B, _AP), jnp.float32),
            jax.ShapeDtypeStruct((_B, 128), jnp.float32),
        ],
        compiler_params=pltpu.CompilerParams(
            dimension_semantics=("parallel", "arbitrary")),
    )(cls_preds, cls_targets, loc_preds.reshape(_B, _A4),
      loc_targets.reshape(_B, _A4))

    mesh = plsc.VectorSubcoreMesh(core_axis_name="c", subcore_axis_name="s",
                                  num_cores=1)
    sc_b = pl.kernel(
        _sc_stage_b,
        mesh=mesh,
        out_type=jax.ShapeDtypeStruct((16,), jnp.float32),
        scratch_types=[
            pltpu.VMEM((_AP,), jnp.float32),
            pltpu.VMEM((128,), jnp.float32),
            pltpu.VMEM((16,), jnp.float32),
            pltpu.VMEM_SHARED((256,), jnp.float32),
        ],
    )
    out = sc_b(v, aux)
    return out[0]

# --- scband reference (transcript-rebuilt; emitter-appended) ---
"""Pipeline reference for scband-ssdloss-18803366821891 (READ-ONLY COPY).

The authoritative reference and input builder live on the scoring server;
editing this copy changes nothing except your own understanding.
"""

import jax, jax.numpy as jnp
import numpy as np

N_CLASSES = 81

def _smooth_l1(x):
    ax = jnp.abs(x)
    return jnp.where(ax < 1.0, 0.5 * x * x, ax - 0.5)

def setup_inputs(seed: int = 0) -> dict:
    key = jax.random.key(seed)
    k1, k2, k3, k4 = jax.random.split(key, 4)
    loc_preds = jax.random.normal(k1, (64, 8732, 4), dtype=jnp.float32)
    loc_targets = jax.random.normal(k2, (64, 8732, 4), dtype=jnp.float32)
    cls_preds = jax.random.normal(k3, (64, 8732, N_CLASSES), dtype=jnp.float32)
    cls_targets = jax.random.randint(k4, (64, 8732), 0, N_CLASSES, dtype=jnp.int32)
    return {"loc_preds": loc_preds, "loc_targets": loc_targets, "cls_preds": cls_preds, "cls_targets": cls_targets}

def _hard_negative_mining(cls_loss, pos, s=3):
    masked = cls_loss * (pos.astype(jnp.float32) - 1.0)
    idx = jnp.argsort(masked, axis=1)
    rank = jnp.argsort(idx, axis=1)
    num_neg = s * pos.astype(jnp.int32).sum(axis=1)
    return rank < num_neg[:, None]

def reference(loc_preds, loc_targets, cls_preds, cls_targets):
    pos = cls_targets > 0
    batch_size = pos.shape[0]
    num_pos = pos.astype(jnp.float32).sum()
    # smooth L1 over positive anchors, sum reduction
    diff = loc_preds - loc_targets
    loc_loss = jnp.sum(_smooth_l1(diff) * pos[:, :, None].astype(jnp.float32))
    # per-element cross entropy
    logits = cls_preds.reshape(-1, N_CLASSES)
    tgt = cls_targets.reshape(-1)
    lse = jax.nn.logsumexp(logits, axis=1)
    picked = jnp.take_along_axis(logits, tgt[:, None].astype(jnp.int32), axis=1)[:, 0]
    cls_loss = (lse - picked).reshape(batch_size, -1)
    cls_loss = jnp.where(cls_targets < 0, 0.0, cls_loss)
    neg = _hard_negative_mining(cls_loss, pos, 3)
    cls_sum = jnp.where(pos | neg, cls_loss, 0.0).sum()
    loss = (loc_loss + cls_sum) / num_pos
    return loss

if __name__ == "__main__":
    import jax
    _d = setup_inputs()
    print(jax.jit(kernel)(*tuple(_d.values())))

</pallas_src>

<mosaic_0001>
#map = affine_map<(d0, d1) -> (0, 0)>
#map1 = affine_map<(d0, d1) -> (0)>
module attributes {stable_mosaic.version = 14 : i64} {
  func.func @_sc_stage_b(%arg0: i32, %arg1: i32, %arg2: memref<64x8736xf32, #tpu.memory_space<hbm>>, %arg3: memref<64x128xf32, #tpu.memory_space<hbm>>, %arg4: memref<16xf32, #tpu.memory_space<hbm>>, %arg5: memref<8736xf32, #tpu.memory_space<vmem>>, %arg6: memref<128xf32, #tpu.memory_space<vmem>>, %arg7: memref<16xf32, #tpu.memory_space<vmem>>, %arg8: memref<256xf32, #tpu.memory_space<vmem_shared>>) attributes {dimension_semantics = [#tpu.dimension_semantics<core_parallel>, #tpu.dimension_semantics<subcore_parallel>], iteration_bounds = array<i64: 1, 16>, scalar_prefetch = 0 : i64, scratch_operands = 4 : i64, tpu.core_type = #tpu.core_type<sc_vector_subcore>, window_params = [{transform_indices = #map}, {transform_indices = #map}, {transform_indices = #map1}]} {
    %iota3A = tpu.iota {dimensions = array<i32: 0>} : vector<16xi32>
    %mul3A = arith.constant 4 : i32
    %mul3A_0 = arith.muli %arg1, %mul3A : i32
    %add3A = arith.constant 0 : i32
    %add3A_1 = arith.addi %mul3A_0, %add3A : i32
    "tpu.region"() ({
      %run_scoped3A = tpu.sem_alloc : memref<!tpu.dma_semaphore, #tpu.memory_space<semaphore_mem>>
      %dma_start3A = arith.constant 0 : i32
      %dma_start3A_341 = tpu.memref_slice %arg2[%add3A_1, %dma_start3A] : memref<64x8736xf32, #tpu.memory_space<hbm>> -> memref<1x8736xf32, #tpu.memory_space<hbm>>
      %dma_start3A_342 = tpu.memref_squeeze %dma_start3A_341 : memref<1x8736xf32, #tpu.memory_space<hbm>> -> memref<8736xf32, #tpu.memory_space<hbm>>
      %dma_start3A_343 = arith.constant 0 : i32
      %dma_start3A_344 = tpu.memref_slice %arg2[%add3A_1, %dma_start3A_343] : memref<64x8736xf32, #tpu.memory_space<hbm>> -> memref<1x8736xf32, #tpu.memory_space<hbm>>
      %dma_start3A_345 = tpu.memref_squeeze %dma_start3A_344 : memref<1x8736xf32, #tpu.memory_space<hbm>> -> memref<8736xf32, #tpu.memory_space<hbm>>
      tpu.enqueue_dma source(%dma_start3A_345 : memref<8736xf32, #tpu.memory_space<hbm>>) target(%arg5 : memref<8736xf32, #tpu.memory_space<vmem>>) target_semaphore(%run_scoped3A : memref<!tpu.dma_semaphore, #tpu.memory_space<semaphore_mem>>)
      %dma_wait3A = arith.constant 0 : i32
      %dma_wait3A_346 = tpu.memref_slice %arg2[%add3A_1, %dma_wait3A] : memref<64x8736xf32, #tpu.memory_space<hbm>> -> memref<1x8736xf32, #tpu.memory_space<hbm>>
      %dma_wait3A_347 = tpu.memref_squeeze %dma_wait3A_346 : memref<1x8736xf32, #tpu.memory_space<hbm>> -> memref<8736xf32, #tpu.memory_space<hbm>>
      %dma_wait3A_348 = arith.constant 0 : i32
      %dma_wait3A_349 = tpu.memref_slice %arg2[%add3A_1, %dma_wait3A_348] : memref<64x8736xf32, #tpu.memory_space<hbm>> -> memref<1x8736xf32, #tpu.memory_space<hbm>>
      %dma_wait3A_350 = tpu.memref_squeeze %dma_wait3A_349 : memref<1x8736xf32, #tpu.memory_space<hbm>> -> memref<8736xf32, #tpu.memory_space<hbm>>
      tpu.wait_dma2 semaphore(%run_scoped3A : memref<!tpu.dma_semaphore, #tpu.memory_space<semaphore_mem>>) src(%dma_wait3A_350 : memref<8736xf32, #tpu.memory_space<hbm>>) dst(%arg5 : memref<8736xf32, #tpu.memory_space<vmem>>)
      tpu.yield
    }) : () -> ()
    "tpu.region"() ({
      %run_scoped3A = tpu.sem_alloc : memref<!tpu.dma_semaphore, #tpu.memory_space<semaphore_mem>>
      %dma_start3A = arith.constant 0 : i32
      %dma_start3A_341 = tpu.memref_slice %arg3[%add3A_1, %dma_start3A] : memref<64x128xf32, #tpu.memory_space<hbm>> -> memref<1x128xf32, #tpu.memory_space<hbm>>
      %dma_start3A_342 = tpu.memref_squeeze %dma_start3A_341 : memref<1x128xf32, #tpu.memory_space<hbm>> -> memref<128xf32, #tpu.memory_space<hbm>>
      %dma_start3A_343 = arith.constant 0 : i32
      %dma_start3A_344 = tpu.memref_slice %arg3[%add3A_1, %dma_start3A_343] : memref<64x128xf32, #tpu.memory_space<hbm>> -> memref<1x128xf32, #tpu.memory_space<hbm>>
      %dma_start3A_345 = tpu.memref_squeeze %dma_start3A_344 : memref<1x128xf32, #tpu.memory_space<hbm>> -> memref<128xf32, #tpu.memory_space<hbm>>
      tpu.enqueue_dma source(%dma_start3A_345 : memref<128xf32, #tpu.memory_space<hbm>>) target(%arg6 : memref<128xf32, #tpu.memory_space<vmem>>) target_semaphore(%run_scoped3A : memref<!tpu.dma_semaphore, #tpu.memory_space<semaphore_mem>>)
      %dma_wait3A = arith.constant 0 : i32
      %dma_wait3A_346 = tpu.memref_slice %arg3[%add3A_1, %dma_wait3A] : memref<64x128xf32, #tpu.memory_space<hbm>> -> memref<1x128xf32, #tpu.memory_space<hbm>>
      %dma_wait3A_347 = tpu.memref_squeeze %dma_wait3A_346 : memref<1x128xf32, #tpu.memory_space<hbm>> -> memref<128xf32, #tpu.memory_space<hbm>>
      %dma_wait3A_348 = arith.constant 0 : i32
      %dma_wait3A_349 = tpu.memref_slice %arg3[%add3A_1, %dma_wait3A_348] : memref<64x128xf32, #tpu.memory_space<hbm>> -> memref<1x128xf32, #tpu.memory_space<hbm>>
      %dma_wait3A_350 = tpu.memref_squeeze %dma_wait3A_349 : memref<1x128xf32, #tpu.memory_space<hbm>> -> memref<128xf32, #tpu.memory_space<hbm>>
      tpu.wait_dma2 semaphore(%run_scoped3A : memref<!tpu.dma_semaphore, #tpu.memory_space<semaphore_mem>>) src(%dma_wait3A_350 : memref<128xf32, #tpu.memory_space<hbm>>) dst(%arg6 : memref<128xf32, #tpu.memory_space<vmem>>)
      tpu.yield
    }) : () -> ()
    %broadcast_in_dim3A = arith.constant 0.000000e+00 : f32
    %broadcast_in_dim3A_2 = vector.broadcast %broadcast_in_dim3A : f32 to vector<16xf32>
    %scan3A = arith.constant 0 : i32
    %scan3A_3 = arith.constant 546 : i32
    %scan3A_4 = arith.addi %scan3A, %scan3A_3 : i32
    %scan3A_5 = arith.constant 1 : i32
    %scan3A_6 = scf.for %scan3A_341 = %scan3A to %scan3A_4 step %scan3A_5 iter_args(%scan3A_342 = %broadcast_in_dim3A_2) -> (vector<16xf32>)  : i32 {
      %mul3A_343 = arith.constant 16 : i32
      %mul3A_344 = arith.muli %scan3A_341, %mul3A_343 : i32
      %get3A_345 = arith.index_cast %mul3A_344 : i32 to index
      %get3A_346 = tpu.vector_load %arg5[%get3A_345] {strides = array<i32>} : memref<8736xf32, #tpu.memory_space<vmem>>, vector<16xf32>,
      %get3A_347 = vector.shape_cast %get3A_346 : vector<16xf32> to vector<16xf32>
      %add3A_348 = arith.addf %scan3A_342, %get3A_347 : vector<16xf32>
      scf.yield %add3A_348 : vector<16xf32>
    }
    %scan3A_7 = arith.constant 546 : i32
    %slice3A = vector.extract_strided_slice %scan3A_6 {offsets = [0], sizes = [1], strides = [1]} : vector<16xf32> to vector<1xf32>
    %squeeze3A = vector.extract %slice3A[0] : f32 from vector<1xf32>
    %slice3A_8 = vector.extract_strided_slice %scan3A_6 {offsets = [1], sizes = [1], strides = [1]} : vector<16xf32> to vector<1xf32>
    %squeeze3A_9 = vector.extract %slice3A_8[0] : f32 from vector<1xf32>
    %add3A_10 = arith.addf %squeeze3A, %squeeze3A_9 : f32
    %slice3A_11 = vector.extract_strided_slice %scan3A_6 {offsets = [2], sizes = [1], strides = [1]} : vector<16xf32> to vector<1xf32>
    %squeeze3A_12 = vector.extract %slice3A_11[0] : f32 from vector<1xf32>
    %add3A_13 = arith.addf %add3A_10, %squeeze3A_12 : f32
    %slice3A_14 = vector.extract_strided_slice %scan3A_6 {offsets = [3], sizes = [1], strides = [1]} : vector<16xf32> to vector<1xf32>
    %squeeze3A_15 = vector.extract %slice3A_14[0] : f32 from vector<1xf32>
    %add3A_16 = arith.addf %add3A_13, %squeeze3A_15 : f32
    %slice3A_17 = vector.extract_strided_slice %scan3A_6 {offsets = [4], sizes = [1], strides = [1]} : vector<16xf32> to vector<1xf32>
    %squeeze3A_18 = vector.extract %slice3A_17[0] : f32 from vector<1xf32>
    %add3A_19 = arith.addf %add3A_16, %squeeze3A_18 : f32
    %slice3A_20 = vector.extract_strided_slice %scan3A_6 {offsets = [5], sizes = [1], strides = [1]} : vector<16xf32> to vector<1xf32>
    %squeeze3A_21 = vector.extract %slice3A_20[0] : f32 from vector<1xf32>
    %add3A_22 = arith.addf %add3A_19, %squeeze3A_21 : f32
    %slice3A_23 = vector.extract_strided_slice %scan3A_6 {offsets = [6], sizes = [1], strides = [1]} : vector<16xf32> to vector<1xf32>
    %squeeze3A_24 = vector.extract %slice3A_23[0] : f32 from vector<1xf32>
    %add3A_25 = arith.addf %add3A_22, %squeeze3A_24 : f32
    %slice3A_26 = vector.extract_strided_slice %scan3A_6 {offsets = [7], sizes = [1], strides = [1]} : vector<16xf32> to vector<1xf32>
    %squeeze3A_27 = vector.extract %slice3A_26[0] : f32 from vector<1xf32>
    %add3A_28 = arith.addf %add3A_25, %squeeze3A_27 : f32
    %slice3A_29 = vector.extract_strided_slice %scan3A_6 {offsets = [8], sizes = [1], strides = [1]} : vector<16xf32> to vector<1xf32>
    %squeeze3A_30 = vector.extract %slice3A_29[0] : f32 from vector<1xf32>
    %add3A_31 = arith.addf %add3A_28, %squeeze3A_30 : f32
    %slice3A_32 = vector.extract_strided_slice %scan3A_6 {offsets = [9], sizes = [1], strides = [1]} : vector<16xf32> to vector<1xf32>
    %squeeze3A_33 = vector.extract %slice3A_32[0] : f32 from vector<1xf32>
    %add3A_34 = arith.addf %add3A_31, %squeeze3A_33 : f32
    %slice3A_35 = vector.extract_strided_slice %scan3A_6 {offsets = [10], sizes = [1], strides = [1]} : vector<16xf32> to vector<1xf32>
    %squeeze3A_36 = vector.extract %slice3A_35[0] : f32 from vector<1xf32>
    %add3A_37 = arith.addf %add3A_34, %squeeze3A_36 : f32
    %slice3A_38 = vector.extract_strided_slice %scan3A_6 {offsets = [11], sizes = [1], strides = [1]} : vector<16xf32> to vector<1xf32>
    %squeeze3A_39 = vector.extract %slice3A_38[0] : f32 from vector<1xf32>
    %add3A_40 = arith.addf %add3A_37, %squeeze3A_39 : f32
    %slice3A_41 = vector.extract_strided_slice %scan3A_6 {offsets = [12], sizes = [1], strides = [1]} : vector<16xf32> to vector<1xf32>
    %squeeze3A_42 = vector.extract %slice3A_41[0] : f32 from vector<1xf32>
    %add3A_43 = arith.addf %add3A_40, %squeeze3A_42 : f32
    %slice3A_44 = vector.extract_strided_slice %scan3A_6 {offsets = [13], sizes = [1], strides = [1]} : vector<16xf32> to vector<1xf32>
    %squeeze3A_45 = vector.extract %slice3A_44[0] : f32 from vector<1xf32>
    %add3A_46 = arith.addf %add3A_43, %squeeze3A_45 : f32
    %slice3A_47 = vector.extract_strided_slice %scan3A_6 {offsets = [14], sizes = [1], strides = [1]} : vector<16xf32> to vector<1xf32>
    %squeeze3A_48 = vector.extract %slice3A_47[0] : f32 from vector<1xf32>
    %add3A_49 = arith.addf %add3A_46, %squeeze3A_48 : f32
    %slice3A_50 = vector.extract_strided_slice %scan3A_6 {offsets = [15], sizes = [1], strides = [1]} : vector<16xf32> to vector<1xf32>
    %squeeze3A_51 = vector.extract %slice3A_50[0] : f32 from vector<1xf32>
    %add3A_52 = arith.addf %add3A_49, %squeeze3A_51 : f32
    %get3A = arith.constant 0 : index
    %get3A_53 = tpu.vector_load %arg6[%get3A] {strides = array<i32>} : memref<128xf32, #tpu.memory_space<vmem>>, vector<16xf32>,
    %get3A_54 = vector.shape_cast %get3A_53 : vector<16xf32> to vector<16xf32>
    %slice3A_55 = vector.extract_strided_slice %get3A_54 {offsets = [0], sizes = [1], strides = [1]} : vector<16xf32> to vector<1xf32>
    %squeeze3A_56 = vector.extract %slice3A_55[0] : f32 from vector<1xf32>
    %slice3A_57 = vector.extract_strided_slice %get3A_54 {offsets = [1], sizes = [1], strides = [1]} : vector<16xf32> to vector<1xf32>
    %squeeze3A_58 = vector.extract %slice3A_57[0] : f32 from vector<1xf32>
    %mul3A_59 = arith.constant 3.000000e+00 : f32
    %mul3A_60 = arith.mulf %mul3A_59, %squeeze3A_56 : f32
    %ge3A = arith.constant 8.732000e+03 : f32
    %ge3A_61 = arith.cmpf oge, %mul3A_60, %ge3A : f32
    %convert_element_type3A = arith.extui %ge3A_61 : i1 to i32
    %cond3A = arith.constant 0 : i32
    %cond3A_62 = arith.constant 0 : i32
    %cond3A_63 = arith.cmpi ne, %convert_element_type3A, %cond3A_62 : i32
    %cond3A_64 = scf.if %cond3A_63 -> (f32) {
      scf.yield %add3A_52 : f32
    } else {
      %convert_element_type3A_341 = arith.fptosi %squeeze3A_56 : f32 to i32
      %mul3A_342 = arith.constant 3 : i32
      %mul3A_343 = arith.muli %mul3A_342, %convert_element_type3A_341 : i32
      %broadcast_in_dim3A_344 = arith.constant 0.000000e+00 : f32
      %broadcast_in_dim3A_345 = vector.broadcast %broadcast_in_dim3A_344 : f32 to vector<16xf32>
      %scan3A_346 = arith.constant 0 : i32
      %scan3A_347 = arith.constant 546 : i32
      %scan3A_348 = arith.addi %scan3A_346, %scan3A_347 : i32
      %scan3A_349 = arith.constant 1 : i32
      %scan3A_350 = scf.for %scan3A_515 = %scan3A_346 to %scan3A_348 step %scan3A_349 iter_args(%scan3A_516 = %broadcast_in_dim3A_345) -> (vector<16xf32>)  : i32 {
        %mul3A_517 = arith.constant 16 : i32
        %mul3A_518 = arith.muli %scan3A_515, %mul3A_517 : i32
        %get3A_519 = arith.index_cast %mul3A_518 : i32 to index
        %get3A_520 = tpu.vector_load %arg5[%get3A_519] {strides = array<i32>} : memref<8736xf32, #tpu.memory_space<vmem>>, vector<16xf32>,
        %get3A_521 = vector.shape_cast %get3A_520 : vector<16xf32> to vector<16xf32>
        %max3A_522 = arith.maximumf %scan3A_516, %get3A_521 : vector<16xf32>
        scf.yield %max3A_522 : vector<16xf32>
      }
      %scan3A_351 = arith.constant 546 : i32
      %slice3A_352 = vector.extract_strided_slice %scan3A_350 {offsets = [0], sizes = [1], strides = [1]} : vector<16xf32> to vector<1xf32>
      %squeeze3A_353 = vector.extract %slice3A_352[0] : f32 from vector<1xf32>
      %slice3A_354 = vector.extract_strided_slice %scan3A_350 {offsets = [1], sizes = [1], strides = [1]} : vector<16xf32> to vector<1xf32>
      %squeeze3A_355 = vector.extract %slice3A_354[0] : f32 from vector<1xf32>
      %max3A = arith.maximumf %squeeze3A_353, %squeeze3A_355 : f32
      %slice3A_356 = vector.extract_strided_slice %scan3A_350 {offsets = [2], sizes = [1], strides = [1]} : vector<16xf32> to vector<1xf32>
      %squeeze3A_357 = vector.extract %slice3A_356[0] : f32 from vector<1xf32>
      %max3A_358 = arith.maximumf %max3A, %squeeze3A_357 : f32
      %slice3A_359 = vector.extract_strided_slice %scan3A_350 {offsets = [3], sizes = [1], strides = [1]} : vector<16xf32> to vector<1xf32>
      %squeeze3A_360 = vector.extract %slice3A_359[0] : f32 from vector<1xf32>
      %max3A_361 = arith.maximumf %max3A_358, %squeeze3A_360 : f32
      %slice3A_362 = vector.extract_strided_slice %scan3A_350 {offsets = [4], sizes = [1], strides = [1]} : vector<16xf32> to vector<1xf32>
      %squeeze3A_363 = vector.extract %slice3A_362[0] : f32 from vector<1xf32>
      %max3A_364 = arith.maximumf %max3A_361, %squeeze3A_363 : f32
      %slice3A_365 = vector.extract_strided_slice %scan3A_350 {offsets = [5], sizes = [1], strides = [1]} : vector<16xf32> to vector<1xf32>
      %squeeze3A_366 = vector.extract %slice3A_365[0] : f32 from vector<1xf32>
      %max3A_367 = arith.maximumf %max3A_364, %squeeze3A_366 : f32
      %slice3A_368 = vector.extract_strided_slice %scan3A_350 {offsets = [6], sizes = [1], strides = [1]} : vector<16xf32> to vector<1xf32>
      %squeeze3A_369 = vector.extract %slice3A_368[0] : f32 from vector<1xf32>
      %max3A_370 = arith.maximumf %max3A_367, %squeeze3A_369 : f32
      %slice3A_371 = vector.extract_strided_slice %scan3A_350 {offsets = [7], sizes = [1], strides = [1]} : vector<16xf32> to vector<1xf32>
      %squeeze3A_372 = vector.extract %slice3A_371[0] : f32 from vector<1xf32>
      %max3A_373 = arith.maximumf %max3A_370, %squeeze3A_372 : f32
      %slice3A_374 = vector.extract_strided_slice %scan3A_350 {offsets = [8], sizes = [1], strides = [1]} : vector<16xf32> to vector<1xf32>
      %squeeze3A_375 = vector.extract %slice3A_374[0] : f32 from vector<1xf32>
      %max3A_376 = arith.maximumf %max3A_373, %squeeze3A_375 : f32
      %slice3A_377 = vector.extract_strided_slice %scan3A_350 {offsets = [9], sizes = [1], strides = [1]} : vector<16xf32> to vector<1xf32>
      %squeeze3A_378 = vector.extract %slice3A_377[0] : f32 from vector<1xf32>
      %max3A_379 = arith.maximumf %max3A_376, %squeeze3A_378 : f32
      %slice3A_380 = vector.extract_strided_slice %scan3A_350 {offsets = [10], sizes = [1], strides = [1]} : vector<16xf32> to vector<1xf32>
      %squeeze3A_381 = vector.extract %slice3A_380[0] : f32 from vector<1xf32>
      %max3A_382 = arith.maximumf %max3A_379, %squeeze3A_381 : f32
      %slice3A_383 = vector.extract_strided_slice %scan3A_350 {offsets = [11], sizes = [1], strides = [1]} : vector<16xf32> to vector<1xf32>
      %squeeze3A_384 = vector.extract %slice3A_383[0] : f32 from vector<1xf32>
      %max3A_385 = arith.maximumf %max3A_382, %squeeze3A_384 : f32
      %slice3A_386 = vector.extract_strided_slice %scan3A_350 {offsets = [12], sizes = [1], strides = [1]} : vector<16xf32> to vector<1xf32>
      %squeeze3A_387 = vector.extract %slice3A_386[0] : f32 from vector<1xf32>
      %max3A_388 = arith.maximumf %max3A_385, %squeeze3A_387 : f32
      %slice3A_389 = vector.extract_strided_slice %scan3A_350 {offsets = [13], sizes = [1], strides = [1]} : vector<16xf32> to vector<1xf32>
      %squeeze3A_390 = vector.extract %slice3A_389[0] : f32 from vector<1xf32>
      %max3A_391 = arith.maximumf %max3A_388, %squeeze3A_390 : f32
      %slice3A_392 = vector.extract_strided_slice %scan3A_350 {offsets = [14], sizes = [1], strides = [1]} : vector<16xf32> to vector<1xf32>
      %squeeze3A_393 = vector.extract %slice3A_392[0] : f32 from vector<1xf32>
      %max3A_394 = arith.maximumf %max3A_391, %squeeze3A_393 : f32
      %slice3A_395 = vector.extract_strided_slice %scan3A_350 {offsets = [15], sizes = [1], strides = [1]} : vector<16xf32> to vector<1xf32>
      %squeeze3A_396 = vector.extract %slice3A_395[0] : f32 from vector<1xf32>
      %max3A_397 = arith.maximumf %max3A_394, %squeeze3A_396 : f32
      %add3A_398 = arith.constant 1.000000e+00 : f32
      %add3A_399 = arith.addf %max3A_397, %add3A_398 : f32
      %scan3A_400 = arith.constant 0.000000e+00 : f32
      %scan3A_401 = arith.constant 0 : i32
      %scan3A_402 = arith.constant 40 : i32
      %scan3A_403 = arith.addi %scan3A_401, %scan3A_402 : i32
      %scan3A_404 = arith.constant 1 : i32
      %scan3A_405:2 = scf.for %scan3A_515 = %scan3A_401 to %scan3A_403 step %scan3A_404 iter_args(%scan3A_516 = %scan3A_400, %scan3A_517 = %add3A_399) -> (f32, f32)  : i32 {
        %add3A_518 = arith.addf %scan3A_516, %scan3A_517 : f32
        %mul3A_519 = arith.constant 5.000000e-01 : f32
        %mul3A_520 = arith.mulf %mul3A_519, %add3A_518 : f32
        %broadcast_in_dim3A_521 = vector.broadcast %mul3A_520 : f32 to vector<16xf32>
        %broadcast_in_dim3A_522 = arith.constant 0 : i32
        %broadcast_in_dim3A_523 = vector.broadcast %broadcast_in_dim3A_522 : i32 to vector<16xi32>
        %scan3A_524 = arith.constant 0 : i32
        %scan3A_525 = arith.constant 546 : i32
        %scan3A_526 = arith.addi %scan3A_524, %scan3A_525 : i32
        %scan3A_527 = arith.constant 1 : i32
        %scan3A_528 = scf.for %scan3A_580 = %scan3A_524 to %scan3A_526 step %scan3A_527 iter_args(%scan3A_581 = %broadcast_in_dim3A_523) -> (vector<16xi32>)  : i32 {
          %mul3A_582 = arith.constant 16 : i32
          %mul3A_583 = arith.muli %scan3A_580, %mul3A_582 : i32
          %get3A_584 = arith.index_cast %mul3A_583 : i32 to index
          %get3A_585 = tpu.vector_load %arg5[%get3A_584] {strides = array<i32>} : memref<8736xf32, #tpu.memory_space<vmem>>, vector<16xf32>,
          %get3A_586 = vector.shape_cast %get3A_585 : vector<16xf32> to vector<16xf32>
          %ge3A_587 = arith.cmpf oge, %get3A_586, %broadcast_in_dim3A_521 : vector<16xf32>
          %jit3A_588 = arith.constant 1 : i32
          %jit3A_589 = arith.constant 0 : i32
          %broadcast_in_dim3A_590 = vector.broadcast %jit3A_588 : i32 to vector<16xi32>
          %broadcast_in_dim3A_591 = vector.broadcast %jit3A_589 : i32 to vector<16xi32>
          %select_n3A_592 = arith.select %ge3A_587, %broadcast_in_dim3A_590, %broadcast_in_dim3A_591 : vector<16xi1>, vector<16xi32>
          %add3A_593 = arith.addi %scan3A_581, %select_n3A_592 : vector<16xi32>
          scf.yield %add3A_593 : vector<16xi32>
        }
        %scan3A_529 = arith.constant 546 : i32
        %slice3A_530 = vector.extract_strided_slice %scan3A_528 {offsets = [0], sizes = [1], strides = [1]} : vector<16xi32> to vector<1xi32>
        %squeeze3A_531 = vector.extract %slice3A_530[0] : i32 from vector<1xi32>
        %slice3A_532 = vector.extract_strided_slice %scan3A_528 {offsets = [1], sizes = [1], strides = [1]} : vector<16xi32> to vector<1xi32>
        %squeeze3A_533 = vector.extract %slice3A_532[0] : i32 from vector<1xi32>
        %add3A_534 = arith.addi %squeeze3A_531, %squeeze3A_533 : i32
        %slice3A_535 = vector.extract_strided_slice %scan3A_528 {offsets = [2], sizes = [1], strides = [1]} : vector<16xi32> to vector<1xi32>
        %squeeze3A_536 = vector.extract %slice3A_535[0] : i32 from vector<1xi32>
        %add3A_537 = arith.addi %add3A_534, %squeeze3A_536 : i32
        %slice3A_538 = vector.extract_strided_slice %scan3A_528 {offsets = [3], sizes = [1], strides = [1]} : vector<16xi32> to vector<1xi32>
        %squeeze3A_539 = vector.extract %slice3A_538[0] : i32 from vector<1xi32>
        %add3A_540 = arith.addi %add3A_537, %squeeze3A_539 : i32
        %slice3A_541 = vector.extract_strided_slice %scan3A_528 {offsets = [4], sizes = [1], strides = [1]} : vector<16xi32> to vector<1xi32>
        %squeeze3A_542 = vector.extract %slice3A_541[0] : i32 from vector<1xi32>
        %add3A_543 = arith.addi %add3A_540, %squeeze3A_542 : i32
        %slice3A_544 = vector.extract_strided_slice %scan3A_528 {offsets = [5], sizes = [1], strides = [1]} : vector<16xi32> to vector<1xi32>
        %squeeze3A_545 = vector.extract %slice3A_544[0] : i32 from vector<1xi32>
        %add3A_546 = arith.addi %add3A_543, %squeeze3A_545 : i32
        %slice3A_547 = vector.extract_strided_slice %scan3A_528 {offsets = [6], sizes = [1], strides = [1]} : vector<16xi32> to vector<1xi32>
        %squeeze3A_548 = vector.extract %slice3A_547[0] : i32 from vector<1xi32>
        %add3A_549 = arith.addi %add3A_546, %squeeze3A_548 : i32
        %slice3A_550 = vector.extract_strided_slice %scan3A_528 {offsets = [7], sizes = [1], strides = [1]} : vector<16xi32> to vector<1xi32>
        %squeeze3A_551 = vector.extract %slice3A_550[0] : i32 from vector<1xi32>
        %add3A_552 = arith.addi %add3A_549, %squeeze3A_551 : i32
        %slice3A_553 = vector.extract_strided_slice %scan3A_528 {offsets = [8], sizes = [1], strides = [1]} : vector<16xi32> to vector<1xi32>
        %squeeze3A_554 = vector.extract %slice3A_553[0] : i32 from vector<1xi32>
        %add3A_555 = arith.addi %add3A_552, %squeeze3A_554 : i32
        %slice3A_556 = vector.extract_strided_slice %scan3A_528 {offsets = [9], sizes = [1], strides = [1]} : vector<16xi32> to vector<1xi32>
        %squeeze3A_557 = vector.extract %slice3A_556[0] : i32 from vector<1xi32>
        %add3A_558 = arith.addi %add3A_555, %squeeze3A_557 : i32
        %slice3A_559 = vector.extract_strided_slice %scan3A_528 {offsets = [10], sizes = [1], strides = [1]} : vector<16xi32> to vector<1xi32>
        %squeeze3A_560 = vector.extract %slice3A_559[0] : i32 from vector<1xi32>
        %add3A_561 = arith.addi %add3A_558, %squeeze3A_560 : i32
        %slice3A_562 = vector.extract_strided_slice %scan3A_528 {offsets = [11], sizes = [1], strides = [1]} : vector<16xi32> to vector<1xi32>
        %squeeze3A_563 = vector.extract %slice3A_562[0] : i32 from vector<1xi32>
        %add3A_564 = arith.addi %add3A_561, %squeeze3A_563 : i32
        %slice3A_565 = vector.extract_strided_slice %scan3A_528 {offsets = [12], sizes = [1], strides = [1]} : vector<16xi32> to vector<1xi32>
        %squeeze3A_566 = vector.extract %slice3A_565[0] : i32 from vector<1xi32>
        %add3A_567 = arith.addi %add3A_564, %squeeze3A_566 : i32
        %slice3A_568 = vector.extract_strided_slice %scan3A_528 {offsets = [13], sizes = [1], strides = [1]} : vector<16xi32> to vector<1xi32>
        %squeeze3A_569 = vector.extract %slice3A_568[0] : i32 from vector<1xi32>
        %add3A_570 = arith.addi %add3A_567, %squeeze3A_569 : i32
        %slice3A_571 = vector.extract_strided_slice %scan3A_528 {offsets = [14], sizes = [1], strides = [1]} : vector<16xi32> to vector<1xi32>
        %squeeze3A_572 = vector.extract %slice3A_571[0] : i32 from vector<1xi32>
        %add3A_573 = arith.addi %add3A_570, %squeeze3A_572 : i32
        %slice3A_574 = vector.extract_strided_slice %scan3A_528 {offsets = [15], sizes = [1], strides = [1]} : vector<16xi32> to vector<1xi32>
        %squeeze3A_575 = vector.extract %slice3A_574[0] : i32 from vector<1xi32>
        %add3A_576 = arith.addi %add3A_573, %squeeze3A_575 : i32
        %ge3A_577 = arith.cmpi sge, %add3A_576, %mul3A_343 : i32
        %select_n3A_578 = arith.select %ge3A_577, %mul3A_520, %scan3A_516 : f32
        %select_n3A_579 = arith.select %ge3A_577, %scan3A_517, %mul3A_520 : f32
        scf.yield %select_n3A_578, %select_n3A_579 : f32, f32
      }
      %scan3A_406 = arith.constant 40 : i32
      %broadcast_in_dim3A_407 = vector.broadcast %scan3A_405#0 : f32 to vector<16xf32>
      %broadcast_in_dim3A_408 = arith.constant 0.000000e+00 : f32
      %broadcast_in_dim3A_409 = vector.broadcast %broadcast_in_dim3A_408 : f32 to vector<16xf32>
      %broadcast_in_dim3A_410 = arith.constant 0 : i32
      %broadcast_in_dim3A_411 = vector.broadcast %broadcast_in_dim3A_410 : i32 to vector<16xi32>
      %scan3A_412 = arith.constant 0 : i32
      %scan3A_413 = arith.constant 546 : i32
      %scan3A_414 = arith.addi %scan3A_412, %scan3A_413 : i32
      %scan3A_415 = arith.constant 1 : i32
      %scan3A_416:2 = scf.for %scan3A_515 = %scan3A_412 to %scan3A_414 step %scan3A_415 iter_args(%scan3A_516 = %broadcast_in_dim3A_409, %scan3A_517 = %broadcast_in_dim3A_411) -> (vector<16xf32>, vector<16xi32>)  : i32 {
        %mul3A_518 = arith.constant 16 : i32
        %mul3A_519 = arith.muli %scan3A_515, %mul3A_518 : i32
        %get3A_520 = arith.index_cast %mul3A_519 : i32 to index
        %get3A_521 = tpu.vector_load %arg5[%get3A_520] {strides = array<i32>} : memref<8736xf32, #tpu.memory_space<vmem>>, vector<16xf32>,
        %get3A_522 = vector.shape_cast %get3A_521 : vector<16xf32> to vector<16xf32>
        %gt3A = arith.cmpf ogt, %get3A_522, %broadcast_in_dim3A_407 : vector<16xf32>
        %jit3A_523 = arith.constant 0.000000e+00 : f32
        %broadcast_in_dim3A_524 = vector.broadcast %jit3A_523 : f32 to vector<16xf32>
        %select_n3A_525 = arith.select %gt3A, %get3A_522, %broadcast_in_dim3A_524 : vector<16xi1>, vector<16xf32>
        %add3A_526 = arith.addf %scan3A_516, %select_n3A_525 : vector<16xf32>
        %jit3A_527 = arith.constant 1 : i32
        %jit3A_528 = arith.constant 0 : i32
        %broadcast_in_dim3A_529 = vector.broadcast %jit3A_527 : i32 to vector<16xi32>
        %broadcast_in_dim3A_530 = vector.broadcast %jit3A_528 : i32 to vector<16xi32>
        %select_n3A_531 = arith.select %gt3A, %broadcast_in_dim3A_529, %broadcast_in_dim3A_530 : vector<16xi1>, vector<16xi32>
        %add3A_532 = arith.addi %scan3A_517, %select_n3A_531 : vector<16xi32>
        scf.yield %add3A_526, %add3A_532 : vector<16xf32>, vector<16xi32>
      }
      %scan3A_417 = arith.constant 546 : i32
      %slice3A_418 = vector.extract_strided_slice %scan3A_416#0 {offsets = [0], sizes = [1], strides = [1]} : vector<16xf32> to vector<1xf32>
      %squeeze3A_419 = vector.extract %slice3A_418[0] : f32 from vector<1xf32>
      %slice3A_420 = vector.extract_strided_slice %scan3A_416#0 {offsets = [1], sizes = [1], strides = [1]} : vector<16xf32> to vector<1xf32>
      %squeeze3A_421 = vector.extract %slice3A_420[0] : f32 from vector<1xf32>
      %add3A_422 = arith.addf %squeeze3A_419, %squeeze3A_421 : f32
      %slice3A_423 = vector.extract_strided_slice %scan3A_416#0 {offsets = [2], sizes = [1], strides = [1]} : vector<16xf32> to vector<1xf32>
      %squeeze3A_424 = vector.extract %slice3A_423[0] : f32 from vector<1xf32>
      %add3A_425 = arith.addf %add3A_422, %squeeze3A_424 : f32
      %slice3A_426 = vector.extract_strided_slice %scan3A_416#0 {offsets = [3], sizes = [1], strides = [1]} : vector<16xf32> to vector<1xf32>
      %squeeze3A_427 = vector.extract %slice3A_426[0] : f32 from vector<1xf32>
      %add3A_428 = arith.addf %add3A_425, %squeeze3A_427 : f32
      %slice3A_429 = vector.extract_strided_slice %scan3A_416#0 {offsets = [4], sizes = [1], strides = [1]} : vector<16xf32> to vector<1xf32>
      %squeeze3A_430 = vector.extract %slice3A_429[0] : f32 from vector<1xf32>
      %add3A_431 = arith.addf %add3A_428, %squeeze3A_430 : f32
      %slice3A_432 = vector.extract_strided_slice %scan3A_416#0 {offsets = [5], sizes = [1], strides = [1]} : vector<16xf32> to vector<1xf32>
      %squeeze3A_433 = vector.extract %slice3A_432[0] : f32 from vector<1xf32>
      %add3A_434 = arith.addf %add3A_431, %squeeze3A_433 : f32
      %slice3A_435 = vector.extract_strided_slice %scan3A_416#0 {offsets = [6], sizes = [1], strides = [1]} : vector<16xf32> to vector<1xf32>
      %squeeze3A_436 = vector.extract %slice3A_435[0] : f32 from vector<1xf32>
      %add3A_437 = arith.addf %add3A_434, %squeeze3A_436 : f32
      %slice3A_438 = vector.extract_strided_slice %scan3A_416#0 {offsets = [7], sizes = [1], strides = [1]} : vector<16xf32> to vector<1xf32>
      %squeeze3A_439 = vector.extract %slice3A_438[0] : f32 from vector<1xf32>
      %add3A_440 = arith.addf %add3A_437, %squeeze3A_439 : f32
      %slice3A_441 = vector.extract_strided_slice %scan3A_416#0 {offsets = [8], sizes = [1], strides = [1]} : vector<16xf32> to vector<1xf32>
      %squeeze3A_442 = vector.extract %slice3A_441[0] : f32 from vector<1xf32>
      %add3A_443 = arith.addf %add3A_440, %squeeze3A_442 : f32
      %slice3A_444 = vector.extract_strided_slice %scan3A_416#0 {offsets = [9], sizes = [1], strides = [1]} : vector<16xf32> to vector<1xf32>
      %squeeze3A_445 = vector.extract %slice3A_444[0] : f32 from vector<1xf32>
      %add3A_446 = arith.addf %add3A_443, %squeeze3A_445 : f32
      %slice3A_447 = vector.extract_strided_slice %scan3A_416#0 {offsets = [10], sizes = [1], strides = [1]} : vector<16xf32> to vector<1xf32>
      %squeeze3A_448 = vector.extract %slice3A_447[0] : f32 from vector<1xf32>
      %add3A_449 = arith.addf %add3A_446, %squeeze3A_448 : f32
      %slice3A_450 = vector.extract_strided_slice %scan3A_416#0 {offsets = [11], sizes = [1], strides = [1]} : vector<16xf32> to vector<1xf32>
      %squeeze3A_451 = vector.extract %slice3A_450[0] : f32 from vector<1xf32>
      %add3A_452 = arith.addf %add3A_449, %squeeze3A_451 : f32
      %slice3A_453 = vector.extract_strided_slice %scan3A_416#0 {offsets = [12], sizes = [1], strides = [1]} : vector<16xf32> to vector<1xf32>
      %squeeze3A_454 = vector.extract %slice3A_453[0] : f32 from vector<1xf32>
      %add3A_455 = arith.addf %add3A_452, %squeeze3A_454 : f32
      %slice3A_456 = vector.extract_strided_slice %scan3A_416#0 {offsets = [13], sizes = [1], strides = [1]} : vector<16xf32> to vector<1xf32>
      %squeeze3A_457 = vector.extract %slice3A_456[0] : f32 from vector<1xf32>
      %add3A_458 = arith.addf %add3A_455, %squeeze3A_457 : f32
      %slice3A_459 = vector.extract_strided_slice %scan3A_416#0 {offsets = [14], sizes = [1], strides = [1]} : vector<16xf32> to vector<1xf32>
      %squeeze3A_460 = vector.extract %slice3A_459[0] : f32 from vector<1xf32>
      %add3A_461 = arith.addf %add3A_458, %squeeze3A_460 : f32
      %slice3A_462 = vector.extract_strided_slice %scan3A_416#0 {offsets = [15], sizes = [1], strides = [1]} : vector<16xf32> to vector<1xf32>
      %squeeze3A_463 = vector.extract %slice3A_462[0] : f32 from vector<1xf32>
      %add3A_464 = arith.addf %add3A_461, %squeeze3A_463 : f32
      %slice3A_465 = vector.extract_strided_slice %scan3A_416#1 {offsets = [0], sizes = [1], strides = [1]} : vector<16xi32> to vector<1xi32>
      %squeeze3A_466 = vector.extract %slice3A_465[0] : i32 from vector<1xi32>
      %slice3A_467 = vector.extract_strided_slice %scan3A_416#1 {offsets = [1], sizes = [1], strides = [1]} : vector<16xi32> to vector<1xi32>
      %squeeze3A_468 = vector.extract %slice3A_467[0] : i32 from vector<1xi32>
      %add3A_469 = arith.addi %squeeze3A_466, %squeeze3A_468 : i32
      %slice3A_470 = vector.extract_strided_slice %scan3A_416#1 {offsets = [2], sizes = [1], strides = [1]} : vector<16xi32> to vector<1xi32>
      %squeeze3A_471 = vector.extract %slice3A_470[0] : i32 from vector<1xi32>
      %add3A_472 = arith.addi %add3A_469, %squeeze3A_471 : i32
      %slice3A_473 = vector.extract_strided_slice %scan3A_416#1 {offsets = [3], sizes = [1], strides = [1]} : vector<16xi32> to vector<1xi32>
      %squeeze3A_474 = vector.extract %slice3A_473[0] : i32 from vector<1xi32>
      %add3A_475 = arith.addi %add3A_472, %squeeze3A_474 : i32
      %slice3A_476 = vector.extract_strided_slice %scan3A_416#1 {offsets = [4], sizes = [1], strides = [1]} : vector<16xi32> to vector<1xi32>
      %squeeze3A_477 = vector.extract %slice3A_476[0] : i32 from vector<1xi32>
      %add3A_478 = arith.addi %add3A_475, %squeeze3A_477 : i32
      %slice3A_479 = vector.extract_strided_slice %scan3A_416#1 {offsets = [5], sizes = [1], strides = [1]} : vector<16xi32> to vector<1xi32>
      %squeeze3A_480 = vector.extract %slice3A_479[0] : i32 from vector<1xi32>
      %add3A_481 = arith.addi %add3A_478, %squeeze3A_480 : i32
      %slice3A_482 = vector.extract_strided_slice %scan3A_416#1 {offsets = [6], sizes = [1], strides = [1]} : vector<16xi32> to vector<1xi32>
      %squeeze3A_483 = vector.extract %slice3A_482[0] : i32 from vector<1xi32>
      %add3A_484 = arith.addi %add3A_481, %squeeze3A_483 : i32
      %slice3A_485 = vector.extract_strided_slice %scan3A_416#1 {offsets = [7], sizes = [1], strides = [1]} : vector<16xi32> to vector<1xi32>
      %squeeze3A_486 = vector.extract %slice3A_485[0] : i32 from vector<1xi32>
      %add3A_487 = arith.addi %add3A_484, %squeeze3A_486 : i32
      %slice3A_488 = vector.extract_strided_slice %scan3A_416#1 {offsets = [8], sizes = [1], strides = [1]} : vector<16xi32> to vector<1xi32>
      %squeeze3A_489 = vector.extract %slice3A_488[0] : i32 from vector<1xi32>
      %add3A_490 = arith.addi %add3A_487, %squeeze3A_489 : i32
      %slice3A_491 = vector.extract_strided_slice %scan3A_416#1 {offsets = [9], sizes = [1], strides = [1]} : vector<16xi32> to vector<1xi32>
      %squeeze3A_492 = vector.extract %slice3A_491[0] : i32 from vector<1xi32>
      %add3A_493 = arith.addi %add3A_490, %squeeze3A_492 : i32
      %slice3A_494 = vector.extract_strided_slice %scan3A_416#1 {offsets = [10], sizes = [1], strides = [1]} : vector<16xi32> to vector<1xi32>
      %squeeze3A_495 = vector.extract %slice3A_494[0] : i32 from vector<1xi32>
      %add3A_496 = arith.addi %add3A_493, %squeeze3A_495 : i32
      %slice3A_497 = vector.extract_strided_slice %scan3A_416#1 {offsets = [11], sizes = [1], strides = [1]} : vector<16xi32> to vector<1xi32>
      %squeeze3A_498 = vector.extract %slice3A_497[0] : i32 from vector<1xi32>
      %add3A_499 = arith.addi %add3A_496, %squeeze3A_498 : i32
      %slice3A_500 = vector.extract_strided_slice %scan3A_416#1 {offsets = [12], sizes = [1], strides = [1]} : vector<16xi32> to vector<1xi32>
      %squeeze3A_501 = vector.extract %slice3A_500[0] : i32 from vector<1xi32>
      %add3A_502 = arith.addi %add3A_499, %squeeze3A_501 : i32
      %slice3A_503 = vector.extract_strided_slice %scan3A_416#1 {offsets = [13], sizes = [1], strides = [1]} : vector<16xi32> to vector<1xi32>
      %squeeze3A_504 = vector.extract %slice3A_503[0] : i32 from vector<1xi32>
      %add3A_505 = arith.addi %add3A_502, %squeeze3A_504 : i32
      %slice3A_506 = vector.extract_strided_slice %scan3A_416#1 {offsets = [14], sizes = [1], strides = [1]} : vector<16xi32> to vector<1xi32>
      %squeeze3A_507 = vector.extract %slice3A_506[0] : i32 from vector<1xi32>
      %add3A_508 = arith.addi %add3A_505, %squeeze3A_507 : i32
      %slice3A_509 = vector.extract_strided_slice %scan3A_416#1 {offsets = [15], sizes = [1], strides = [1]} : vector<16xi32> to vector<1xi32>
      %squeeze3A_510 = vector.extract %slice3A_509[0] : i32 from vector<1xi32>
      %add3A_511 = arith.addi %add3A_508, %squeeze3A_510 : i32
      %convert_element_type3A_512 = arith.sitofp %add3A_511 : i32 to f32
      %sub3A = arith.subf %mul3A_60, %convert_element_type3A_512 : f32
      %mul3A_513 = arith.mulf %sub3A, %scan3A_405#0 : f32
      %add3A_514 = arith.addf %add3A_464, %mul3A_513 : f32
      scf.yield %add3A_514 : f32
    }
    %add3A_65 = arith.constant 0.000000e+00 : f32
    %add3A_66 = arith.addf %add3A_65, %squeeze3A_58 : f32
    %add3A_67 = arith.addf %add3A_66, %cond3A_64 : f32
    %add3A_68 = arith.constant 0.000000e+00 : f32
    %add3A_69 = arith.addf %add3A_68, %squeeze3A_56 : f32
    %slice3A_70 = vector.extract_strided_slice %get3A_54 {offsets = [2], sizes = [1], strides = [1]} : vector<16xf32> to vector<1xf32>
    %squeeze3A_71 = vector.extract %slice3A_70[0] : f32 from vector<1xf32>
    %add3A_72 = arith.constant 0.000000e+00 : f32
    %add3A_73 = arith.addf %add3A_72, %squeeze3A_71 : f32
    %mul3A_74 = arith.constant 4 : i32
    %mul3A_75 = arith.muli %arg1, %mul3A_74 : i32
    %add3A_76 = arith.constant 1 : i32
    %add3A_77 = arith.addi %mul3A_75, %add3A_76 : i32
    "tpu.region"() ({
      %run_scoped3A = tpu.sem_alloc : memref<!tpu.dma_semaphore, #tpu.memory_space<semaphore_mem>>
      %dma_start3A = arith.constant 0 : i32
      %dma_start3A_341 = tpu.memref_slice %arg2[%add3A_77, %dma_start3A] : memref<64x8736xf32, #tpu.memory_space<hbm>> -> memref<1x8736xf32, #tpu.memory_space<hbm>>
      %dma_start3A_342 = tpu.memref_squeeze %dma_start3A_341 : memref<1x8736xf32, #tpu.memory_space<hbm>> -> memref<8736xf32, #tpu.memory_space<hbm>>
      %dma_start3A_343 = arith.constant 0 : i32
      %dma_start3A_344 = tpu.memref_slice %arg2[%add3A_77, %dma_start3A_343] : memref<64x8736xf32, #tpu.memory_space<hbm>> -> memref<1x8736xf32, #tpu.memory_space<hbm>>
      %dma_start3A_345 = tpu.memref_squeeze %dma_start3A_344 : memref<1x8736xf32, #tpu.memory_space<hbm>> -> memref<8736xf32, #tpu.memory_space<hbm>>
      tpu.enqueue_dma source(%dma_start3A_345 : memref<8736xf32, #tpu.memory_space<hbm>>) target(%arg5 : memref<8736xf32, #tpu.memory_space<vmem>>) target_semaphore(%run_scoped3A : memref<!tpu.dma_semaphore, #tpu.memory_space<semaphore_mem>>)
      %dma_wait3A = arith.constant 0 : i32
      %dma_wait3A_346 = tpu.memref_slice %arg2[%add3A_77, %dma_wait3A] : memref<64x8736xf32, #tpu.memory_space<hbm>> -> memref<1x8736xf32, #tpu.memory_space<hbm>>
      %dma_wait3A_347 = tpu.memref_squeeze %dma_wait3A_346 : memref<1x8736xf32, #tpu.memory_space<hbm>> -> memref<8736xf32, #tpu.memory_space<hbm>>
      %dma_wait3A_348 = arith.constant 0 : i32
      %dma_wait3A_349 = tpu.memref_slice %arg2[%add3A_77, %dma_wait3A_348] : memref<64x8736xf32, #tpu.memory_space<hbm>> -> memref<1x8736xf32, #tpu.memory_space<hbm>>
      %dma_wait3A_350 = tpu.memref_squeeze %dma_wait3A_349 : memref<1x8736xf32, #tpu.memory_space<hbm>> -> memref<8736xf32, #tpu.memory_space<hbm>>
      tpu.wait_dma2 semaphore(%run_scoped3A : memref<!tpu.dma_semaphore, #tpu.memory_space<semaphore_mem>>) src(%dma_wait3A_350 : memref<8736xf32, #tpu.memory_space<hbm>>) dst(%arg5 : memref<8736xf32, #tpu.memory_space<vmem>>)
      tpu.yield
    }) : () -> ()
    "tpu.region"() ({
      %run_scoped3A = tpu.sem_alloc : memref<!tpu.dma_semaphore, #tpu.memory_space<semaphore_mem>>
      %dma_start3A = arith.constant 0 : i32
      %dma_start3A_341 = tpu.memref_slice %arg3[%add3A_77, %dma_start3A] : memref<64x128xf32, #tpu.memory_space<hbm>> -> memref<1x128xf32, #tpu.memory_space<hbm>>
      %dma_start3A_342 = tpu.memref_squeeze %dma_start3A_341 : memref<1x128xf32, #tpu.memory_space<hbm>> -> memref<128xf32, #tpu.memory_space<hbm>>
      %dma_start3A_343 = arith.constant 0 : i32
      %dma_start3A_344 = tpu.memref_slice %arg3[%add3A_77, %dma_start3A_343] : memref<64x128xf32, #tpu.memory_space<hbm>> -> memref<1x128xf32, #tpu.memory_space<hbm>>
      %dma_start3A_345 = tpu.memref_squeeze %dma_start3A_344 : memref<1x128xf32, #tpu.memory_space<hbm>> -> memref<128xf32, #tpu.memory_space<hbm>>
      tpu.enqueue_dma source(%dma_start3A_345 : memref<128xf32, #tpu.memory_space<hbm>>) target(%arg6 : memref<128xf32, #tpu.memory_space<vmem>>) target_semaphore(%run_scoped3A : memref<!tpu.dma_semaphore, #tpu.memory_space<semaphore_mem>>)
      %dma_wait3A = arith.constant 0 : i32
      %dma_wait3A_346 = tpu.memref_slice %arg3[%add3A_77, %dma_wait3A] : memref<64x128xf32, #tpu.memory_space<hbm>> -> memref<1x128xf32, #tpu.memory_space<hbm>>
      %dma_wait3A_347 = tpu.memref_squeeze %dma_wait3A_346 : memref<1x128xf32, #tpu.memory_space<hbm>> -> memref<128xf32, #tpu.memory_space<hbm>>
      %dma_wait3A_348 = arith.constant 0 : i32
      %dma_wait3A_349 = tpu.memref_slice %arg3[%add3A_77, %dma_wait3A_348] : memref<64x128xf32, #tpu.memory_space<hbm>> -> memref<1x128xf32, #tpu.memory_space<hbm>>
      %dma_wait3A_350 = tpu.memref_squeeze %dma_wait3A_349 : memref<1x128xf32, #tpu.memory_space<hbm>> -> memref<128xf32, #tpu.memory_space<hbm>>
      tpu.wait_dma2 semaphore(%run_scoped3A : memref<!tpu.dma_semaphore, #tpu.memory_space<semaphore_mem>>) src(%dma_wait3A_350 : memref<128xf32, #tpu.memory_space<hbm>>) dst(%arg6 : memref<128xf32, #tpu.memory_space<vmem>>)
      tpu.yield
    }) : () -> ()
    %broadcast_in_dim3A_78 = arith.constant 0.000000e+00 : f32
    %broadcast_in_dim3A_79 = vector.broadcast %broadcast_in_dim3A_78 : f32 to vector<16xf32>
    %scan3A_80 = arith.constant 0 : i32
    %scan3A_81 = arith.constant 546 : i32
    %scan3A_82 = arith.addi %scan3A_80, %scan3A_81 : i32
    %scan3A_83 = arith.constant 1 : i32
    %scan3A_84 = scf.for %scan3A_341 = %scan3A_80 to %scan3A_82 step %scan3A_83 iter_args(%scan3A_342 = %broadcast_in_dim3A_79) -> (vector<16xf32>)  : i32 {
      %mul3A_343 = arith.constant 16 : i32
      %mul3A_344 = arith.muli %scan3A_341, %mul3A_343 : i32
      %get3A_345 = arith.index_cast %mul3A_344 : i32 to index
      %get3A_346 = tpu.vector_load %arg5[%get3A_345] {strides = array<i32>} : memref<8736xf32, #tpu.memory_space<vmem>>, vector<16xf32>,
      %get3A_347 = vector.shape_cast %get3A_346 : vector<16xf32> to vector<16xf32>
      %add3A_348 = arith.addf %scan3A_342, %get3A_347 : vector<16xf32>
      scf.yield %add3A_348 : vector<16xf32>
    }
    %scan3A_85 = arith.constant 546 : i32
    %slice3A_86 = vector.extract_strided_slice %scan3A_84 {offsets = [0], sizes = [1], strides = [1]} : vector<16xf32> to vector<1xf32>
    %squeeze3A_87 = vector.extract %slice3A_86[0] : f32 from vector<1xf32>
    %slice3A_88 = vector.extract_strided_slice %scan3A_84 {offsets = [1], sizes = [1], strides = [1]} : vector<16xf32> to vector<1xf32>
    %squeeze3A_89 = vector.extract %slice3A_88[0] : f32 from vector<1xf32>
    %add3A_90 = arith.addf %squeeze3A_87, %squeeze3A_89 : f32
    %slice3A_91 = vector.extract_strided_slice %scan3A_84 {offsets = [2], sizes = [1], strides = [1]} : vector<16xf32> to vector<1xf32>
    %squeeze3A_92 = vector.extract %slice3A_91[0] : f32 from vector<1xf32>
    %add3A_93 = arith.addf %add3A_90, %squeeze3A_92 : f32
    %slice3A_94 = vector.extract_strided_slice %scan3A_84 {offsets = [3], sizes = [1], strides = [1]} : vector<16xf32> to vector<1xf32>
    %squeeze3A_95 = vector.extract %slice3A_94[0] : f32 from vector<1xf32>
    %add3A_96 = arith.addf %add3A_93, %squeeze3A_95 : f32
    %slice3A_97 = vector.extract_strided_slice %scan3A_84 {offsets = [4], sizes = [1], strides = [1]} : vector<16xf32> to vector<1xf32>
    %squeeze3A_98 = vector.extract %slice3A_97[0] : f32 from vector<1xf32>
    %add3A_99 = arith.addf %add3A_96, %squeeze3A_98 : f32
    %slice3A_100 = vector.extract_strided_slice %scan3A_84 {offsets = [5], sizes = [1], strides = [1]} : vector<16xf32> to vector<1xf32>
    %squeeze3A_101 = vector.extract %slice3A_100[0] : f32 from vector<1xf32>
    %add3A_102 = arith.addf %add3A_99, %squeeze3A_101 : f32
    %slice3A_103 = vector.extract_strided_slice %scan3A_84 {offsets = [6], sizes = [1], strides = [1]} : vector<16xf32> to vector<1xf32>
    %squeeze3A_104 = vector.extract %slice3A_103[0] : f32 from vector<1xf32>
    %add3A_105 = arith.addf %add3A_102, %squeeze3A_104 : f32
    %slice3A_106 = vector.extract_strided_slice %scan3A_84 {offsets = [7], sizes = [1], strides = [1]} : vector<16xf32> to vector<1xf32>
    %squeeze3A_107 = vector.extract %slice3A_106[0] : f32 from vector<1xf32>
    %add3A_108 = arith.addf %add3A_105, %squeeze3A_107 : f32
    %slice3A_109 = vector.extract_strided_slice %scan3A_84 {offsets = [8], sizes = [1], strides = [1]} : vector<16xf32> to vector<1xf32>
    %squeeze3A_110 = vector.extract %slice3A_109[0] : f32 from vector<1xf32>
    %add3A_111 = arith.addf %add3A_108, %squeeze3A_110 : f32
    %slice3A_112 = vector.extract_strided_slice %scan3A_84 {offsets = [9], sizes = [1], strides = [1]} : vector<16xf32> to vector<1xf32>
    %squeeze3A_113 = vector.extract %slice3A_112[0] : f32 from vector<1xf32>
    %add3A_114 = arith.addf %add3A_111, %squeeze3A_113 : f32
    %slice3A_115 = vector.extract_strided_slice %scan3A_84 {offsets = [10], sizes = [1], strides = [1]} : vector<16xf32> to vector<1xf32>
    %squeeze3A_116 = vector.extract %slice3A_115[0] : f32 from vector<1xf32>
    %add3A_117 = arith.addf %add3A_114, %squeeze3A_116 : f32
    %slice3A_118 = vector.extract_strided_slice %scan3A_84 {offsets = [11], sizes = [1], strides = [1]} : vector<16xf32> to vector<1xf32>
    %squeeze3A_119 = vector.extract %slice3A_118[0] : f32 from vector<1xf32>
    %add3A_120 = arith.addf %add3A_117, %squeeze3A_119 : f32
    %slice3A_121 = vector.extract_strided_slice %scan3A_84 {offsets = [12], sizes = [1], strides = [1]} : vector<16xf32> to vector<1xf32>
    %squeeze3A_122 = vector.extract %slice3A_121[0] : f32 from vector<1xf32>
    %add3A_123 = arith.addf %add3A_120, %squeeze3A_122 : f32
    %slice3A_124 = vector.extract_strided_slice %scan3A_84 {offsets = [13], sizes = [1], strides = [1]} : vector<16xf32> to vector<1xf32>
    %squeeze3A_125 = vector.extract %slice3A_124[0] : f32 from vector<1xf32>
    %add3A_126 = arith.addf %add3A_123, %squeeze3A_125 : f32
    %slice3A_127 = vector.extract_strided_slice %scan3A_84 {offsets = [14], sizes = [1], strides = [1]} : vector<16xf32> to vector<1xf32>
    %squeeze3A_128 = vector.extract %slice3A_127[0] : f32 from vector<1xf32>
    %add3A_129 = arith.addf %add3A_126, %squeeze3A_128 : f32
    %slice3A_130 = vector.extract_strided_slice %scan3A_84 {offsets = [15], sizes = [1], strides = [1]} : vector<16xf32> to vector<1xf32>
    %squeeze3A_131 = vector.extract %slice3A_130[0] : f32 from vector<1xf32>
    %add3A_132 = arith.addf %add3A_129, %squeeze3A_131 : f32
    %get3A_133 = arith.constant 0 : index
    %get3A_134 = tpu.vector_load %arg6[%get3A_133] {strides = array<i32>} : memref<128xf32, #tpu.memory_space<vmem>>, vector<16xf32>,
    %get3A_135 = vector.shape_cast %get3A_134 : vector<16xf32> to vector<16xf32>
    %slice3A_136 = vector.extract_strided_slice %get3A_135 {offsets = [0], sizes = [1], strides = [1]} : vector<16xf32> to vector<1xf32>
    %squeeze3A_137 = vector.extract %slice3A_136[0] : f32 from vector<1xf32>
    %slice3A_138 = vector.extract_strided_slice %get3A_135 {offsets = [1], sizes = [1], strides = [1]} : vector<16xf32> to vector<1xf32>
    %squeeze3A_139 = vector.extract %slice3A_138[0] : f32 from vector<1xf32>
    %mul3A_140 = arith.constant 3.000000e+00 : f32
    %mul3A_141 = arith.mulf %mul3A_140, %squeeze3A_137 : f32
    %ge3A_142 = arith.constant 8.732000e+03 : f32
    %ge3A_143 = arith.cmpf oge, %mul3A_141, %ge3A_142 : f32
    %convert_element_type3A_144 = arith.extui %ge3A_143 : i1 to i32
    %cond3A_145 = arith.constant 0 : i32
    %cond3A_146 = arith.constant 0 : i32
    %cond3A_147 = arith.cmpi ne, %convert_element_type3A_144, %cond3A_146 : i32
    %cond3A_148 = scf.if %cond3A_147 -> (f32) {
      scf.yield %add3A_132 : f32
    } else {
      %convert_element_type3A_341 = arith.fptosi %squeeze3A_137 : f32 to i32
      %mul3A_342 = arith.constant 3 : i32
      %mul3A_343 = arith.muli %mul3A_342, %convert_element_type3A_341 : i32
      %broadcast_in_dim3A_344 = arith.constant 0.000000e+00 : f32
      %broadcast_in_dim3A_345 = vector.broadcast %broadcast_in_dim3A_344 : f32 to vector<16xf32>
      %scan3A_346 = arith.constant 0 : i32
      %scan3A_347 = arith.constant 546 : i32
      %scan3A_348 = arith.addi %scan3A_346, %scan3A_347 : i32
      %scan3A_349 = arith.constant 1 : i32
      %scan3A_350 = scf.for %scan3A_515 = %scan3A_346 to %scan3A_348 step %scan3A_349 iter_args(%scan3A_516 = %broadcast_in_dim3A_345) -> (vector<16xf32>)  : i32 {
        %mul3A_517 = arith.constant 16 : i32
        %mul3A_518 = arith.muli %scan3A_515, %mul3A_517 : i32
        %get3A_519 = arith.index_cast %mul3A_518 : i32 to index
        %get3A_520 = tpu.vector_load %arg5[%get3A_519] {strides = array<i32>} : memref<8736xf32, #tpu.memory_space<vmem>>, vector<16xf32>,
        %get3A_521 = vector.shape_cast %get3A_520 : vector<16xf32> to vector<16xf32>
        %max3A_522 = arith.maximumf %scan3A_516, %get3A_521 : vector<16xf32>
        scf.yield %max3A_522 : vector<16xf32>
      }
      %scan3A_351 = arith.constant 546 : i32
      %slice3A_352 = vector.extract_strided_slice %scan3A_350 {offsets = [0], sizes = [1], strides = [1]} : vector<16xf32> to vector<1xf32>
      %squeeze3A_353 = vector.extract %slice3A_352[0] : f32 from vector<1xf32>
      %slice3A_354 = vector.extract_strided_slice %scan3A_350 {offsets = [1], sizes = [1], strides = [1]} : vector<16xf32> to vector<1xf32>
      %squeeze3A_355 = vector.extract %slice3A_354[0] : f32 from vector<1xf32>
      %max3A = arith.maximumf %squeeze3A_353, %squeeze3A_355 : f32
      %slice3A_356 = vector.extract_strided_slice %scan3A_350 {offsets = [2], sizes = [1], strides = [1]} : vector<16xf32> to vector<1xf32>
      %squeeze3A_357 = vector.extract %slice3A_356[0] : f32 from vector<1xf32>
      %max3A_358 = arith.maximumf %max3A, %squeeze3A_357 : f32
      %slice3A_359 = vector.extract_strided_slice %scan3A_350 {offsets = [3], sizes = [1], strides = [1]} : vector<16xf32> to vector<1xf32>
      %squeeze3A_360 = vector.extract %slice3A_359[0] : f32 from vector<1xf32>
      %max3A_361 = arith.maximumf %max3A_358, %squeeze3A_360 : f32
      %slice3A_362 = vector.extract_strided_slice %scan3A_350 {offsets = [4], sizes = [1], strides = [1]} : vector<16xf32> to vector<1xf32>
      %squeeze3A_363 = vector.extract %slice3A_362[0] : f32 from vector<1xf32>
      %max3A_364 = arith.maximumf %max3A_361, %squeeze3A_363 : f32
      %slice3A_365 = vector.extract_strided_slice %scan3A_350 {offsets = [5], sizes = [1], strides = [1]} : vector<16xf32> to vector<1xf32>
      %squeeze3A_366 = vector.extract %slice3A_365[0] : f32 from vector<1xf32>
      %max3A_367 = arith.maximumf %max3A_364, %squeeze3A_366 : f32
      %slice3A_368 = vector.extract_strided_slice %scan3A_350 {offsets = [6], sizes = [1], strides = [1]} : vector<16xf32> to vector<1xf32>
      %squeeze3A_369 = vector.extract %slice3A_368[0] : f32 from vector<1xf32>
      %max3A_370 = arith.maximumf %max3A_367, %squeeze3A_369 : f32
      %slice3A_371 = vector.extract_strided_slice %scan3A_350 {offsets = [7], sizes = [1], strides = [1]} : vector<16xf32> to vector<1xf32>
      %squeeze3A_372 = vector.extract %slice3A_371[0] : f32 from vector<1xf32>
      %max3A_373 = arith.maximumf %max3A_370, %squeeze3A_372 : f32
      %slice3A_374 = vector.extract_strided_slice %scan3A_350 {offsets = [8], sizes = [1], strides = [1]} : vector<16xf32> to vector<1xf32>
      %squeeze3A_375 = vector.extract %slice3A_374[0] : f32 from vector<1xf32>
      %max3A_376 = arith.maximumf %max3A_373, %squeeze3A_375 : f32
      %slice3A_377 = vector.extract_strided_slice %scan3A_350 {offsets = [9], sizes = [1], strides = [1]} : vector<16xf32> to vector<1xf32>
      %squeeze3A_378 = vector.extract %slice3A_377[0] : f32 from vector<1xf32>
      %max3A_379 = arith.maximumf %max3A_376, %squeeze3A_378 : f32
      %slice3A_380 = vector.extract_strided_slice %scan3A_350 {offsets = [10], sizes = [1], strides = [1]} : vector<16xf32> to vector<1xf32>
      %squeeze3A_381 = vector.extract %slice3A_380[0] : f32 from vector<1xf32>
      %max3A_382 = arith.maximumf %max3A_379, %squeeze3A_381 : f32
      %slice3A_383 = vector.extract_strided_slice %scan3A_350 {offsets = [11], sizes = [1], strides = [1]} : vector<16xf32> to vector<1xf32>
      %squeeze3A_384 = vector.extract %slice3A_383[0] : f32 from vector<1xf32>
      %max3A_385 = arith.maximumf %max3A_382, %squeeze3A_384 : f32
      %slice3A_386 = vector.extract_strided_slice %scan3A_350 {offsets = [12], sizes = [1], strides = [1]} : vector<16xf32> to vector<1xf32>
      %squeeze3A_387 = vector.extract %slice3A_386[0] : f32 from vector<1xf32>
      %max3A_388 = arith.maximumf %max3A_385, %squeeze3A_387 : f32
      %slice3A_389 = vector.extract_strided_slice %scan3A_350 {offsets = [13], sizes = [1], strides = [1]} : vector<16xf32> to vector<1xf32>
      %squeeze3A_390 = vector.extract %slice3A_389[0] : f32 from vector<1xf32>
      %max3A_391 = arith.maximumf %max3A_388, %squeeze3A_390 : f32
      %slice3A_392 = vector.extract_strided_slice %scan3A_350 {offsets = [14], sizes = [1], strides = [1]} : vector<16xf32> to vector<1xf32>
      %squeeze3A_393 = vector.extract %slice3A_392[0] : f32 from vector<1xf32>
      %max3A_394 = arith.maximumf %max3A_391, %squeeze3A_393 : f32
      %slice3A_395 = vector.extract_strided_slice %scan3A_350 {offsets = [15], sizes = [1], strides = [1]} : vector<16xf32> to vector<1xf32>
      %squeeze3A_396 = vector.extract %slice3A_395[0] : f32 from vector<1xf32>
      %max3A_397 = arith.maximumf %max3A_394, %squeeze3A_396 : f32
      %add3A_398 = arith.constant 1.000000e+00 : f32
      %add3A_399 = arith.addf %max3A_397, %add3A_398 : f32
      %scan3A_400 = arith.constant 0.000000e+00 : f32
      %scan3A_401 = arith.constant 0 : i32
      %scan3A_402 = arith.constant 40 : i32
      %scan3A_403 = arith.addi %scan3A_401, %scan3A_402 : i32
      %scan3A_404 = arith.constant 1 : i32
      %scan3A_405:2 = scf.for %scan3A_515 = %scan3A_401 to %scan3A_403 step %scan3A_404 iter_args(%scan3A_516 = %scan3A_400, %scan3A_517 = %add3A_399) -> (f32, f32)  : i32 {
        %add3A_518 = arith.addf %scan3A_516, %scan3A_517 : f32
        %mul3A_519 = arith.constant 5.000000e-01 : f32
        %mul3A_520 = arith.mulf %mul3A_519, %add3A_518 : f32
        %broadcast_in_dim3A_521 = vector.broadcast %mul3A_520 : f32 to vector<16xf32>
        %broadcast_in_dim3A_522 = arith.constant 0 : i32
        %broadcast_in_dim3A_523 = vector.broadcast %broadcast_in_dim3A_522 : i32 to vector<16xi32>
        %scan3A_524 = arith.constant 0 : i32
        %scan3A_525 = arith.constant 546 : i32
        %scan3A_526 = arith.addi %scan3A_524, %scan3A_525 : i32
        %scan3A_527 = arith.constant 1 : i32
        %scan3A_528 = scf.for %scan3A_580 = %scan3A_524 to %scan3A_526 step %scan3A_527 iter_args(%scan3A_581 = %broadcast_in_dim3A_523) -> (vector<16xi32>)  : i32 {
          %mul3A_582 = arith.constant 16 : i32
          %mul3A_583 = arith.muli %scan3A_580, %mul3A_582 : i32
          %get3A_584 = arith.index_cast %mul3A_583 : i32 to index
          %get3A_585 = tpu.vector_load %arg5[%get3A_584] {strides = array<i32>} : memref<8736xf32, #tpu.memory_space<vmem>>, vector<16xf32>,
          %get3A_586 = vector.shape_cast %get3A_585 : vector<16xf32> to vector<16xf32>
          %ge3A_587 = arith.cmpf oge, %get3A_586, %broadcast_in_dim3A_521 : vector<16xf32>
          %jit3A_588 = arith.constant 1 : i32
          %jit3A_589 = arith.constant 0 : i32
          %broadcast_in_dim3A_590 = vector.broadcast %jit3A_588 : i32 to vector<16xi32>
          %broadcast_in_dim3A_591 = vector.broadcast %jit3A_589 : i32 to vector<16xi32>
          %select_n3A_592 = arith.select %ge3A_587, %broadcast_in_dim3A_590, %broadcast_in_dim3A_591 : vector<16xi1>, vector<16xi32>
          %add3A_593 = arith.addi %scan3A_581, %select_n3A_592 : vector<16xi32>
          scf.yield %add3A_593 : vector<16xi32>
        }
        %scan3A_529 = arith.constant 546 : i32
        %slice3A_530 = vector.extract_strided_slice %scan3A_528 {offsets = [0], sizes = [1], strides = [1]} : vector<16xi32> to vector<1xi32>
        %squeeze3A_531 = vector.extract %slice3A_530[0] : i32 from vector<1xi32>
        %slice3A_532 = vector.extract_strided_slice %scan3A_528 {offsets = [1], sizes = [1], strides = [1]} : vector<16xi32> to vector<1xi32>
        %squeeze3A_533 = vector.extract %slice3A_532[0] : i32 from vector<1xi32>
        %add3A_534 = arith.addi %squeeze3A_531, %squeeze3A_533 : i32
        %slice3A_535 = vector.extract_strided_slice %scan3A_528 {offsets = [2], sizes = [1], strides = [1]} : vector<16xi32> to vector<1xi32>
        %squeeze3A_536 = vector.extract %slice3A_535[0] : i32 from vector<1xi32>
        %add3A_537 = arith.addi %add3A_534, %squeeze3A_536 : i32
        %slice3A_538 = vector.extract_strided_slice %scan3A_528 {offsets = [3], sizes = [1], strides = [1]} : vector<16xi32> to vector<1xi32>
        %squeeze3A_539 = vector.extract %slice3A_538[0] : i32 from vector<1xi32>
        %add3A_540 = arith.addi %add3A_537, %squeeze3A_539 : i32
        %slice3A_541 = vector.extract_strided_slice %scan3A_528 {offsets = [4], sizes = [1], strides = [1]} : vector<16xi32> to vector<1xi32>
        %squeeze3A_542 = vector.extract %slice3A_541[0] : i32 from vector<1xi32>
        %add3A_543 = arith.addi %add3A_540, %squeeze3A_542 : i32
        %slice3A_544 = vector.extract_strided_slice %scan3A_528 {offsets = [5], sizes = [1], strides = [1]} : vector<16xi32> to vector<1xi32>
        %squeeze3A_545 = vector.extract %slice3A_544[0] : i32 from vector<1xi32>
        %add3A_546 = arith.addi %add3A_543, %squeeze3A_545 : i32
        %slice3A_547 = vector.extract_strided_slice %scan3A_528 {offsets = [6], sizes = [1], strides = [1]} : vector<16xi32> to vector<1xi32>
        %squeeze3A_548 = vector.extract %slice3A_547[0] : i32 from vector<1xi32>
        %add3A_549 = arith.addi %add3A_546, %squeeze3A_548 : i32
        %slice3A_550 = vector.extract_strided_slice %scan3A_528 {offsets = [7], sizes = [1], strides = [1]} : vector<16xi32> to vector<1xi32>
        %squeeze3A_551 = vector.extract %slice3A_550[0] : i32 from vector<1xi32>
        %add3A_552 = arith.addi %add3A_549, %squeeze3A_551 : i32
        %slice3A_553 = vector.extract_strided_slice %scan3A_528 {offsets = [8], sizes = [1], strides = [1]} : vector<16xi32> to vector<1xi32>
        %squeeze3A_554 = vector.extract %slice3A_553[0] : i32 from vector<1xi32>
        %add3A_555 = arith.addi %add3A_552, %squeeze3A_554 : i32
        %slice3A_556 = vector.extract_strided_slice %scan3A_528 {offsets = [9], sizes = [1], strides = [1]} : vector<16xi32> to vector<1xi32>
        %squeeze3A_557 = vector.extract %slice3A_556[0] : i32 from vector<1xi32>
        %add3A_558 = arith.addi %add3A_555, %squeeze3A_557 : i32
        %slice3A_559 = vector.extract_strided_slice %scan3A_528 {offsets = [10], sizes = [1], strides = [1]} : vector<16xi32> to vector<1xi32>
        %squeeze3A_560 = vector.extract %slice3A_559[0] : i32 from vector<1xi32>
        %add3A_561 = arith.addi %add3A_558, %squeeze3A_560 : i32
        %slice3A_562 = vector.extract_strided_slice %scan3A_528 {offsets = [11], sizes = [1], strides = [1]} : vector<16xi32> to vector<1xi32>
        %squeeze3A_563 = vector.extract %slice3A_562[0] : i32 from vector<1xi32>
        %add3A_564 = arith.addi %add3A_561, %squeeze3A_563 : i32
        %slice3A_565 = vector.extract_strided_slice %scan3A_528 {offsets = [12], sizes = [1], strides = [1]} : vector<16xi32> to vector<1xi32>
        %squeeze3A_566 = vector.extract %slice3A_565[0] : i32 from vector<1xi32>
        %add3A_567 = arith.addi %add3A_564, %squeeze3A_566 : i32
        %slice3A_568 = vector.extract_strided_slice %scan3A_528 {offsets = [13], sizes = [1], strides = [1]} : vector<16xi32> to vector<1xi32>
        %squeeze3A_569 = vector.extract %slice3A_568[0] : i32 from vector<1xi32>
        %add3A_570 = arith.addi %add3A_567, %squeeze3A_569 : i32
        %slice3A_571 = vector.extract_strided_slice %scan3A_528 {offsets = [14], sizes = [1], strides = [1]} : vector<16xi32> to vector<1xi32>
        %squeeze3A_572 = vector.extract %slice3A_571[0] : i32 from vector<1xi32>
        %add3A_573 = arith.addi %add3A_570, %squeeze3A_572 : i32
        %slice3A_574 = vector.extract_strided_slice %scan3A_528 {offsets = [15], sizes = [1], strides = [1]} : vector<16xi32> to vector<1xi32>
        %squeeze3A_575 = vector.extract %slice3A_574[0] : i32 from vector<1xi32>
        %add3A_576 = arith.addi %add3A_573, %squeeze3A_575 : i32
        %ge3A_577 = arith.cmpi sge, %add3A_576, %mul3A_343 : i32
        %select_n3A_578 = arith.select %ge3A_577, %mul3A_520, %scan3A_516 : f32
        %select_n3A_579 = arith.select %ge3A_577, %scan3A_517, %mul3A_520 : f32
        scf.yield %select_n3A_578, %select_n3A_579 : f32, f32
      }
      %scan3A_406 = arith.constant 40 : i32
      %broadcast_in_dim3A_407 = vector.broadcast %scan3A_405#0 : f32 to vector<16xf32>
      %broadcast_in_dim3A_408 = arith.constant 0.000000e+00 : f32
      %broadcast_in_dim3A_409 = vector.broadcast %broadcast_in_dim3A_408 : f32 to vector<16xf32>
      %broadcast_in_dim3A_410 = arith.constant 0 : i32
      %broadcast_in_dim3A_411 = vector.broadcast %broadcast_in_dim3A_410 : i32 to vector<16xi32>
      %scan3A_412 = arith.constant 0 : i32
      %scan3A_413 = arith.constant 546 : i32
      %scan3A_414 = arith.addi %scan3A_412, %scan3A_413 : i32
      %scan3A_415 = arith.constant 1 : i32
      %scan3A_416:2 = scf.for %scan3A_515 = %scan3A_412 to %scan3A_414 step %scan3A_415 iter_args(%scan3A_516 = %broadcast_in_dim3A_409, %scan3A_517 = %broadcast_in_dim3A_411) -> (vector<16xf32>, vector<16xi32>)  : i32 {
        %mul3A_518 = arith.constant 16 : i32
        %mul3A_519 = arith.muli %scan3A_515, %mul3A_518 : i32
        %get3A_520 = arith.index_cast %mul3A_519 : i32 to index
        %get3A_521 = tpu.vector_load %arg5[%get3A_520] {strides = array<i32>} : memref<8736xf32, #tpu.memory_space<vmem>>, vector<16xf32>,
        %get3A_522 = vector.shape_cast %get3A_521 : vector<16xf32> to vector<16xf32>
        %gt3A = arith.cmpf ogt, %get3A_522, %broadcast_in_dim3A_407 : vector<16xf32>
        %jit3A_523 = arith.constant 0.000000e+00 : f32
        %broadcast_in_dim3A_524 = vector.broadcast %jit3A_523 : f32 to vector<16xf32>
        %select_n3A_525 = arith.select %gt3A, %get3A_522, %broadcast_in_dim3A_524 : vector<16xi1>, vector<16xf32>
        %add3A_526 = arith.addf %scan3A_516, %select_n3A_525 : vector<16xf32>
        %jit3A_527 = arith.constant 1 : i32
        %jit3A_528 = arith.constant 0 : i32
        %broadcast_in_dim3A_529 = vector.broadcast %jit3A_527 : i32 to vector<16xi32>
        %broadcast_in_dim3A_530 = vector.broadcast %jit3A_528 : i32 to vector<16xi32>
        %select_n3A_531 = arith.select %gt3A, %broadcast_in_dim3A_529, %broadcast_in_dim3A_530 : vector<16xi1>, vector<16xi32>
        %add3A_532 = arith.addi %scan3A_517, %select_n3A_531 : vector<16xi32>
        scf.yield %add3A_526, %add3A_532 : vector<16xf32>, vector<16xi32>
      }
      %scan3A_417 = arith.constant 546 : i32
      %slice3A_418 = vector.extract_strided_slice %scan3A_416#0 {offsets = [0], sizes = [1], strides = [1]} : vector<16xf32> to vector<1xf32>
      %squeeze3A_419 = vector.extract %slice3A_418[0] : f32 from vector<1xf32>
      %slice3A_420 = vector.extract_strided_slice %scan3A_416#0 {offsets = [1], sizes = [1], strides = [1]} : vector<16xf32> to vector<1xf32>
      %squeeze3A_421 = vector.extract %slice3A_420[0] : f32 from vector<1xf32>
      %add3A_422 = arith.addf %squeeze3A_419, %squeeze3A_421 : f32
      %slice3A_423 = vector.extract_strided_slice %scan3A_416#0 {offsets = [2], sizes = [1], strides = [1]} : vector<16xf32> to vector<1xf32>
      %squeeze3A_424 = vector.extract %slice3A_423[0] : f32 from vector<1xf32>
      %add3A_425 = arith.addf %add3A_422, %squeeze3A_424 : f32
      %slice3A_426 = vector.extract_strided_slice %scan3A_416#0 {offsets = [3], sizes = [1], strides = [1]} : vector<16xf32> to vector<1xf32>
      %squeeze3A_427 = vector.extract %slice3A_426[0] : f32 from vector<1xf32>
      %add3A_428 = arith.addf %add3A_425, %squeeze3A_427 : f32
      %slice3A_429 = vector.extract_strided_slice %scan3A_416#0 {offsets = [4], sizes = [1], strides = [1]} : vector<16xf32> to vector<1xf32>
      %squeeze3A_430 = vector.extract %slice3A_429[0] : f32 from vector<1xf32>
      %add3A_431 = arith.addf %add3A_428, %squeeze3A_430 : f32
      %slice3A_432 = vector.extract_strided_slice %scan3A_416#0 {offsets = [5], sizes = [1], strides = [1]} : vector<16xf32> to vector<1xf32>
      %squeeze3A_433 = vector.extract %slice3A_432[0] : f32 from vector<1xf32>
      %add3A_434 = arith.addf %add3A_431, %squeeze3A_433 : f32
      %slice3A_435 = vector.extract_strided_slice %scan3A_416#0 {offsets = [6], sizes = [1], strides = [1]} : vector<16xf32> to vector<1xf32>
      %squeeze3A_436 = vector.extract %slice3A_435[0] : f32 from vector<1xf32>
      %add3A_437 = arith.addf %add3A_434, %squeeze3A_436 : f32
      %slice3A_438 = vector.extract_strided_slice %scan3A_416#0 {offsets = [7], sizes = [1], strides = [1]} : vector<16xf32> to vector<1xf32>
      %squeeze3A_439 = vector.extract %slice3A_438[0] : f32 from vector<1xf32>
      %add3A_440 = arith.addf %add3A_437, %squeeze3A_439 : f32
      %slice3A_441 = vector.extract_strided_slice %scan3A_416#0 {offsets = [8], sizes = [1], strides = [1]} : vector<16xf32> to vector<1xf32>
      %squeeze3A_442 = vector.extract %slice3A_441[0] : f32 from vector<1xf32>
      %add3A_443 = arith.addf %add3A_440, %squeeze3A_442 : f32
      %slice3A_444 = vector.extract_strided_slice %scan3A_416#0 {offsets = [9], sizes = [1], strides = [1]} : vector<16xf32> to vector<1xf32>
      %squeeze3A_445 = vector.extract %slice3A_444[0] : f32 from vector<1xf32>
      %add3A_446 = arith.addf %add3A_443, %squeeze3A_445 : f32
      %slice3A_447 = vector.extract_strided_slice %scan3A_416#0 {offsets = [10], sizes = [1], strides = [1]} : vector<16xf32> to vector<1xf32>
      %squeeze3A_448 = vector.extract %slice3A_447[0] : f32 from vector<1xf32>
      %add3A_449 = arith.addf %add3A_446, %squeeze3A_448 : f32
      %slice3A_450 = vector.extract_strided_slice %scan3A_416#0 {offsets = [11], sizes = [1], strides = [1]} : vector<16xf32> to vector<1xf32>
      %squeeze3A_451 = vector.extract %slice3A_450[0] : f32 from vector<1xf32>
      %add3A_452 = arith.addf %add3A_449, %squeeze3A_451 : f32
      %slice3A_453 = vector.extract_strided_slice %scan3A_416#0 {offsets = [12], sizes = [1], strides = [1]} : vector<16xf32> to vector<1xf32>
      %squeeze3A_454 = vector.extract %slice3A_453[0] : f32 from vector<1xf32>
      %add3A_455 = arith.addf %add3A_452, %squeeze3A_454 : f32
      %slice3A_456 = vector.extract_strided_slice %scan3A_416#0 {offsets = [13], sizes = [1], strides = [1]} : vector<16xf32> to vector<1xf32>
      %squeeze3A_457 = vector.extract %slice3A_456[0] : f32 from vector<1xf32>
      %add3A_458 = arith.addf %add3A_455, %squeeze3A_457 : f32
      %slice3A_459 = vector.extract_strided_slice %scan3A_416#0 {offsets = [14], sizes = [1], strides = [1]} : vector<16xf32> to vector<1xf32>
      %squeeze3A_460 = vector.extract %slice3A_459[0] : f32 from vector<1xf32>
      %add3A_461 = arith.addf %add3A_458, %squeeze3A_460 : f32
      %slice3A_462 = vector.extract_strided_slice %scan3A_416#0 {offsets = [15], sizes = [1], strides = [1]} : vector<16xf32> to vector<1xf32>
      %squeeze3A_463 = vector.extract %slice3A_462[0] : f32 from vector<1xf32>
      %add3A_464 = arith.addf %add3A_461, %squeeze3A_463 : f32
      %slice3A_465 = vector.extract_strided_slice %scan3A_416#1 {offsets = [0], sizes = [1], strides = [1]} : vector<16xi32> to vector<1xi32>
      %squeeze3A_466 = vector.extract %slice3A_465[0] : i32 from vector<1xi32>
      %slice3A_467 = vector.extract_strided_slice %scan3A_416#1 {offsets = [1], sizes = [1], strides = [1]} : vector<16xi32> to vector<1xi32>
      %squeeze3A_468 = vector.extract %slice3A_467[0] : i32 from vector<1xi32>
      %add3A_469 = arith.addi %squeeze3A_466, %squeeze3A_468 : i32
      %slice3A_470 = vector.extract_strided_slice %scan3A_416#1 {offsets = [2], sizes = [1], strides = [1]} : vector<16xi32> to vector<1xi32>
      %squeeze3A_471 = vector.extract %slice3A_470[0] : i32 from vector<1xi32>
      %add3A_472 = arith.addi %add3A_469, %squeeze3A_471 : i32
      %slice3A_473 = vector.extract_strided_slice %scan3A_416#1 {offsets = [3], sizes = [1], strides = [1]} : vector<16xi32> to vector<1xi32>
      %squeeze3A_474 = vector.extract %slice3A_473[0] : i32 from vector<1xi32>
      %add3A_475 = arith.addi %add3A_472, %squeeze3A_474 : i32
      %slice3A_476 = vector.extract_strided_slice %scan3A_416#1 {offsets = [4], sizes = [1], strides = [1]} : vector<16xi32> to vector<1xi32>
      %squeeze3A_477 = vector.extract %slice3A_476[0] : i32 from vector<1xi32>
      %add3A_478 = arith.addi %add3A_475, %squeeze3A_477 : i32
      %slice3A_479 = vector.extract_strided_slice %scan3A_416#1 {offsets = [5], sizes = [1], strides = [1]} : vector<16xi32> to vector<1xi32>
      %squeeze3A_480 = vector.extract %slice3A_479[0] : i32 from vector<1xi32>
      %add3A_481 = arith.addi %add3A_478, %squeeze3A_480 : i32
      %slice3A_482 = vector.extract_strided_slice %scan3A_416#1 {offsets = [6], sizes = [1], strides = [1]} : vector<16xi32> to vector<1xi32>
      %squeeze3A_483 = vector.extract %slice3A_482[0] : i32 from vector<1xi32>
      %add3A_484 = arith.addi %add3A_481, %squeeze3A_483 : i32
      %slice3A_485 = vector.extract_strided_slice %scan3A_416#1 {offsets = [7], sizes = [1], strides = [1]} : vector<16xi32> to vector<1xi32>
      %squeeze3A_486 = vector.extract %slice3A_485[0] : i32 from vector<1xi32>
      %add3A_487 = arith.addi %add3A_484, %squeeze3A_486 : i32
      %slice3A_488 = vector.extract_strided_slice %scan3A_416#1 {offsets = [8], sizes = [1], strides = [1]} : vector<16xi32> to vector<1xi32>
      %squeeze3A_489 = vector.extract %slice3A_488[0] : i32 from vector<1xi32>
      %add3A_490 = arith.addi %add3A_487, %squeeze3A_489 : i32
      %slice3A_491 = vector.extract_strided_slice %scan3A_416#1 {offsets = [9], sizes = [1], strides = [1]} : vector<16xi32> to vector<1xi32>
      %squeeze3A_492 = vector.extract %slice3A_491[0] : i32 from vector<1xi32>
      %add3A_493 = arith.addi %add3A_490, %squeeze3A_492 : i32
      %slice3A_494 = vector.extract_strided_slice %scan3A_416#1 {offsets = [10], sizes = [1], strides = [1]} : vector<16xi32> to vector<1xi32>
      %squeeze3A_495 = vector.extract %slice3A_494[0] : i32 from vector<1xi32>
      %add3A_496 = arith.addi %add3A_493, %squeeze3A_495 : i32
      %slice3A_497 = vector.extract_strided_slice %scan3A_416#1 {offsets = [11], sizes = [1], strides = [1]} : vector<16xi32> to vector<1xi32>
      %squeeze3A_498 = vector.extract %slice3A_497[0] : i32 from vector<1xi32>
      %add3A_499 = arith.addi %add3A_496, %squeeze3A_498 : i32
      %slice3A_500 = vector.extract_strided_slice %scan3A_416#1 {offsets = [12], sizes = [1], strides = [1]} : vector<16xi32> to vector<1xi32>
      %squeeze3A_501 = vector.extract %slice3A_500[0] : i32 from vector<1xi32>
      %add3A_502 = arith.addi %add3A_499, %squeeze3A_501 : i32
      %slice3A_503 = vector.extract_strided_slice %scan3A_416#1 {offsets = [13], sizes = [1], strides = [1]} : vector<16xi32> to vector<1xi32>
      %squeeze3A_504 = vector.extract %slice3A_503[0] : i32 from vector<1xi32>
      %add3A_505 = arith.addi %add3A_502, %squeeze3A_504 : i32
      %slice3A_506 = vector.extract_strided_slice %scan3A_416#1 {offsets = [14], sizes = [1], strides = [1]} : vector<16xi32> to vector<1xi32>
      %squeeze3A_507 = vector.extract %slice3A_506[0] : i32 from vector<1xi32>
      %add3A_508 = arith.addi %add3A_505, %squeeze3A_507 : i32
      %slice3A_509 = vector.extract_strided_slice %scan3A_416#1 {offsets = [15], sizes = [1], strides = [1]} : vector<16xi32> to vector<1xi32>
      %squeeze3A_510 = vector.extract %slice3A_509[0] : i32 from vector<1xi32>
      %add3A_511 = arith.addi %add3A_508, %squeeze3A_510 : i32
      %convert_element_type3A_512 = arith.sitofp %add3A_511 : i32 to f32
      %sub3A = arith.subf %mul3A_141, %convert_element_type3A_512 : f32
      %mul3A_513 = arith.mulf %sub3A, %scan3A_405#0 : f32
      %add3A_514 = arith.addf %add3A_464, %mul3A_513 : f32
      scf.yield %add3A_514 : f32
    }
    %add3A_149 = arith.addf %add3A_67, %squeeze3A_139 : f32
    %add3A_150 = arith.addf %add3A_149, %cond3A_148 : f32
    %add3A_151 = arith.addf %add3A_69, %squeeze3A_137 : f32
    %slice3A_152 = vector.extract_strided_slice %get3A_135 {offsets = [2], sizes = [1], strides = [1]} : vector<16xf32> to vector<1xf32>
    %squeeze3A_153 = vector.extract %slice3A_152[0] : f32 from vector<1xf32>
    %add3A_154 = arith.addf %add3A_73, %squeeze3A_153 : f32
    %mul3A_155 = arith.constant 4 : i32
    %mul3A_156 = arith.muli %arg1, %mul3A_155 : i32
    %add3A_157 = arith.constant 2 : i32
    %add3A_158 = arith.addi %mul3A_156, %add3A_157 : i32
    "tpu.region"() ({
      %run_scoped3A = tpu.sem_alloc : memref<!tpu.dma_semaphore, #tpu.memory_space<semaphore_mem>>
      %dma_start3A = arith.constant 0 : i32
      %dma_start3A_341 = tpu.memref_slice %arg2[%add3A_158, %dma_start3A] : memref<64x8736xf32, #tpu.memory_space<hbm>> -> memref<1x8736xf32, #tpu.memory_space<hbm>>
      %dma_start3A_342 = tpu.memref_squeeze %dma_start3A_341 : memref<1x8736xf32, #tpu.memory_space<hbm>> -> memref<8736xf32, #tpu.memory_space<hbm>>
      %dma_start3A_343 = arith.constant 0 : i32
      %dma_start3A_344 = tpu.memref_slice %arg2[%add3A_158, %dma_start3A_343] : memref<64x8736xf32, #tpu.memory_space<hbm>> -> memref<1x8736xf32, #tpu.memory_space<hbm>>
      %dma_start3A_345 = tpu.memref_squeeze %dma_start3A_344 : memref<1x8736xf32, #tpu.memory_space<hbm>> -> memref<8736xf32, #tpu.memory_space<hbm>>
      tpu.enqueue_dma source(%dma_start3A_345 : memref<8736xf32, #tpu.memory_space<hbm>>) target(%arg5 : memref<8736xf32, #tpu.memory_space<vmem>>) target_semaphore(%run_scoped3A : memref<!tpu.dma_semaphore, #tpu.memory_space<semaphore_mem>>)
      %dma_wait3A = arith.constant 0 : i32
      %dma_wait3A_346 = tpu.memref_slice %arg2[%add3A_158, %dma_wait3A] : memref<64x8736xf32, #tpu.memory_space<hbm>> -> memref<1x8736xf32, #tpu.memory_space<hbm>>
      %dma_wait3A_347 = tpu.memref_squeeze %dma_wait3A_346 : memref<1x8736xf32, #tpu.memory_space<hbm>> -> memref<8736xf32, #tpu.memory_space<hbm>>
      %dma_wait3A_348 = arith.constant 0 : i32
      %dma_wait3A_349 = tpu.memref_slice %arg2[%add3A_158, %dma_wait3A_348] : memref<64x8736xf32, #tpu.memory_space<hbm>> -> memref<1x8736xf32, #tpu.memory_space<hbm>>
      %dma_wait3A_350 = tpu.memref_squeeze %dma_wait3A_349 : memref<1x8736xf32, #tpu.memory_space<hbm>> -> memref<8736xf32, #tpu.memory_space<hbm>>
      tpu.wait_dma2 semaphore(%run_scoped3A : memref<!tpu.dma_semaphore, #tpu.memory_space<semaphore_mem>>) src(%dma_wait3A_350 : memref<8736xf32, #tpu.memory_space<hbm>>) dst(%arg5 : memref<8736xf32, #tpu.memory_space<vmem>>)
      tpu.yield
    }) : () -> ()
    "tpu.region"() ({
      %run_scoped3A = tpu.sem_alloc : memref<!tpu.dma_semaphore, #tpu.memory_space<semaphore_mem>>
      %dma_start3A = arith.constant 0 : i32
      %dma_start3A_341 = tpu.memref_slice %arg3[%add3A_158, %dma_start3A] : memref<64x128xf32, #tpu.memory_space<hbm>> -> memref<1x128xf32, #tpu.memory_space<hbm>>
      %dma_start3A_342 = tpu.memref_squeeze %dma_start3A_341 : memref<1x128xf32, #tpu.memory_space<hbm>> -> memref<128xf32, #tpu.memory_space<hbm>>
      %dma_start3A_343 = arith.constant 0 : i32
      %dma_start3A_344 = tpu.memref_slice %arg3[%add3A_158, %dma_start3A_343] : memref<64x128xf32, #tpu.memory_space<hbm>> -> memref<1x128xf32, #tpu.memory_space<hbm>>
      %dma_start3A_345 = tpu.memref_squeeze %dma_start3A_344 : memref<1x128xf32, #tpu.memory_space<hbm>> -> memref<128xf32, #tpu.memory_space<hbm>>
      tpu.enqueue_dma source(%dma_start3A_345 : memref<128xf32, #tpu.memory_space<hbm>>) target(%arg6 : memref<128xf32, #tpu.memory_space<vmem>>) target_semaphore(%run_scoped3A : memref<!tpu.dma_semaphore, #tpu.memory_space<semaphore_mem>>)
      %dma_wait3A = arith.constant 0 : i32
      %dma_wait3A_346 = tpu.memref_slice %arg3[%add3A_158, %dma_wait3A] : memref<64x128xf32, #tpu.memory_space<hbm>> -> memref<1x128xf32, #tpu.memory_space<hbm>>
      %dma_wait3A_347 = tpu.memref_squeeze %dma_wait3A_346 : memref<1x128xf32, #tpu.memory_space<hbm>> -> memref<128xf32, #tpu.memory_space<hbm>>
      %dma_wait3A_348 = arith.constant 0 : i32
      %dma_wait3A_349 = tpu.memref_slice %arg3[%add3A_158, %dma_wait3A_348] : memref<64x128xf32, #tpu.memory_space<hbm>> -> memref<1x128xf32, #tpu.memory_space<hbm>>
      %dma_wait3A_350 = tpu.memref_squeeze %dma_wait3A_349 : memref<1x128xf32, #tpu.memory_space<hbm>> -> memref<128xf32, #tpu.memory_space<hbm>>
      tpu.wait_dma2 semaphore(%run_scoped3A : memref<!tpu.dma_semaphore, #tpu.memory_space<semaphore_mem>>) src(%dma_wait3A_350 : memref<128xf32, #tpu.memory_space<hbm>>) dst(%arg6 : memref<128xf32, #tpu.memory_space<vmem>>)
      tpu.yield
    }) : () -> ()
    %broadcast_in_dim3A_159 = arith.constant 0.000000e+00 : f32
    %broadcast_in_dim3A_160 = vector.broadcast %broadcast_in_dim3A_159 : f32 to vector<16xf32>
    %scan3A_161 = arith.constant 0 : i32
    %scan3A_162 = arith.constant 546 : i32
    %scan3A_163 = arith.addi %scan3A_161, %scan3A_162 : i32
    %scan3A_164 = arith.constant 1 : i32
    %scan3A_165 = scf.for %scan3A_341 = %scan3A_161 to %scan3A_163 step %scan3A_164 iter_args(%scan3A_342 = %broadcast_in_dim3A_160) -> (vector<16xf32>)  : i32 {
      %mul3A_343 = arith.constant 16 : i32
      %mul3A_344 = arith.muli %scan3A_341, %mul3A_343 : i32
      %get3A_345 = arith.index_cast %mul3A_344 : i32 to index
      %get3A_346 = tpu.vector_load %arg5[%get3A_345] {strides = array<i32>} : memref<8736xf32, #tpu.memory_space<vmem>>, vector<16xf32>,
      %get3A_347 = vector.shape_cast %get3A_346 : vector<16xf32> to vector<16xf32>
      %add3A_348 = arith.addf %scan3A_342, %get3A_347 : vector<16xf32>
      scf.yield %add3A_348 : vector<16xf32>
    }
    %scan3A_166 = arith.constant 546 : i32
    %slice3A_167 = vector.extract_strided_slice %scan3A_165 {offsets = [0], sizes = [1], strides = [1]} : vector<16xf32> to vector<1xf32>
    %squeeze3A_168 = vector.extract %slice3A_167[0] : f32 from vector<1xf32>
    %slice3A_169 = vector.extract_strided_slice %scan3A_165 {offsets = [1], sizes = [1], strides = [1]} : vector<16xf32> to vector<1xf32>
    %squeeze3A_170 = vector.extract %slice3A_169[0] : f32 from vector<1xf32>
    %add3A_171 = arith.addf %squeeze3A_168, %squeeze3A_170 : f32
    %slice3A_172 = vector.extract_strided_slice %scan3A_165 {offsets = [2], sizes = [1], strides = [1]} : vector<16xf32> to vector<1xf32>
    %squeeze3A_173 = vector.extract %slice3A_172[0] : f32 from vector<1xf32>
    %add3A_174 = arith.addf %add3A_171, %squeeze3A_173 : f32
    %slice3A_175 = vector.extract_strided_slice %scan3A_165 {offsets = [3], sizes = [1], strides = [1]} : vector<16xf32> to vector<1xf32>
    %squeeze3A_176 = vector.extract %slice3A_175[0] : f32 from vector<1xf32>
    %add3A_177 = arith.addf %add3A_174, %squeeze3A_176 : f32
    %slice3A_178 = vector.extract_strided_slice %scan3A_165 {offsets = [4], sizes = [1], strides = [1]} : vector<16xf32> to vector<1xf32>
    %squeeze3A_179 = vector.extract %slice3A_178[0] : f32 from vector<1xf32>
    %add3A_180 = arith.addf %add3A_177, %squeeze3A_179 : f32
    %slice3A_181 = vector.extract_strided_slice %scan3A_165 {offsets = [5], sizes = [1], strides = [1]} : vector<16xf32> to vector<1xf32>
    %squeeze3A_182 = vector.extract %slice3A_181[0] : f32 from vector<1xf32>
    %add3A_183 = arith.addf %add3A_180, %squeeze3A_182 : f32
    %slice3A_184 = vector.extract_strided_slice %scan3A_165 {offsets = [6], sizes = [1], strides = [1]} : vector<16xf32> to vector<1xf32>
    %squeeze3A_185 = vector.extract %slice3A_184[0] : f32 from vector<1xf32>
    %add3A_186 = arith.addf %add3A_183, %squeeze3A_185 : f32
    %slice3A_187 = vector.extract_strided_slice %scan3A_165 {offsets = [7], sizes = [1], strides = [1]} : vector<16xf32> to vector<1xf32>
    %squeeze3A_188 = vector.extract %slice3A_187[0] : f32 from vector<1xf32>
    %add3A_189 = arith.addf %add3A_186, %squeeze3A_188 : f32
    %slice3A_190 = vector.extract_strided_slice %scan3A_165 {offsets = [8], sizes = [1], strides = [1]} : vector<16xf32> to vector<1xf32>
    %squeeze3A_191 = vector.extract %slice3A_190[0] : f32 from vector<1xf32>
    %add3A_192 = arith.addf %add3A_189, %squeeze3A_191 : f32
    %slice3A_193 = vector.extract_strided_slice %scan3A_165 {offsets = [9], sizes = [1], strides = [1]} : vector<16xf32> to vector<1xf32>
    %squeeze3A_194 = vector.extract %slice3A_193[0] : f32 from vector<1xf32>
    %add3A_195 = arith.addf %add3A_192, %squeeze3A_194 : f32
    %slice3A_196 = vector.extract_strided_slice %scan3A_165 {offsets = [10], sizes = [1], strides = [1]} : vector<16xf32> to vector<1xf32>
    %squeeze3A_197 = vector.extract %slice3A_196[0] : f32 from vector<1xf32>
    %add3A_198 = arith.addf %add3A_195, %squeeze3A_197 : f32
    %slice3A_199 = vector.extract_strided_slice %scan3A_165 {offsets = [11], sizes = [1], strides = [1]} : vector<16xf32> to vector<1xf32>
    %squeeze3A_200 = vector.extract %slice3A_199[0] : f32 from vector<1xf32>
    %add3A_201 = arith.addf %add3A_198, %squeeze3A_200 : f32
    %slice3A_202 = vector.extract_strided_slice %scan3A_165 {offsets = [12], sizes = [1], strides = [1]} : vector<16xf32> to vector<1xf32>
    %squeeze3A_203 = vector.extract %slice3A_202[0] : f32 from vector<1xf32>
    %add3A_204 = arith.addf %add3A_201, %squeeze3A_203 : f32
    %slice3A_205 = vector.extract_strided_slice %scan3A_165 {offsets = [13], sizes = [1], strides = [1]} : vector<16xf32> to vector<1xf32>
    %squeeze3A_206 = vector.extract %slice3A_205[0] : f32 from vector<1xf32>
    %add3A_207 = arith.addf %add3A_204, %squeeze3A_206 : f32
    %slice3A_208 = vector.extract_strided_slice %scan3A_165 {offsets = [14], sizes = [1], strides = [1]} : vector<16xf32> to vector<1xf32>
    %squeeze3A_209 = vector.extract %slice3A_208[0] : f32 from vector<1xf32>
    %add3A_210 = arith.addf %add3A_207, %squeeze3A_209 : f32
    %slice3A_211 = vector.extract_strided_slice %scan3A_165 {offsets = [15], sizes = [1], strides = [1]} : vector<16xf32> to vector<1xf32>
    %squeeze3A_212 = vector.extract %slice3A_211[0] : f32 from vector<1xf32>
    %add3A_213 = arith.addf %add3A_210, %squeeze3A_212 : f32
    %get3A_214 = arith.constant 0 : index
    %get3A_215 = tpu.vector_load %arg6[%get3A_214] {strides = array<i32>} : memref<128xf32, #tpu.memory_space<vmem>>, vector<16xf32>,
    %get3A_216 = vector.shape_cast %get3A_215 : vector<16xf32> to vector<16xf32>
    %slice3A_217 = vector.extract_strided_slice %get3A_216 {offsets = [0], sizes = [1], strides = [1]} : vector<16xf32> to vector<1xf32>
    %squeeze3A_218 = vector.extract %slice3A_217[0] : f32 from vector<1xf32>
    %slice3A_219 = vector.extract_strided_slice %get3A_216 {offsets = [1], sizes = [1], strides = [1]} : vector<16xf32> to vector<1xf32>
    %squeeze3A_220 = vector.extract %slice3A_219[0] : f32 from vector<1xf32>
    %mul3A_221 = arith.constant 3.000000e+00 : f32
    %mul3A_222 = arith.mulf %mul3A_221, %squeeze3A_218 : f32
    %ge3A_223 = arith.constant 8.732000e+03 : f32
    %ge3A_224 = arith.cmpf oge, %mul3A_222, %ge3A_223 : f32
    %convert_element_type3A_225 = arith.extui %ge3A_224 : i1 to i32
    %cond3A_226 = arith.constant 0 : i32
    %cond3A_227 = arith.constant 0 : i32
    %cond3A_228 = arith.cmpi ne, %convert_element_type3A_225, %cond3A_227 : i32
    %cond3A_229 = scf.if %cond3A_228 -> (f32) {
      scf.yield %add3A_213 : f32
    } else {
      %convert_element_type3A_341 = arith.fptosi %squeeze3A_218 : f32 to i32
      %mul3A_342 = arith.constant 3 : i32
      %mul3A_343 = arith.muli %mul3A_342, %convert_element_type3A_341 : i32
      %broadcast_in_dim3A_344 = arith.constant 0.000000e+00 : f32
      %broadcast_in_dim3A_345 = vector.broadcast %broadcast_in_dim3A_344 : f32 to vector<16xf32>
      %scan3A_346 = arith.constant 0 : i32
      %scan3A_347 = arith.constant 546 : i32
      %scan3A_348 = arith.addi %scan3A_346, %scan3A_347 : i32
      %scan3A_349 = arith.constant 1 : i32
      %scan3A_350 = scf.for %scan3A_515 = %scan3A_346 to %scan3A_348 step %scan3A_349 iter_args(%scan3A_516 = %broadcast_in_dim3A_345) -> (vector<16xf32>)  : i32 {
        %mul3A_517 = arith.constant 16 : i32
        %mul3A_518 = arith.muli %scan3A_515, %mul3A_517 : i32
        %get3A_519 = arith.index_cast %mul3A_518 : i32 to index
        %get3A_520 = tpu.vector_load %arg5[%get3A_519] {strides = array<i32>} : memref<8736xf32, #tpu.memory_space<vmem>>, vector<16xf32>,
        %get3A_521 = vector.shape_cast %get3A_520 : vector<16xf32> to vector<16xf32>
        %max3A_522 = arith.maximumf %scan3A_516, %get3A_521 : vector<16xf32>
        scf.yield %max3A_522 : vector<16xf32>
      }
      %scan3A_351 = arith.constant 546 : i32
      %slice3A_352 = vector.extract_strided_slice %scan3A_350 {offsets = [0], sizes = [1], strides = [1]} : vector<16xf32> to vector<1xf32>
      %squeeze3A_353 = vector.extract %slice3A_352[0] : f32 from vector<1xf32>
      %slice3A_354 = vector.extract_strided_slice %scan3A_350 {offsets = [1], sizes = [1], strides = [1]} : vector<16xf32> to vector<1xf32>
      %squeeze3A_355 = vector.extract %slice3A_354[0] : f32 from vector<1xf32>
      %max3A = arith.maximumf %squeeze3A_353, %squeeze3A_355 : f32
      %slice3A_356 = vector.extract_strided_slice %scan3A_350 {offsets = [2], sizes = [1], strides = [1]} : vector<16xf32> to vector<1xf32>
      %squeeze3A_357 = vector.extract %slice3A_356[0] : f32 from vector<1xf32>
      %max3A_358 = arith.maximumf %max3A, %squeeze3A_357 : f32
      %slice3A_359 = vector.extract_strided_slice %scan3A_350 {offsets = [3], sizes = [1], strides = [1]} : vector<16xf32> to vector<1xf32>
      %squeeze3A_360 = vector.extract %slice3A_359[0] : f32 from vector<1xf32>
      %max3A_361 = arith.maximumf %max3A_358, %squeeze3A_360 : f32
      %slice3A_362 = vector.extract_strided_slice %scan3A_350 {offsets = [4], sizes = [1], strides = [1]} : vector<16xf32> to vector<1xf32>
      %squeeze3A_363 = vector.extract %slice3A_362[0] : f32 from vector<1xf32>
      %max3A_364 = arith.maximumf %max3A_361, %squeeze3A_363 : f32
      %slice3A_365 = vector.extract_strided_slice %scan3A_350 {offsets = [5], sizes = [1], strides = [1]} : vector<16xf32> to vector<1xf32>
      %squeeze3A_366 = vector.extract %slice3A_365[0] : f32 from vector<1xf32>
      %max3A_367 = arith.maximumf %max3A_364, %squeeze3A_366 : f32
      %slice3A_368 = vector.extract_strided_slice %scan3A_350 {offsets = [6], sizes = [1], strides = [1]} : vector<16xf32> to vector<1xf32>
      %squeeze3A_369 = vector.extract %slice3A_368[0] : f32 from vector<1xf32>
      %max3A_370 = arith.maximumf %max3A_367, %squeeze3A_369 : f32
      %slice3A_371 = vector.extract_strided_slice %scan3A_350 {offsets = [7], sizes = [1], strides = [1]} : vector<16xf32> to vector<1xf32>
      %squeeze3A_372 = vector.extract %slice3A_371[0] : f32 from vector<1xf32>
      %max3A_373 = arith.maximumf %max3A_370, %squeeze3A_372 : f32
      %slice3A_374 = vector.extract_strided_slice %scan3A_350 {offsets = [8], sizes = [1], strides = [1]} : vector<16xf32> to vector<1xf32>
      %squeeze3A_375 = vector.extract %slice3A_374[0] : f32 from vector<1xf32>
      %max3A_376 = arith.maximumf %max3A_373, %squeeze3A_375 : f32
      %slice3A_377 = vector.extract_strided_slice %scan3A_350 {offsets = [9], sizes = [1], strides = [1]} : vector<16xf32> to vector<1xf32>
      %squeeze3A_378 = vector.extract %slice3A_377[0] : f32 from vector<1xf32>
      %max3A_379 = arith.maximumf %max3A_376, %squeeze3A_378 : f32
      %slice3A_380 = vector.extract_strided_slice %scan3A_350 {offsets = [10], sizes = [1], strides = [1]} : vector<16xf32> to vector<1xf32>
      %squeeze3A_381 = vector.extract %slice3A_380[0] : f32 from vector<1xf32>
      %max3A_382 = arith.maximumf %max3A_379, %squeeze3A_381 : f32
      %slice3A_383 = vector.extract_strided_slice %scan3A_350 {offsets = [11], sizes = [1], strides = [1]} : vector<16xf32> to vector<1xf32>
      %squeeze3A_384 = vector.extract %slice3A_383[0] : f32 from vector<1xf32>
      %max3A_385 = arith.maximumf %max3A_382, %squeeze3A_384 : f32
      %slice3A_386 = vector.extract_strided_slice %scan3A_350 {offsets = [12], sizes = [1], strides = [1]} : vector<16xf32> to vector<1xf32>
      %squeeze3A_387 = vector.extract %slice3A_386[0] : f32 from vector<1xf32>
      %max3A_388 = arith.maximumf %max3A_385, %squeeze3A_387 : f32
      %slice3A_389 = vector.extract_strided_slice %scan3A_350 {offsets = [13], sizes = [1], strides = [1]} : vector<16xf32> to vector<1xf32>
      %squeeze3A_390 = vector.extract %slice3A_389[0] : f32 from vector<1xf32>
      %max3A_391 = arith.maximumf %max3A_388, %squeeze3A_390 : f32
      %slice3A_392 = vector.extract_strided_slice %scan3A_350 {offsets = [14], sizes = [1], strides = [1]} : vector<16xf32> to vector<1xf32>
      %squeeze3A_393 = vector.extract %slice3A_392[0] : f32 from vector<1xf32>
      %max3A_394 = arith.maximumf %max3A_391, %squeeze3A_393 : f32
      %slice3A_395 = vector.extract_strided_slice %scan3A_350 {offsets = [15], sizes = [1], strides = [1]} : vector<16xf32> to vector<1xf32>
      %squeeze3A_396 = vector.extract %slice3A_395[0] : f32 from vector<1xf32>
      %max3A_397 = arith.maximumf %max3A_394, %squeeze3A_396 : f32
      %add3A_398 = arith.constant 1.000000e+00 : f32
      %add3A_399 = arith.addf %max3A_397, %add3A_398 : f32
      %scan3A_400 = arith.constant 0.000000e+00 : f32
      %scan3A_401 = arith.constant 0 : i32
      %scan3A_402 = arith.constant 40 : i32
      %scan3A_403 = arith.addi %scan3A_401, %scan3A_402 : i32
      %scan3A_404 = arith.constant 1 : i32
      %scan3A_405:2 = scf.for %scan3A_515 = %scan3A_401 to %scan3A_403 step %scan3A_404 iter_args(%scan3A_516 = %scan3A_400, %scan3A_517 = %add3A_399) -> (f32, f32)  : i32 {
        %add3A_518 = arith.addf %scan3A_516, %scan3A_517 : f32
        %mul3A_519 = arith.constant 5.000000e-01 : f32
        %mul3A_520 = arith.mulf %mul3A_519, %add3A_518 : f32
        %broadcast_in_dim3A_521 = vector.broadcast %mul3A_520 : f32 to vector<16xf32>
        %broadcast_in_dim3A_522 = arith.constant 0 : i32
        %broadcast_in_dim3A_523 = vector.broadcast %broadcast_in_dim3A_522 : i32 to vector<16xi32>
        %scan3A_524 = arith.constant 0 : i32
        %scan3A_525 = arith.constant 546 : i32
        %scan3A_526 = arith.addi %scan3A_524, %scan3A_525 : i32
        %scan3A_527 = arith.constant 1 : i32
        %scan3A_528 = scf.for %scan3A_580 = %scan3A_524 to %scan3A_526 step %scan3A_527 iter_args(%scan3A_581 = %broadcast_in_dim3A_523) -> (vector<16xi32>)  : i32 {
          %mul3A_582 = arith.constant 16 : i32
          %mul3A_583 = arith.muli %scan3A_580, %mul3A_582 : i32
          %get3A_584 = arith.index_cast %mul3A_583 : i32 to index
          %get3A_585 = tpu.vector_load %arg5[%get3A_584] {strides = array<i32>} : memref<8736xf32, #tpu.memory_space<vmem>>, vector<16xf32>,
          %get3A_586 = vector.shape_cast %get3A_585 : vector<16xf32> to vector<16xf32>
          %ge3A_587 = arith.cmpf oge, %get3A_586, %broadcast_in_dim3A_521 : vector<16xf32>
          %jit3A_588 = arith.constant 1 : i32
          %jit3A_589 = arith.constant 0 : i32
          %broadcast_in_dim3A_590 = vector.broadcast %jit3A_588 : i32 to vector<16xi32>
          %broadcast_in_dim3A_591 = vector.broadcast %jit3A_589 : i32 to vector<16xi32>
          %select_n3A_592 = arith.select %ge3A_587, %broadcast_in_dim3A_590, %broadcast_in_dim3A_591 : vector<16xi1>, vector<16xi32>
          %add3A_593 = arith.addi %scan3A_581, %select_n3A_592 : vector<16xi32>
          scf.yield %add3A_593 : vector<16xi32>
        }
        %scan3A_529 = arith.constant 546 : i32
        %slice3A_530 = vector.extract_strided_slice %scan3A_528 {offsets = [0], sizes = [1], strides = [1]} : vector<16xi32> to vector<1xi32>
        %squeeze3A_531 = vector.extract %slice3A_530[0] : i32 from vector<1xi32>
        %slice3A_532 = vector.extract_strided_slice %scan3A_528 {offsets = [1], sizes = [1], strides = [1]} : vector<16xi32> to vector<1xi32>
        %squeeze3A_533 = vector.extract %slice3A_532[0] : i32 from vector<1xi32>
        %add3A_534 = arith.addi %squeeze3A_531, %squeeze3A_533 : i32
        %slice3A_535 = vector.extract_strided_slice %scan3A_528 {offsets = [2], sizes = [1], strides = [1]} : vector<16xi32> to vector<1xi32>
        %squeeze3A_536 = vector.extract %slice3A_535[0] : i32 from vector<1xi32>
        %add3A_537 = arith.addi %add3A_534, %squeeze3A_536 : i32
        %slice3A_538 = vector.extract_strided_slice %scan3A_528 {offsets = [3], sizes = [1], strides = [1]} : vector<16xi32> to vector<1xi32>
        %squeeze3A_539 = vector.extract %slice3A_538[0] : i32 from vector<1xi32>
        %add3A_540 = arith.addi %add3A_537, %squeeze3A_539 : i32
        %slice3A_541 = vector.extract_strided_slice %scan3A_528 {offsets = [4], sizes = [1], strides = [1]} : vector<16xi32> to vector<1xi32>
        %squeeze3A_542 = vector.extract %slice3A_541[0] : i32 from vector<1xi32>
        %add3A_543 = arith.addi %add3A_540, %squeeze3A_542 : i32
        %slice3A_544 = vector.extract_strided_slice %scan3A_528 {offsets = [5], sizes = [1], strides = [1]} : vector<16xi32> to vector<1xi32>
        %squeeze3A_545 = vector.extract %slice3A_544[0] : i32 from vector<1xi32>
        %add3A_546 = arith.addi %add3A_543, %squeeze3A_545 : i32
        %slice3A_547 = vector.extract_strided_slice %scan3A_528 {offsets = [6], sizes = [1], strides = [1]} : vector<16xi32> to vector<1xi32>
        %squeeze3A_548 = vector.extract %slice3A_547[0] : i32 from vector<1xi32>
        %add3A_549 = arith.addi %add3A_546, %squeeze3A_548 : i32
        %slice3A_550 = vector.extract_strided_slice %scan3A_528 {offsets = [7], sizes = [1], strides = [1]} : vector<16xi32> to vector<1xi32>
        %squeeze3A_551 = vector.extract %slice3A_550[0] : i32 from vector<1xi32>
        %add3A_552 = arith.addi %add3A_549, %squeeze3A_551 : i32
        %slice3A_553 = vector.extract_strided_slice %scan3A_528 {offsets = [8], sizes = [1], strides = [1]} : vector<16xi32> to vector<1xi32>
        %squeeze3A_554 = vector.extract %slice3A_553[0] : i32 from vector<1xi32>
        %add3A_555 = arith.addi %add3A_552, %squeeze3A_554 : i32
        %slice3A_556 = vector.extract_strided_slice %scan3A_528 {offsets = [9], sizes = [1], strides = [1]} : vector<16xi32> to vector<1xi32>
        %squeeze3A_557 = vector.extract %slice3A_556[0] : i32 from vector<1xi32>
        %add3A_558 = arith.addi %add3A_555, %squeeze3A_557 : i32
        %slice3A_559 = vector.extract_strided_slice %scan3A_528 {offsets = [10], sizes = [1], strides = [1]} : vector<16xi32> to vector<1xi32>
        %squeeze3A_560 = vector.extract %slice3A_559[0] : i32 from vector<1xi32>
        %add3A_561 = arith.addi %add3A_558, %squeeze3A_560 : i32
        %slice3A_562 = vector.extract_strided_slice %scan3A_528 {offsets = [11], sizes = [1], strides = [1]} : vector<16xi32> to vector<1xi32>
        %squeeze3A_563 = vector.extract %slice3A_562[0] : i32 from vector<1xi32>
        %add3A_564 = arith.addi %add3A_561, %squeeze3A_563 : i32
        %slice3A_565 = vector.extract_strided_slice %scan3A_528 {offsets = [12], sizes = [1], strides = [1]} : vector<16xi32> to vector<1xi32>
        %squeeze3A_566 = vector.extract %slice3A_565[0] : i32 from vector<1xi32>
        %add3A_567 = arith.addi %add3A_564, %squeeze3A_566 : i32
        %slice3A_568 = vector.extract_strided_slice %scan3A_528 {offsets = [13], sizes = [1], strides = [1]} : vector<16xi32> to vector<1xi32>
        %squeeze3A_569 = vector.extract %slice3A_568[0] : i32 from vector<1xi32>
        %add3A_570 = arith.addi %add3A_567, %squeeze3A_569 : i32
        %slice3A_571 = vector.extract_strided_slice %scan3A_528 {offsets = [14], sizes = [1], strides = [1]} : vector<16xi32> to vector<1xi32>
        %squeeze3A_572 = vector.extract %slice3A_571[0] : i32 from vector<1xi32>
        %add3A_573 = arith.addi %add3A_570, %squeeze3A_572 : i32
        %slice3A_574 = vector.extract_strided_slice %scan3A_528 {offsets = [15], sizes = [1], strides = [1]} : vector<16xi32> to vector<1xi32>
        %squeeze3A_575 = vector.extract %slice3A_574[0] : i32 from vector<1xi32>
        %add3A_576 = arith.addi %add3A_573, %squeeze3A_575 : i32
        %ge3A_577 = arith.cmpi sge, %add3A_576, %mul3A_343 : i32
        %select_n3A_578 = arith.select %ge3A_577, %mul3A_520, %scan3A_516 : f32
        %select_n3A_579 = arith.select %ge3A_577, %scan3A_517, %mul3A_520 : f32
        scf.yield %select_n3A_578, %select_n3A_579 : f32, f32
      }
      %scan3A_406 = arith.constant 40 : i32
      %broadcast_in_dim3A_407 = vector.broadcast %scan3A_405#0 : f32 to vector<16xf32>
      %broadcast_in_dim3A_408 = arith.constant 0.000000e+00 : f32
      %broadcast_in_dim3A_409 = vector.broadcast %broadcast_in_dim3A_408 : f32 to vector<16xf32>
      %broadcast_in_dim3A_410 = arith.constant 0 : i32
      %broadcast_in_dim3A_411 = vector.broadcast %broadcast_in_dim3A_410 : i32 to vector<16xi32>
      %scan3A_412 = arith.constant 0 : i32
      %scan3A_413 = arith.constant 546 : i32
      %scan3A_414 = arith.addi %scan3A_412, %scan3A_413 : i32
      %scan3A_415 = arith.constant 1 : i32
      %scan3A_416:2 = scf.for %scan3A_515 = %scan3A_412 to %scan3A_414 step %scan3A_415 iter_args(%scan3A_516 = %broadcast_in_dim3A_409, %scan3A_517 = %broadcast_in_dim3A_411) -> (vector<16xf32>, vector<16xi32>)  : i32 {
        %mul3A_518 = arith.constant 16 : i32
        %mul3A_519 = arith.muli %scan3A_515, %mul3A_518 : i32
        %get3A_520 = arith.index_cast %mul3A_519 : i32 to index
        %get3A_521 = tpu.vector_load %arg5[%get3A_520] {strides = array<i32>} : memref<8736xf32, #tpu.memory_space<vmem>>, vector<16xf32>,
        %get3A_522 = vector.shape_cast %get3A_521 : vector<16xf32> to vector<16xf32>
        %gt3A = arith.cmpf ogt, %get3A_522, %broadcast_in_dim3A_407 : vector<16xf32>
        %jit3A_523 = arith.constant 0.000000e+00 : f32
        %broadcast_in_dim3A_524 = vector.broadcast %jit3A_523 : f32 to vector<16xf32>
        %select_n3A_525 = arith.select %gt3A, %get3A_522, %broadcast_in_dim3A_524 : vector<16xi1>, vector<16xf32>
        %add3A_526 = arith.addf %scan3A_516, %select_n3A_525 : vector<16xf32>
        %jit3A_527 = arith.constant 1 : i32
        %jit3A_528 = arith.constant 0 : i32
        %broadcast_in_dim3A_529 = vector.broadcast %jit3A_527 : i32 to vector<16xi32>
        %broadcast_in_dim3A_530 = vector.broadcast %jit3A_528 : i32 to vector<16xi32>
        %select_n3A_531 = arith.select %gt3A, %broadcast_in_dim3A_529, %broadcast_in_dim3A_530 : vector<16xi1>, vector<16xi32>
        %add3A_532 = arith.addi %scan3A_517, %select_n3A_531 : vector<16xi32>
        scf.yield %add3A_526, %add3A_532 : vector<16xf32>, vector<16xi32>
      }
      %scan3A_417 = arith.constant 546 : i32
      %slice3A_418 = vector.extract_strided_slice %scan3A_416#0 {offsets = [0], sizes = [1], strides = [1]} : vector<16xf32> to vector<1xf32>
      %squeeze3A_419 = vector.extract %slice3A_418[0] : f32 from vector<1xf32>
      %slice3A_420 = vector.extract_strided_slice %scan3A_416#0 {offsets = [1], sizes = [1], strides = [1]} : vector<16xf32> to vector<1xf32>
      %squeeze3A_421 = vector.extract %slice3A_420[0] : f32 from vector<1xf32>
      %add3A_422 = arith.addf %squeeze3A_419, %squeeze3A_421 : f32
      %slice3A_423 = vector.extract_strided_slice %scan3A_416#0 {offsets = [2], sizes = [1], strides = [1]} : vector<16xf32> to vector<1xf32>
      %squeeze3A_424 = vector.extract %slice3A_423[0] : f32 from vector<1xf32>
      %add3A_425 = arith.addf %add3A_422, %squeeze3A_424 : f32
      %slice3A_426 = vector.extract_strided_slice %scan3A_416#0 {offsets = [3], sizes = [1], strides = [1]} : vector<16xf32> to vector<1xf32>
      %squeeze3A_427 = vector.extract %slice3A_426[0] : f32 from vector<1xf32>
      %add3A_428 = arith.addf %add3A_425, %squeeze3A_427 : f32
      %slice3A_429 = vector.extract_strided_slice %scan3A_416#0 {offsets = [4], sizes = [1], strides = [1]} : vector<16xf32> to vector<1xf32>
      %squeeze3A_430 = vector.extract %slice3A_429[0] : f32 from vector<1xf32>
      %add3A_431 = arith.addf %add3A_428, %squeeze3A_430 : f32
      %slice3A_432 = vector.extract_strided_slice %scan3A_416#0 {offsets = [5], sizes = [1], strides = [1]} : vector<16xf32> to vector<1xf32>
      %squeeze3A_433 = vector.extract %slice3A_432[0] : f32 from vector<1xf32>
      %add3A_434 = arith.addf %add3A_431, %squeeze3A_433 : f32
      %slice3A_435 = vector.extract_strided_slice %scan3A_416#0 {offsets = [6], sizes = [1], strides = [1]} : vector<16xf32> to vector<1xf32>
      %squeeze3A_436 = vector.extract %slice3A_435[0] : f32 from vector<1xf32>
      %add3A_437 = arith.addf %add3A_434, %squeeze3A_436 : f32
      %slice3A_438 = vector.extract_strided_slice %scan3A_416#0 {offsets = [7], sizes = [1], strides = [1]} : vector<16xf32> to vector<1xf32>
      %squeeze3A_439 = vector.extract %slice3A_438[0] : f32 from vector<1xf32>
      %add3A_440 = arith.addf %add3A_437, %squeeze3A_439 : f32
      %slice3A_441 = vector.extract_strided_slice %scan3A_416#0 {offsets = [8], sizes = [1], strides = [1]} : vector<16xf32> to vector<1xf32>
      %squeeze3A_442 = vector.extract %slice3A_441[0] : f32 from vector<1xf32>
      %add3A_443 = arith.addf %add3A_440, %squeeze3A_442 : f32
      %slice3A_444 = vector.extract_strided_slice %scan3A_416#0 {offsets = [9], sizes = [1], strides = [1]} : vector<16xf32> to vector<1xf32>
      %squeeze3A_445 = vector.extract %slice3A_444[0] : f32 from vector<1xf32>
      %add3A_446 = arith.addf %add3A_443, %squeeze3A_445 : f32
      %slice3A_447 = vector.extract_strided_slice %scan3A_416#0 {offsets = [10], sizes = [1], strides = [1]} : vector<16xf32> to vector<1xf32>
      %squeeze3A_448 = vector.extract %slice3A_447[0] : f32 from vector<1xf32>
      %add3A_449 = arith.addf %add3A_446, %squeeze3A_448 : f32
      %slice3A_450 = vector.extract_strided_slice %scan3A_416#0 {offsets = [11], sizes = [1], strides = [1]} : vector<16xf32> to vector<1xf32>
      %squeeze3A_451 = vector.extract %slice3A_450[0] : f32 from vector<1xf32>
      %add3A_452 = arith.addf %add3A_449, %squeeze3A_451 : f32
      %slice3A_453 = vector.extract_strided_slice %scan3A_416#0 {offsets = [12], sizes = [1], strides = [1]} : vector<16xf32> to vector<1xf32>
      %squeeze3A_454 = vector.extract %slice3A_453[0] : f32 from vector<1xf32>
      %add3A_455 = arith.addf %add3A_452, %squeeze3A_454 : f32
      %slice3A_456 = vector.extract_strided_slice %scan3A_416#0 {offsets = [13], sizes = [1], strides = [1]} : vector<16xf32> to vector<1xf32>
      %squeeze3A_457 = vector.extract %slice3A_456[0] : f32 from vector<1xf32>
      %add3A_458 = arith.addf %add3A_455, %squeeze3A_457 : f32
      %slice3A_459 = vector.extract_strided_slice %scan3A_416#0 {offsets = [14], sizes = [1], strides = [1]} : vector<16xf32> to vector<1xf32>
      %squeeze3A_460 = vector.extract %slice3A_459[0] : f32 from vector<1xf32>
      %add3A_461 = arith.addf %add3A_458, %squeeze3A_460 : f32
      %slice3A_462 = vector.extract_strided_slice %scan3A_416#0 {offsets = [15], sizes = [1], strides = [1]} : vector<16xf32> to vector<1xf32>
      %squeeze3A_463 = vector.extract %slice3A_462[0] : f32 from vector<1xf32>
      %add3A_464 = arith.addf %add3A_461, %squeeze3A_463 : f32
      %slice3A_465 = vector.extract_strided_slice %scan3A_416#1 {offsets = [0], sizes = [1], strides = [1]} : vector<16xi32> to vector<1xi32>
      %squeeze3A_466 = vector.extract %slice3A_465[0] : i32 from vector<1xi32>
      %slice3A_467 = vector.extract_strided_slice %scan3A_416#1 {offsets = [1], sizes = [1], strides = [1]} : vector<16xi32> to vector<1xi32>
      %squeeze3A_468 = vector.extract %slice3A_467[0] : i32 from vector<1xi32>
      %add3A_469 = arith.addi %squeeze3A_466, %squeeze3A_468 : i32
      %slice3A_470 = vector.extract_strided_slice %scan3A_416#1 {offsets = [2], sizes = [1], strides = [1]} : vector<16xi32> to vector<1xi32>
      %squeeze3A_471 = vector.extract %slice3A_470[0] : i32 from vector<1xi32>
      %add3A_472 = arith.addi %add3A_469, %squeeze3A_471 : i32
      %slice3A_473 = vector.extract_strided_slice %scan3A_416#1 {offsets = [3], sizes = [1], strides = [1]} : vector<16xi32> to vector<1xi32>
      %squeeze3A_474 = vector.extract %slice3A_473[0] : i32 from vector<1xi32>
      %add3A_475 = arith.addi %add3A_472, %squeeze3A_474 : i32
      %slice3A_476 = vector.extract_strided_slice %scan3A_416#1 {offsets = [4], sizes = [1], strides = [1]} : vector<16xi32> to vector<1xi32>
      %squeeze3A_477 = vector.extract %slice3A_476[0] : i32 from vector<1xi32>
      %add3A_478 = arith.addi %add3A_475, %squeeze3A_477 : i32
      %slice3A_479 = vector.extract_strided_slice %scan3A_416#1 {offsets = [5], sizes = [1], strides = [1]} : vector<16xi32> to vector<1xi32>
      %squeeze3A_480 = vector.extract %slice3A_479[0] : i32 from vector<1xi32>
      %add3A_481 = arith.addi %add3A_478, %squeeze3A_480 : i32
      %slice3A_482 = vector.extract_strided_slice %scan3A_416#1 {offsets = [6], sizes = [1], strides = [1]} : vector<16xi32> to vector<1xi32>
      %squeeze3A_483 = vector.extract %slice3A_482[0] : i32 from vector<1xi32>
      %add3A_484 = arith.addi %add3A_481, %squeeze3A_483 : i32
      %slice3A_485 = vector.extract_strided_slice %scan3A_416#1 {offsets = [7], sizes = [1], strides = [1]} : vector<16xi32> to vector<1xi32>
      %squeeze3A_486 = vector.extract %slice3A_485[0] : i32 from vector<1xi32>
      %add3A_487 = arith.addi %add3A_484, %squeeze3A_486 : i32
      %slice3A_488 = vector.extract_strided_slice %scan3A_416#1 {offsets = [8], sizes = [1], strides = [1]} : vector<16xi32> to vector<1xi32>
      %squeeze3A_489 = vector.extract %slice3A_488[0] : i32 from vector<1xi32>
      %add3A_490 = arith.addi %add3A_487, %squeeze3A_489 : i32
      %slice3A_491 = vector.extract_strided_slice %scan3A_416#1 {offsets = [9], sizes = [1], strides = [1]} : vector<16xi32> to vector<1xi32>
      %squeeze3A_492 = vector.extract %slice3A_491[0] : i32 from vector<1xi32>
      %add3A_493 = arith.addi %add3A_490, %squeeze3A_492 : i32
      %slice3A_494 = vector.extract_strided_slice %scan3A_416#1 {offsets = [10], sizes = [1], strides = [1]} : vector<16xi32> to vector<1xi32>
      %squeeze3A_495 = vector.extract %slice3A_494[0] : i32 from vector<1xi32>
      %add3A_496 = arith.addi %add3A_493, %squeeze3A_495 : i32
      %slice3A_497 = vector.extract_strided_slice %scan3A_416#1 {offsets = [11], sizes = [1], strides = [1]} : vector<16xi32> to vector<1xi32>
      %squeeze3A_498 = vector.extract %slice3A_497[0] : i32 from vector<1xi32>
      %add3A_499 = arith.addi %add3A_496, %squeeze3A_498 : i32
      %slice3A_500 = vector.extract_strided_slice %scan3A_416#1 {offsets = [12], sizes = [1], strides = [1]} : vector<16xi32> to vector<1xi32>
      %squeeze3A_501 = vector.extract %slice3A_500[0] : i32 from vector<1xi32>
      %add3A_502 = arith.addi %add3A_499, %squeeze3A_501 : i32
      %slice3A_503 = vector.extract_strided_slice %scan3A_416#1 {offsets = [13], sizes = [1], strides = [1]} : vector<16xi32> to vector<1xi32>
      %squeeze3A_504 = vector.extract %slice3A_503[0] : i32 from vector<1xi32>
      %add3A_505 = arith.addi %add3A_502, %squeeze3A_504 : i32
      %slice3A_506 = vector.extract_strided_slice %scan3A_416#1 {offsets = [14], sizes = [1], strides = [1]} : vector<16xi32> to vector<1xi32>
      %squeeze3A_507 = vector.extract %slice3A_506[0] : i32 from vector<1xi32>
      %add3A_508 = arith.addi %add3A_505, %squeeze3A_507 : i32
      %slice3A_509 = vector.extract_strided_slice %scan3A_416#1 {offsets = [15], sizes = [1], strides = [1]} : vector<16xi32> to vector<1xi32>
      %squeeze3A_510 = vector.extract %slice3A_509[0] : i32 from vector<1xi32>
      %add3A_511 = arith.addi %add3A_508, %squeeze3A_510 : i32
      %convert_element_type3A_512 = arith.sitofp %add3A_511 : i32 to f32
      %sub3A = arith.subf %mul3A_222, %convert_element_type3A_512 : f32
      %mul3A_513 = arith.mulf %sub3A, %scan3A_405#0 : f32
      %add3A_514 = arith.addf %add3A_464, %mul3A_513 : f32
      scf.yield %add3A_514 : f32
    }
    %add3A_230 = arith.addf %add3A_150, %squeeze3A_220 : f32
    %add3A_231 = arith.addf %add3A_230, %cond3A_229 : f32
    %add3A_232 = arith.addf %add3A_151, %squeeze3A_218 : f32
    %slice3A_233 = vector.extract_strided_slice %get3A_216 {offsets = [2], sizes = [1], strides = [1]} : vector<16xf32> to vector<1xf32>
    %squeeze3A_234 = vector.extract %slice3A_233[0] : f32 from vector<1xf32>
    %add3A_235 = arith.addf %add3A_154, %squeeze3A_234 : f32
    %mul3A_236 = arith.constant 4 : i32
    %mul3A_237 = arith.muli %arg1, %mul3A_236 : i32
    %add3A_238 = arith.constant 3 : i32
    %add3A_239 = arith.addi %mul3A_237, %add3A_238 : i32
    "tpu.region"() ({
      %run_scoped3A = tpu.sem_alloc : memref<!tpu.dma_semaphore, #tpu.memory_space<semaphore_mem>>
      %dma_start3A = arith.constant 0 : i32
      %dma_start3A_341 = tpu.memref_slice %arg2[%add3A_239, %dma_start3A] : memref<64x8736xf32, #tpu.memory_space<hbm>> -> memref<1x8736xf32, #tpu.memory_space<hbm>>
      %dma_start3A_342 = tpu.memref_squeeze %dma_start3A_341 : memref<1x8736xf32, #tpu.memory_space<hbm>> -> memref<8736xf32, #tpu.memory_space<hbm>>
      %dma_start3A_343 = arith.constant 0 : i32
      %dma_start3A_344 = tpu.memref_slice %arg2[%add3A_239, %dma_start3A_343] : memref<64x8736xf32, #tpu.memory_space<hbm>> -> memref<1x8736xf32, #tpu.memory_space<hbm>>
      %dma_start3A_345 = tpu.memref_squeeze %dma_start3A_344 : memref<1x8736xf32, #tpu.memory_space<hbm>> -> memref<8736xf32, #tpu.memory_space<hbm>>
      tpu.enqueue_dma source(%dma_start3A_345 : memref<8736xf32, #tpu.memory_space<hbm>>) target(%arg5 : memref<8736xf32, #tpu.memory_space<vmem>>) target_semaphore(%run_scoped3A : memref<!tpu.dma_semaphore, #tpu.memory_space<semaphore_mem>>)
      %dma_wait3A = arith.constant 0 : i32
      %dma_wait3A_346 = tpu.memref_slice %arg2[%add3A_239, %dma_wait3A] : memref<64x8736xf32, #tpu.memory_space<hbm>> -> memref<1x8736xf32, #tpu.memory_space<hbm>>
      %dma_wait3A_347 = tpu.memref_squeeze %dma_wait3A_346 : memref<1x8736xf32, #tpu.memory_space<hbm>> -> memref<8736xf32, #tpu.memory_space<hbm>>
      %dma_wait3A_348 = arith.constant 0 : i32
      %dma_wait3A_349 = tpu.memref_slice %arg2[%add3A_239, %dma_wait3A_348] : memref<64x8736xf32, #tpu.memory_space<hbm>> -> memref<1x8736xf32, #tpu.memory_space<hbm>>
      %dma_wait3A_350 = tpu.memref_squeeze %dma_wait3A_349 : memref<1x8736xf32, #tpu.memory_space<hbm>> -> memref<8736xf32, #tpu.memory_space<hbm>>
      tpu.wait_dma2 semaphore(%run_scoped3A : memref<!tpu.dma_semaphore, #tpu.memory_space<semaphore_mem>>) src(%dma_wait3A_350 : memref<8736xf32, #tpu.memory_space<hbm>>) dst(%arg5 : memref<8736xf32, #tpu.memory_space<vmem>>)
      tpu.yield
    }) : () -> ()
    "tpu.region"() ({
      %run_scoped3A = tpu.sem_alloc : memref<!tpu.dma_semaphore, #tpu.memory_space<semaphore_mem>>
      %dma_start3A = arith.constant 0 : i32
      %dma_start3A_341 = tpu.memref_slice %arg3[%add3A_239, %dma_start3A] : memref<64x128xf32, #tpu.memory_space<hbm>> -> memref<1x128xf32, #tpu.memory_space<hbm>>
      %dma_start3A_342 = tpu.memref_squeeze %dma_start3A_341 : memref<1x128xf32, #tpu.memory_space<hbm>> -> memref<128xf32, #tpu.memory_space<hbm>>
      %dma_start3A_343 = arith.constant 0 : i32
      %dma_start3A_344 = tpu.memref_slice %arg3[%add3A_239, %dma_start3A_343] : memref<64x128xf32, #tpu.memory_space<hbm>> -> memref<1x128xf32, #tpu.memory_space<hbm>>
      %dma_start3A_345 = tpu.memref_squeeze %dma_start3A_344 : memref<1x128xf32, #tpu.memory_space<hbm>> -> memref<128xf32, #tpu.memory_space<hbm>>
      tpu.enqueue_dma source(%dma_start3A_345 : memref<128xf32, #tpu.memory_space<hbm>>) target(%arg6 : memref<128xf32, #tpu.memory_space<vmem>>) target_semaphore(%run_scoped3A : memref<!tpu.dma_semaphore, #tpu.memory_space<semaphore_mem>>)
      %dma_wait3A = arith.constant 0 : i32
      %dma_wait3A_346 = tpu.memref_slice %arg3[%add3A_239, %dma_wait3A] : memref<64x128xf32, #tpu.memory_space<hbm>> -> memref<1x128xf32, #tpu.memory_space<hbm>>
      %dma_wait3A_347 = tpu.memref_squeeze %dma_wait3A_346 : memref<1x128xf32, #tpu.memory_space<hbm>> -> memref<128xf32, #tpu.memory_space<hbm>>
      %dma_wait3A_348 = arith.constant 0 : i32
      %dma_wait3A_349 = tpu.memref_slice %arg3[%add3A_239, %dma_wait3A_348] : memref<64x128xf32, #tpu.memory_space<hbm>> -> memref<1x128xf32, #tpu.memory_space<hbm>>
      %dma_wait3A_350 = tpu.memref_squeeze %dma_wait3A_349 : memref<1x128xf32, #tpu.memory_space<hbm>> -> memref<128xf32, #tpu.memory_space<hbm>>
      tpu.wait_dma2 semaphore(%run_scoped3A : memref<!tpu.dma_semaphore, #tpu.memory_space<semaphore_mem>>) src(%dma_wait3A_350 : memref<128xf32, #tpu.memory_space<hbm>>) dst(%arg6 : memref<128xf32, #tpu.memory_space<vmem>>)
      tpu.yield
    }) : () -> ()
    %broadcast_in_dim3A_240 = arith.constant 0.000000e+00 : f32
    %broadcast_in_dim3A_241 = vector.broadcast %broadcast_in_dim3A_240 : f32 to vector<16xf32>
    %scan3A_242 = arith.constant 0 : i32
    %scan3A_243 = arith.constant 546 : i32
    %scan3A_244 = arith.addi %scan3A_242, %scan3A_243 : i32
    %scan3A_245 = arith.constant 1 : i32
    %scan3A_246 = scf.for %scan3A_341 = %scan3A_242 to %scan3A_244 step %scan3A_245 iter_args(%scan3A_342 = %broadcast_in_dim3A_241) -> (vector<16xf32>)  : i32 {
      %mul3A_343 = arith.constant 16 : i32
      %mul3A_344 = arith.muli %scan3A_341, %mul3A_343 : i32
      %get3A_345 = arith.index_cast %mul3A_344 : i32 to index
      %get3A_346 = tpu.vector_load %arg5[%get3A_345] {strides = array<i32>} : memref<8736xf32, #tpu.memory_space<vmem>>, vector<16xf32>,
      %get3A_347 = vector.shape_cast %get3A_346 : vector<16xf32> to vector<16xf32>
      %add3A_348 = arith.addf %scan3A_342, %get3A_347 : vector<16xf32>
      scf.yield %add3A_348 : vector<16xf32>
    }
    %scan3A_247 = arith.constant 546 : i32
    %slice3A_248 = vector.extract_strided_slice %scan3A_246 {offsets = [0], sizes = [1], strides = [1]} : vector<16xf32> to vector<1xf32>
    %squeeze3A_249 = vector.extract %slice3A_248[0] : f32 from vector<1xf32>
    %slice3A_250 = vector.extract_strided_slice %scan3A_246 {offsets = [1], sizes = [1], strides = [1]} : vector<16xf32> to vector<1xf32>
    %squeeze3A_251 = vector.extract %slice3A_250[0] : f32 from vector<1xf32>
    %add3A_252 = arith.addf %squeeze3A_249, %squeeze3A_251 : f32
    %slice3A_253 = vector.extract_strided_slice %scan3A_246 {offsets = [2], sizes = [1], strides = [1]} : vector<16xf32> to vector<1xf32>
    %squeeze3A_254 = vector.extract %slice3A_253[0] : f32 from vector<1xf32>
    %add3A_255 = arith.addf %add3A_252, %squeeze3A_254 : f32
    %slice3A_256 = vector.extract_strided_slice %scan3A_246 {offsets = [3], sizes = [1], strides = [1]} : vector<16xf32> to vector<1xf32>
    %squeeze3A_257 = vector.extract %slice3A_256[0] : f32 from vector<1xf32>
    %add3A_258 = arith.addf %add3A_255, %squeeze3A_257 : f32
    %slice3A_259 = vector.extract_strided_slice %scan3A_246 {offsets = [4], sizes = [1], strides = [1]} : vector<16xf32> to vector<1xf32>
    %squeeze3A_260 = vector.extract %slice3A_259[0] : f32 from vector<1xf32>
    %add3A_261 = arith.addf %add3A_258, %squeeze3A_260 : f32
    %slice3A_262 = vector.extract_strided_slice %scan3A_246 {offsets = [5], sizes = [1], strides = [1]} : vector<16xf32> to vector<1xf32>
    %squeeze3A_263 = vector.extract %slice3A_262[0] : f32 from vector<1xf32>
    %add3A_264 = arith.addf %add3A_261, %squeeze3A_263 : f32
    %slice3A_265 = vector.extract_strided_slice %scan3A_246 {offsets = [6], sizes = [1], strides = [1]} : vector<16xf32> to vector<1xf32>
    %squeeze3A_266 = vector.extract %slice3A_265[0] : f32 from vector<1xf32>
    %add3A_267 = arith.addf %add3A_264, %squeeze3A_266 : f32
    %slice3A_268 = vector.extract_strided_slice %scan3A_246 {offsets = [7], sizes = [1], strides = [1]} : vector<16xf32> to vector<1xf32>
    %squeeze3A_269 = vector.extract %slice3A_268[0] : f32 from vector<1xf32>
    %add3A_270 = arith.addf %add3A_267, %squeeze3A_269 : f32
    %slice3A_271 = vector.extract_strided_slice %scan3A_246 {offsets = [8], sizes = [1], strides = [1]} : vector<16xf32> to vector<1xf32>
    %squeeze3A_272 = vector.extract %slice3A_271[0] : f32 from vector<1xf32>
    %add3A_273 = arith.addf %add3A_270, %squeeze3A_272 : f32
    %slice3A_274 = vector.extract_strided_slice %scan3A_246 {offsets = [9], sizes = [1], strides = [1]} : vector<16xf32> to vector<1xf32>
    %squeeze3A_275 = vector.extract %slice3A_274[0] : f32 from vector<1xf32>
    %add3A_276 = arith.addf %add3A_273, %squeeze3A_275 : f32
    %slice3A_277 = vector.extract_strided_slice %scan3A_246 {offsets = [10], sizes = [1], strides = [1]} : vector<16xf32> to vector<1xf32>
    %squeeze3A_278 = vector.extract %slice3A_277[0] : f32 from vector<1xf32>
    %add3A_279 = arith.addf %add3A_276, %squeeze3A_278 : f32
    %slice3A_280 = vector.extract_strided_slice %scan3A_246 {offsets = [11], sizes = [1], strides = [1]} : vector<16xf32> to vector<1xf32>
    %squeeze3A_281 = vector.extract %slice3A_280[0] : f32 from vector<1xf32>
    %add3A_282 = arith.addf %add3A_279, %squeeze3A_281 : f32
    %slice3A_283 = vector.extract_strided_slice %scan3A_246 {offsets = [12], sizes = [1], strides = [1]} : vector<16xf32> to vector<1xf32>
    %squeeze3A_284 = vector.extract %slice3A_283[0] : f32 from vector<1xf32>
    %add3A_285 = arith.addf %add3A_282, %squeeze3A_284 : f32
    %slice3A_286 = vector.extract_strided_slice %scan3A_246 {offsets = [13], sizes = [1], strides = [1]} : vector<16xf32> to vector<1xf32>
    %squeeze3A_287 = vector.extract %slice3A_286[0] : f32 from vector<1xf32>
    %add3A_288 = arith.addf %add3A_285, %squeeze3A_287 : f32
    %slice3A_289 = vector.extract_strided_slice %scan3A_246 {offsets = [14], sizes = [1], strides = [1]} : vector<16xf32> to vector<1xf32>
    %squeeze3A_290 = vector.extract %slice3A_289[0] : f32 from vector<1xf32>
    %add3A_291 = arith.addf %add3A_288, %squeeze3A_290 : f32
    %slice3A_292 = vector.extract_strided_slice %scan3A_246 {offsets = [15], sizes = [1], strides = [1]} : vector<16xf32> to vector<1xf32>
    %squeeze3A_293 = vector.extract %slice3A_292[0] : f32 from vector<1xf32>
    %add3A_294 = arith.addf %add3A_291, %squeeze3A_293 : f32
    %get3A_295 = arith.constant 0 : index
    %get3A_296 = tpu.vector_load %arg6[%get3A_295] {strides = array<i32>} : memref<128xf32, #tpu.memory_space<vmem>>, vector<16xf32>,
    %get3A_297 = vector.shape_cast %get3A_296 : vector<16xf32> to vector<16xf32>
    %slice3A_298 = vector.extract_strided_slice %get3A_297 {offsets = [0], sizes = [1], strides = [1]} : vector<16xf32> to vector<1xf32>
    %squeeze3A_299 = vector.extract %slice3A_298[0] : f32 from vector<1xf32>
    %slice3A_300 = vector.extract_strided_slice %get3A_297 {offsets = [1], sizes = [1], strides = [1]} : vector<16xf32> to vector<1xf32>
    %squeeze3A_301 = vector.extract %slice3A_300[0] : f32 from vector<1xf32>
    %mul3A_302 = arith.constant 3.000000e+00 : f32
    %mul3A_303 = arith.mulf %mul3A_302, %squeeze3A_299 : f32
    %ge3A_304 = arith.constant 8.732000e+03 : f32
    %ge3A_305 = arith.cmpf oge, %mul3A_303, %ge3A_304 : f32
    %convert_element_type3A_306 = arith.extui %ge3A_305 : i1 to i32
    %cond3A_307 = arith.constant 0 : i32
    %cond3A_308 = arith.constant 0 : i32
    %cond3A_309 = arith.cmpi ne, %convert_element_type3A_306, %cond3A_308 : i32
    %cond3A_310 = scf.if %cond3A_309 -> (f32) {
      scf.yield %add3A_294 : f32
    } else {
      %convert_element_type3A_341 = arith.fptosi %squeeze3A_299 : f32 to i32
      %mul3A_342 = arith.constant 3 : i32
      %mul3A_343 = arith.muli %mul3A_342, %convert_element_type3A_341 : i32
      %broadcast_in_dim3A_344 = arith.constant 0.000000e+00 : f32
      %broadcast_in_dim3A_345 = vector.broadcast %broadcast_in_dim3A_344 : f32 to vector<16xf32>
      %scan3A_346 = arith.constant 0 : i32
      %scan3A_347 = arith.constant 546 : i32
      %scan3A_348 = arith.addi %scan3A_346, %scan3A_347 : i32
      %scan3A_349 = arith.constant 1 : i32
      %scan3A_350 = scf.for %scan3A_515 = %scan3A_346 to %scan3A_348 step %scan3A_349 iter_args(%scan3A_516 = %broadcast_in_dim3A_345) -> (vector<16xf32>)  : i32 {
        %mul3A_517 = arith.constant 16 : i32
        %mul3A_518 = arith.muli %scan3A_515, %mul3A_517 : i32
        %get3A_519 = arith.index_cast %mul3A_518 : i32 to index
        %get3A_520 = tpu.vector_load %arg5[%get3A_519] {strides = array<i32>} : memref<8736xf32, #tpu.memory_space<vmem>>, vector<16xf32>,
        %get3A_521 = vector.shape_cast %get3A_520 : vector<16xf32> to vector<16xf32>
        %max3A_522 = arith.maximumf %scan3A_516, %get3A_521 : vector<16xf32>
        scf.yield %max3A_522 : vector<16xf32>
      }
      %scan3A_351 = arith.constant 546 : i32
      %slice3A_352 = vector.extract_strided_slice %scan3A_350 {offsets = [0], sizes = [1], strides = [1]} : vector<16xf32> to vector<1xf32>
      %squeeze3A_353 = vector.extract %slice3A_352[0] : f32 from vector<1xf32>
      %slice3A_354 = vector.extract_strided_slice %scan3A_350 {offsets = [1], sizes = [1], strides = [1]} : vector<16xf32> to vector<1xf32>
      %squeeze3A_355 = vector.extract %slice3A_354[0] : f32 from vector<1xf32>
      %max3A = arith.maximumf %squeeze3A_353, %squeeze3A_355 : f32
      %slice3A_356 = vector.extract_strided_slice %scan3A_350 {offsets = [2], sizes = [1], strides = [1]} : vector<16xf32> to vector<1xf32>
      %squeeze3A_357 = vector.extract %slice3A_356[0] : f32 from vector<1xf32>
      %max3A_358 = arith.maximumf %max3A, %squeeze3A_357 : f32
      %slice3A_359 = vector.extract_strided_slice %scan3A_350 {offsets = [3], sizes = [1], strides = [1]} : vector<16xf32> to vector<1xf32>
      %squeeze3A_360 = vector.extract %slice3A_359[0] : f32 from vector<1xf32>
      %max3A_361 = arith.maximumf %max3A_358, %squeeze3A_360 : f32
      %slice3A_362 = vector.extract_strided_slice %scan3A_350 {offsets = [4], sizes = [1], strides = [1]} : vector<16xf32> to vector<1xf32>
      %squeeze3A_363 = vector.extract %slice3A_362[0] : f32 from vector<1xf32>
      %max3A_364 = arith.maximumf %max3A_361, %squeeze3A_363 : f32
      %slice3A_365 = vector.extract_strided_slice %scan3A_350 {offsets = [5], sizes = [1], strides = [1]} : vector<16xf32> to vector<1xf32>
      %squeeze3A_366 = vector.extract %slice3A_365[0] : f32 from vector<1xf32>
      %max3A_367 = arith.maximumf %max3A_364, %squeeze3A_366 : f32
      %slice3A_368 = vector.extract_strided_slice %scan3A_350 {offsets = [6], sizes = [1], strides = [1]} : vector<16xf32> to vector<1xf32>
      %squeeze3A_369 = vector.extract %slice3A_368[0] : f32 from vector<1xf32>
      %max3A_370 = arith.maximumf %max3A_367, %squeeze3A_369 : f32
      %slice3A_371 = vector.extract_strided_slice %scan3A_350 {offsets = [7], sizes = [1], strides = [1]} : vector<16xf32> to vector<1xf32>
      %squeeze3A_372 = vector.extract %slice3A_371[0] : f32 from vector<1xf32>
      %max3A_373 = arith.maximumf %max3A_370, %squeeze3A_372 : f32
      %slice3A_374 = vector.extract_strided_slice %scan3A_350 {offsets = [8], sizes = [1], strides = [1]} : vector<16xf32> to vector<1xf32>
      %squeeze3A_375 = vector.extract %slice3A_374[0] : f32 from vector<1xf32>
      %max3A_376 = arith.maximumf %max3A_373, %squeeze3A_375 : f32
      %slice3A_377 = vector.extract_strided_slice %scan3A_350 {offsets = [9], sizes = [1], strides = [1]} : vector<16xf32> to vector<1xf32>
      %squeeze3A_378 = vector.extract %slice3A_377[0] : f32 from vector<1xf32>
      %max3A_379 = arith.maximumf %max3A_376, %squeeze3A_378 : f32
      %slice3A_380 = vector.extract_strided_slice %scan3A_350 {offsets = [10], sizes = [1], strides = [1]} : vector<16xf32> to vector<1xf32>
      %squeeze3A_381 = vector.extract %slice3A_380[0] : f32 from vector<1xf32>
      %max3A_382 = arith.maximumf %max3A_379, %squeeze3A_381 : f32
      %slice3A_383 = vector.extract_strided_slice %scan3A_350 {offsets = [11], sizes = [1], strides = [1]} : vector<16xf32> to vector<1xf32>
      %squeeze3A_384 = vector.extract %slice3A_383[0] : f32 from vector<1xf32>
      %max3A_385 = arith.maximumf %max3A_382, %squeeze3A_384 : f32
      %slice3A_386 = vector.extract_strided_slice %scan3A_350 {offsets = [12], sizes = [1], strides = [1]} : vector<16xf32> to vector<1xf32>
      %squeeze3A_387 = vector.extract %slice3A_386[0] : f32 from vector<1xf32>
      %max3A_388 = arith.maximumf %max3A_385, %squeeze3A_387 : f32
      %slice3A_389 = vector.extract_strided_slice %scan3A_350 {offsets = [13], sizes = [1], strides = [1]} : vector<16xf32> to vector<1xf32>
      %squeeze3A_390 = vector.extract %slice3A_389[0] : f32 from vector<1xf32>
      %max3A_391 = arith.maximumf %max3A_388, %squeeze3A_390 : f32
      %slice3A_392 = vector.extract_strided_slice %scan3A_350 {offsets = [14], sizes = [1], strides = [1]} : vector<16xf32> to vector<1xf32>
      %squeeze3A_393 = vector.extract %slice3A_392[0] : f32 from vector<1xf32>
      %max3A_394 = arith.maximumf %max3A_391, %squeeze3A_393 : f32
      %slice3A_395 = vector.extract_strided_slice %scan3A_350 {offsets = [15], sizes = [1], strides = [1]} : vector<16xf32> to vector<1xf32>
      %squeeze3A_396 = vector.extract %slice3A_395[0] : f32 from vector<1xf32>
      %max3A_397 = arith.maximumf %max3A_394, %squeeze3A_396 : f32
      %add3A_398 = arith.constant 1.000000e+00 : f32
      %add3A_399 = arith.addf %max3A_397, %add3A_398 : f32
      %scan3A_400 = arith.constant 0.000000e+00 : f32
      %scan3A_401 = arith.constant 0 : i32
      %scan3A_402 = arith.constant 40 : i32
      %scan3A_403 = arith.addi %scan3A_401, %scan3A_402 : i32
      %scan3A_404 = arith.constant 1 : i32
      %scan3A_405:2 = scf.for %scan3A_515 = %scan3A_401 to %scan3A_403 step %scan3A_404 iter_args(%scan3A_516 = %scan3A_400, %scan3A_517 = %add3A_399) -> (f32, f32)  : i32 {
        %add3A_518 = arith.addf %scan3A_516, %scan3A_517 : f32
        %mul3A_519 = arith.constant 5.000000e-01 : f32
        %mul3A_520 = arith.mulf %mul3A_519, %add3A_518 : f32
        %broadcast_in_dim3A_521 = vector.broadcast %mul3A_520 : f32 to vector<16xf32>
        %broadcast_in_dim3A_522 = arith.constant 0 : i32
        %broadcast_in_dim3A_523 = vector.broadcast %broadcast_in_dim3A_522 : i32 to vector<16xi32>
        %scan3A_524 = arith.constant 0 : i32
        %scan3A_525 = arith.constant 546 : i32
        %scan3A_526 = arith.addi %scan3A_524, %scan3A_525 : i32
        %scan3A_527 = arith.constant 1 : i32
        %scan3A_528 = scf.for %scan3A_580 = %scan3A_524 to %scan3A_526 step %scan3A_527 iter_args(%scan3A_581 = %broadcast_in_dim3A_523) -> (vector<16xi32>)  : i32 {
          %mul3A_582 = arith.constant 16 : i32
          %mul3A_583 = arith.muli %scan3A_580, %mul3A_582 : i32
          %get3A_584 = arith.index_cast %mul3A_583 : i32 to index
          %get3A_585 = tpu.vector_load %arg5[%get3A_584] {strides = array<i32>} : memref<8736xf32, #tpu.memory_space<vmem>>, vector<16xf32>,
          %get3A_586 = vector.shape_cast %get3A_585 : vector<16xf32> to vector<16xf32>
          %ge3A_587 = arith.cmpf oge, %get3A_586, %broadcast_in_dim3A_521 : vector<16xf32>
          %jit3A_588 = arith.constant 1 : i32
          %jit3A_589 = arith.constant 0 : i32
          %broadcast_in_dim3A_590 = vector.broadcast %jit3A_588 : i32 to vector<16xi32>
          %broadcast_in_dim3A_591 = vector.broadcast %jit3A_589 : i32 to vector<16xi32>
          %select_n3A_592 = arith.select %ge3A_587, %broadcast_in_dim3A_590, %broadcast_in_dim3A_591 : vector<16xi1>, vector<16xi32>
          %add3A_593 = arith.addi %scan3A_581, %select_n3A_592 : vector<16xi32>
          scf.yield %add3A_593 : vector<16xi32>
        }
        %scan3A_529 = arith.constant 546 : i32
        %slice3A_530 = vector.extract_strided_slice %scan3A_528 {offsets = [0], sizes = [1], strides = [1]} : vector<16xi32> to vector<1xi32>
        %squeeze3A_531 = vector.extract %slice3A_530[0] : i32 from vector<1xi32>
        %slice3A_532 = vector.extract_strided_slice %scan3A_528 {offsets = [1], sizes = [1], strides = [1]} : vector<16xi32> to vector<1xi32>
        %squeeze3A_533 = vector.extract %slice3A_532[0] : i32 from vector<1xi32>
        %add3A_534 = arith.addi %squeeze3A_531, %squeeze3A_533 : i32
        %slice3A_535 = vector.extract_strided_slice %scan3A_528 {offsets = [2], sizes = [1], strides = [1]} : vector<16xi32> to vector<1xi32>
        %squeeze3A_536 = vector.extract %slice3A_535[0] : i32 from vector<1xi32>
        %add3A_537 = arith.addi %add3A_534, %squeeze3A_536 : i32
        %slice3A_538 = vector.extract_strided_slice %scan3A_528 {offsets = [3], sizes = [1], strides = [1]} : vector<16xi32> to vector<1xi32>
        %squeeze3A_539 = vector.extract %slice3A_538[0] : i32 from vector<1xi32>
        %add3A_540 = arith.addi %add3A_537, %squeeze3A_539 : i32
        %slice3A_541 = vector.extract_strided_slice %scan3A_528 {offsets = [4], sizes = [1], strides = [1]} : vector<16xi32> to vector<1xi32>
        %squeeze3A_542 = vector.extract %slice3A_541[0] : i32 from vector<1xi32>
        %add3A_543 = arith.addi %add3A_540, %squeeze3A_542 : i32
        %slice3A_544 = vector.extract_strided_slice %scan3A_528 {offsets = [5], sizes = [1], strides = [1]} : vector<16xi32> to vector<1xi32>
        %squeeze3A_545 = vector.extract %slice3A_544[0] : i32 from vector<1xi32>
        %add3A_546 = arith.addi %add3A_543, %squeeze3A_545 : i32
        %slice3A_547 = vector.extract_strided_slice %scan3A_528 {offsets = [6], sizes = [1], strides = [1]} : vector<16xi32> to vector<1xi32>
        %squeeze3A_548 = vector.extract %slice3A_547[0] : i32 from vector<1xi32>
        %add3A_549 = arith.addi %add3A_546, %squeeze3A_548 : i32
        %slice3A_550 = vector.extract_strided_slice %scan3A_528 {offsets = [7], sizes = [1], strides = [1]} : vector<16xi32> to vector<1xi32>
        %squeeze3A_551 = vector.extract %slice3A_550[0] : i32 from vector<1xi32>
        %add3A_552 = arith.addi %add3A_549, %squeeze3A_551 : i32
        %slice3A_553 = vector.extract_strided_slice %scan3A_528 {offsets = [8], sizes = [1], strides = [1]} : vector<16xi32> to vector<1xi32>
        %squeeze3A_554 = vector.extract %slice3A_553[0] : i32 from vector<1xi32>
        %add3A_555 = arith.addi %add3A_552, %squeeze3A_554 : i32
        %slice3A_556 = vector.extract_strided_slice %scan3A_528 {offsets = [9], sizes = [1], strides = [1]} : vector<16xi32> to vector<1xi32>
        %squeeze3A_557 = vector.extract %slice3A_556[0] : i32 from vector<1xi32>
        %add3A_558 = arith.addi %add3A_555, %squeeze3A_557 : i32
        %slice3A_559 = vector.extract_strided_slice %scan3A_528 {offsets = [10], sizes = [1], strides = [1]} : vector<16xi32> to vector<1xi32>
        %squeeze3A_560 = vector.extract %slice3A_559[0] : i32 from vector<1xi32>
        %add3A_561 = arith.addi %add3A_558, %squeeze3A_560 : i32
        %slice3A_562 = vector.extract_strided_slice %scan3A_528 {offsets = [11], sizes = [1], strides = [1]} : vector<16xi32> to vector<1xi32>
        %squeeze3A_563 = vector.extract %slice3A_562[0] : i32 from vector<1xi32>
        %add3A_564 = arith.addi %add3A_561, %squeeze3A_563 : i32
        %slice3A_565 = vector.extract_strided_slice %scan3A_528 {offsets = [12], sizes = [1], strides = [1]} : vector<16xi32> to vector<1xi32>
        %squeeze3A_566 = vector.extract %slice3A_565[0] : i32 from vector<1xi32>
        %add3A_567 = arith.addi %add3A_564, %squeeze3A_566 : i32
        %slice3A_568 = vector.extract_strided_slice %scan3A_528 {offsets = [13], sizes = [1], strides = [1]} : vector<16xi32> to vector<1xi32>
        %squeeze3A_569 = vector.extract %slice3A_568[0] : i32 from vector<1xi32>
        %add3A_570 = arith.addi %add3A_567, %squeeze3A_569 : i32
        %slice3A_571 = vector.extract_strided_slice %scan3A_528 {offsets = [14], sizes = [1], strides = [1]} : vector<16xi32> to vector<1xi32>
        %squeeze3A_572 = vector.extract %slice3A_571[0] : i32 from vector<1xi32>
        %add3A_573 = arith.addi %add3A_570, %squeeze3A_572 : i32
        %slice3A_574 = vector.extract_strided_slice %scan3A_528 {offsets = [15], sizes = [1], strides = [1]} : vector<16xi32> to vector<1xi32>
        %squeeze3A_575 = vector.extract %slice3A_574[0] : i32 from vector<1xi32>
        %add3A_576 = arith.addi %add3A_573, %squeeze3A_575 : i32
        %ge3A_577 = arith.cmpi sge, %add3A_576, %mul3A_343 : i32
        %select_n3A_578 = arith.select %ge3A_577, %mul3A_520, %scan3A_516 : f32
        %select_n3A_579 = arith.select %ge3A_577, %scan3A_517, %mul3A_520 : f32
        scf.yield %select_n3A_578, %select_n3A_579 : f32, f32
      }
      %scan3A_406 = arith.constant 40 : i32
      %broadcast_in_dim3A_407 = vector.broadcast %scan3A_405#0 : f32 to vector<16xf32>
      %broadcast_in_dim3A_408 = arith.constant 0.000000e+00 : f32
      %broadcast_in_dim3A_409 = vector.broadcast %broadcast_in_dim3A_408 : f32 to vector<16xf32>
      %broadcast_in_dim3A_410 = arith.constant 0 : i32
      %broadcast_in_dim3A_411 = vector.broadcast %broadcast_in_dim3A_410 : i32 to vector<16xi32>
      %scan3A_412 = arith.constant 0 : i32
      %scan3A_413 = arith.constant 546 : i32
      %scan3A_414 = arith.addi %scan3A_412, %scan3A_413 : i32
      %scan3A_415 = arith.constant 1 : i32
      %scan3A_416:2 = scf.for %scan3A_515 = %scan3A_412 to %scan3A_414 step %scan3A_415 iter_args(%scan3A_516 = %broadcast_in_dim3A_409, %scan3A_517 = %broadcast_in_dim3A_411) -> (vector<16xf32>, vector<16xi32>)  : i32 {
        %mul3A_518 = arith.constant 16 : i32
        %mul3A_519 = arith.muli %scan3A_515, %mul3A_518 : i32
        %get3A_520 = arith.index_cast %mul3A_519 : i32 to index
        %get3A_521 = tpu.vector_load %arg5[%get3A_520] {strides = array<i32>} : memref<8736xf32, #tpu.memory_space<vmem>>, vector<16xf32>,
        %get3A_522 = vector.shape_cast %get3A_521 : vector<16xf32> to vector<16xf32>
        %gt3A = arith.cmpf ogt, %get3A_522, %broadcast_in_dim3A_407 : vector<16xf32>
        %jit3A_523 = arith.constant 0.000000e+00 : f32
        %broadcast_in_dim3A_524 = vector.broadcast %jit3A_523 : f32 to vector<16xf32>
        %select_n3A_525 = arith.select %gt3A, %get3A_522, %broadcast_in_dim3A_524 : vector<16xi1>, vector<16xf32>
        %add3A_526 = arith.addf %scan3A_516, %select_n3A_525 : vector<16xf32>
        %jit3A_527 = arith.constant 1 : i32
        %jit3A_528 = arith.constant 0 : i32
        %broadcast_in_dim3A_529 = vector.broadcast %jit3A_527 : i32 to vector<16xi32>
        %broadcast_in_dim3A_530 = vector.broadcast %jit3A_528 : i32 to vector<16xi32>
        %select_n3A_531 = arith.select %gt3A, %broadcast_in_dim3A_529, %broadcast_in_dim3A_530 : vector<16xi1>, vector<16xi32>
        %add3A_532 = arith.addi %scan3A_517, %select_n3A_531 : vector<16xi32>
        scf.yield %add3A_526, %add3A_532 : vector<16xf32>, vector<16xi32>
      }
      %scan3A_417 = arith.constant 546 : i32
      %slice3A_418 = vector.extract_strided_slice %scan3A_416#0 {offsets = [0], sizes = [1], strides = [1]} : vector<16xf32> to vector<1xf32>
      %squeeze3A_419 = vector.extract %slice3A_418[0] : f32 from vector<1xf32>
      %slice3A_420 = vector.extract_strided_slice %scan3A_416#0 {offsets = [1], sizes = [1], strides = [1]} : vector<16xf32> to vector<1xf32>
      %squeeze3A_421 = vector.extract %slice3A_420[0] : f32 from vector<1xf32>
      %add3A_422 = arith.addf %squeeze3A_419, %squeeze3A_421 : f32
      %slice3A_423 = vector.extract_strided_slice %scan3A_416#0 {offsets = [2], sizes = [1], strides = [1]} : vector<16xf32> to vector<1xf32>
      %squeeze3A_424 = vector.extract %slice3A_423[0] : f32 from vector<1xf32>
      %add3A_425 = arith.addf %add3A_422, %squeeze3A_424 : f32
      %slice3A_426 = vector.extract_strided_slice %scan3A_416#0 {offsets = [3], sizes = [1], strides = [1]} : vector<16xf32> to vector<1xf32>
      %squeeze3A_427 = vector.extract %slice3A_426[0] : f32 from vector<1xf32>
      %add3A_428 = arith.addf %add3A_425, %squeeze3A_427 : f32
      %slice3A_429 = vector.extract_strided_slice %scan3A_416#0 {offsets = [4], sizes = [1], strides = [1]} : vector<16xf32> to vector<1xf32>
      %squeeze3A_430 = vector.extract %slice3A_429[0] : f32 from vector<1xf32>
      %add3A_431 = arith.addf %add3A_428, %squeeze3A_430 : f32
      %slice3A_432 = vector.extract_strided_slice %scan3A_416#0 {offsets = [5], sizes = [1], strides = [1]} : vector<16xf32> to vector<1xf32>
      %squeeze3A_433 = vector.extract %slice3A_432[0] : f32 from vector<1xf32>
      %add3A_434 = arith.addf %add3A_431, %squeeze3A_433 : f32
      %slice3A_435 = vector.extract_strided_slice %scan3A_416#0 {offsets = [6], sizes = [1], strides = [1]} : vector<16xf32> to vector<1xf32>
      %squeeze3A_436 = vector.extract %slice3A_435[0] : f32 from vector<1xf32>
      %add3A_437 = arith.addf %add3A_434, %squeeze3A_436 : f32
      %slice3A_438 = vector.extract_strided_slice %scan3A_416#0 {offsets = [7], sizes = [1], strides = [1]} : vector<16xf32> to vector<1xf32>
      %squeeze3A_439 = vector.extract %slice3A_438[0] : f32 from vector<1xf32>
      %add3A_440 = arith.addf %add3A_437, %squeeze3A_439 : f32
      %slice3A_441 = vector.extract_strided_slice %scan3A_416#0 {offsets = [8], sizes = [1], strides = [1]} : vector<16xf32> to vector<1xf32>
      %squeeze3A_442 = vector.extract %slice3A_441[0] : f32 from vector<1xf32>
      %add3A_443 = arith.addf %add3A_440, %squeeze3A_442 : f32
      %slice3A_444 = vector.extract_strided_slice %scan3A_416#0 {offsets = [9], sizes = [1], strides = [1]} : vector<16xf32> to vector<1xf32>
      %squeeze3A_445 = vector.extract %slice3A_444[0] : f32 from vector<1xf32>
      %add3A_446 = arith.addf %add3A_443, %squeeze3A_445 : f32
      %slice3A_447 = vector.extract_strided_slice %scan3A_416#0 {offsets = [10], sizes = [1], strides = [1]} : vector<16xf32> to vector<1xf32>
      %squeeze3A_448 = vector.extract %slice3A_447[0] : f32 from vector<1xf32>
      %add3A_449 = arith.addf %add3A_446, %squeeze3A_448 : f32
      %slice3A_450 = vector.extract_strided_slice %scan3A_416#0 {offsets = [11], sizes = [1], strides = [1]} : vector<16xf32> to vector<1xf32>
      %squeeze3A_451 = vector.extract %slice3A_450[0] : f32 from vector<1xf32>
      %add3A_452 = arith.addf %add3A_449, %squeeze3A_451 : f32
      %slice3A_453 = vector.extract_strided_slice %scan3A_416#0 {offsets = [12], sizes = [1], strides = [1]} : vector<16xf32> to vector<1xf32>
      %squeeze3A_454 = vector.extract %slice3A_453[0] : f32 from vector<1xf32>
      %add3A_455 = arith.addf %add3A_452, %squeeze3A_454 : f32
      %slice3A_456 = vector.extract_strided_slice %scan3A_416#0 {offsets = [13], sizes = [1], strides = [1]} : vector<16xf32> to vector<1xf32>
      %squeeze3A_457 = vector.extract %slice3A_456[0] : f32 from vector<1xf32>
      %add3A_458 = arith.addf %add3A_455, %squeeze3A_457 : f32
      %slice3A_459 = vector.extract_strided_slice %scan3A_416#0 {offsets = [14], sizes = [1], strides = [1]} : vector<16xf32> to vector<1xf32>
      %squeeze3A_460 = vector.extract %slice3A_459[0] : f32 from vector<1xf32>
      %add3A_461 = arith.addf %add3A_458, %squeeze3A_460 : f32
      %slice3A_462 = vector.extract_strided_slice %scan3A_416#0 {offsets = [15], sizes = [1], strides = [1]} : vector<16xf32> to vector<1xf32>
      %squeeze3A_463 = vector.extract %slice3A_462[0] : f32 from vector<1xf32>
      %add3A_464 = arith.addf %add3A_461, %squeeze3A_463 : f32
      %slice3A_465 = vector.extract_strided_slice %scan3A_416#1 {offsets = [0], sizes = [1], strides = [1]} : vector<16xi32> to vector<1xi32>
      %squeeze3A_466 = vector.extract %slice3A_465[0] : i32 from vector<1xi32>
      %slice3A_467 = vector.extract_strided_slice %scan3A_416#1 {offsets = [1], sizes = [1], strides = [1]} : vector<16xi32> to vector<1xi32>
      %squeeze3A_468 = vector.extract %slice3A_467[0] : i32 from vector<1xi32>
      %add3A_469 = arith.addi %squeeze3A_466, %squeeze3A_468 : i32
      %slice3A_470 = vector.extract_strided_slice %scan3A_416#1 {offsets = [2], sizes = [1], strides = [1]} : vector<16xi32> to vector<1xi32>
      %squeeze3A_471 = vector.extract %slice3A_470[0] : i32 from vector<1xi32>
      %add3A_472 = arith.addi %add3A_469, %squeeze3A_471 : i32
      %slice3A_473 = vector.extract_strided_slice %scan3A_416#1 {offsets = [3], sizes = [1], strides = [1]} : vector<16xi32> to vector<1xi32>
      %squeeze3A_474 = vector.extract %slice3A_473[0] : i32 from vector<1xi32>
      %add3A_475 = arith.addi %add3A_472, %squeeze3A_474 : i32
      %slice3A_476 = vector.extract_strided_slice %scan3A_416#1 {offsets = [4], sizes = [1], strides = [1]} : vector<16xi32> to vector<1xi32>
      %squeeze3A_477 = vector.extract %slice3A_476[0] : i32 from vector<1xi32>
      %add3A_478 = arith.addi %add3A_475, %squeeze3A_477 : i32
      %slice3A_479 = vector.extract_strided_slice %scan3A_416#1 {offsets = [5], sizes = [1], strides = [1]} : vector<16xi32> to vector<1xi32>
      %squeeze3A_480 = vector.extract %slice3A_479[0] : i32 from vector<1xi32>
      %add3A_481 = arith.addi %add3A_478, %squeeze3A_480 : i32
      %slice3A_482 = vector.extract_strided_slice %scan3A_416#1 {offsets = [6], sizes = [1], strides = [1]} : vector<16xi32> to vector<1xi32>
      %squeeze3A_483 = vector.extract %slice3A_482[0] : i32 from vector<1xi32>
      %add3A_484 = arith.addi %add3A_481, %squeeze3A_483 : i32
      %slice3A_485 = vector.extract_strided_slice %scan3A_416#1 {offsets = [7], sizes = [1], strides = [1]} : vector<16xi32> to vector<1xi32>
      %squeeze3A_486 = vector.extract %slice3A_485[0] : i32 from vector<1xi32>
      %add3A_487 = arith.addi %add3A_484, %squeeze3A_486 : i32
      %slice3A_488 = vector.extract_strided_slice %scan3A_416#1 {offsets = [8], sizes = [1], strides = [1]} : vector<16xi32> to vector<1xi32>
      %squeeze3A_489 = vector.extract %slice3A_488[0] : i32 from vector<1xi32>
      %add3A_490 = arith.addi %add3A_487, %squeeze3A_489 : i32
      %slice3A_491 = vector.extract_strided_slice %scan3A_416#1 {offsets = [9], sizes = [1], strides = [1]} : vector<16xi32> to vector<1xi32>
      %squeeze3A_492 = vector.extract %slice3A_491[0] : i32 from vector<1xi32>
      %add3A_493 = arith.addi %add3A_490, %squeeze3A_492 : i32
      %slice3A_494 = vector.extract_strided_slice %scan3A_416#1 {offsets = [10], sizes = [1], strides = [1]} : vector<16xi32> to vector<1xi32>
      %squeeze3A_495 = vector.extract %slice3A_494[0] : i32 from vector<1xi32>
      %add3A_496 = arith.addi %add3A_493, %squeeze3A_495 : i32
      %slice3A_497 = vector.extract_strided_slice %scan3A_416#1 {offsets = [11], sizes = [1], strides = [1]} : vector<16xi32> to vector<1xi32>
      %squeeze3A_498 = vector.extract %slice3A_497[0] : i32 from vector<1xi32>
      %add3A_499 = arith.addi %add3A_496, %squeeze3A_498 : i32
      %slice3A_500 = vector.extract_strided_slice %scan3A_416#1 {offsets = [12], sizes = [1], strides = [1]} : vector<16xi32> to vector<1xi32>
      %squeeze3A_501 = vector.extract %slice3A_500[0] : i32 from vector<1xi32>
      %add3A_502 = arith.addi %add3A_499, %squeeze3A_501 : i32
      %slice3A_503 = vector.extract_strided_slice %scan3A_416#1 {offsets = [13], sizes = [1], strides = [1]} : vector<16xi32> to vector<1xi32>
      %squeeze3A_504 = vector.extract %slice3A_503[0] : i32 from vector<1xi32>
      %add3A_505 = arith.addi %add3A_502, %squeeze3A_504 : i32
      %slice3A_506 = vector.extract_strided_slice %scan3A_416#1 {offsets = [14], sizes = [1], strides = [1]} : vector<16xi32> to vector<1xi32>
      %squeeze3A_507 = vector.extract %slice3A_506[0] : i32 from vector<1xi32>
      %add3A_508 = arith.addi %add3A_505, %squeeze3A_507 : i32
      %slice3A_509 = vector.extract_strided_slice %scan3A_416#1 {offsets = [15], sizes = [1], strides = [1]} : vector<16xi32> to vector<1xi32>
      %squeeze3A_510 = vector.extract %slice3A_509[0] : i32 from vector<1xi32>
      %add3A_511 = arith.addi %add3A_508, %squeeze3A_510 : i32
      %convert_element_type3A_512 = arith.sitofp %add3A_511 : i32 to f32
      %sub3A = arith.subf %mul3A_303, %convert_element_type3A_512 : f32
      %mul3A_513 = arith.mulf %sub3A, %scan3A_405#0 : f32
      %add3A_514 = arith.addf %add3A_464, %mul3A_513 : f32
      scf.yield %add3A_514 : f32
    }
    %add3A_311 = arith.addf %add3A_231, %squeeze3A_301 : f32
    %add3A_312 = arith.addf %add3A_311, %cond3A_310 : f32
    %add3A_313 = arith.addf %add3A_232, %squeeze3A_299 : f32
    %slice3A_314 = vector.extract_strided_slice %get3A_297 {offsets = [2], sizes = [1], strides = [1]} : vector<16xf32> to vector<1xf32>
    %squeeze3A_315 = vector.extract %slice3A_314[0] : f32 from vector<1xf32>
    %add3A_316 = arith.addf %add3A_235, %squeeze3A_315 : f32
    %eq3A = arith.constant 0 : i32
    %eq3A_317 = vector.broadcast %eq3A : i32 to vector<16xi32>
    %eq3A_318 = arith.cmpi eq, %iota3A, %eq3A_317 : vector<16xi32>
    %eq3A_319 = arith.constant 1 : i32
    %eq3A_320 = vector.broadcast %eq3A_319 : i32 to vector<16xi32>
    %eq3A_321 = arith.cmpi eq, %iota3A, %eq3A_320 : vector<16xi32>
    %eq3A_322 = arith.constant 2 : i32
    %eq3A_323 = vector.broadcast %eq3A_322 : i32 to vector<16xi32>
    %eq3A_324 = arith.cmpi eq, %iota3A, %eq3A_323 : vector<16xi32>
    %jit3A = arith.constant 0.000000e+00 : f32
    %broadcast_in_dim3A_325 = vector.broadcast %add3A_316 : f32 to vector<16xf32>
    %broadcast_in_dim3A_326 = vector.broadcast %jit3A : f32 to vector<16xf32>
    %select_n3A = arith.select %eq3A_324, %broadcast_in_dim3A_325, %broadcast_in_dim3A_326 : vector<16xi1>, vector<16xf32>
    %broadcast_in_dim3A_327 = vector.broadcast %add3A_313 : f32 to vector<16xf32>
    %select_n3A_328 = arith.select %eq3A_321, %broadcast_in_dim3A_327, %select_n3A : vector<16xi1>, vector<16xf32>
    %broadcast_in_dim3A_329 = vector.broadcast %add3A_312 : f32 to vector<16xf32>
    %select_n3A_330 = arith.select %eq3A_318, %broadcast_in_dim3A_329, %select_n3A_328 : vector<16xi1>, vector<16xf32>
    %swap3A = arith.constant 0 : index
    %swap3A_331 = tpu.vector_load %arg7[%swap3A] {strides = array<i32>} : memref<16xf32, #tpu.memory_space<vmem>>, vector<16xf32>,
    %swap3A_332 = vector.shape_cast %swap3A_331 : vector<16xf32> to vector<16xf32>
    %swap3A_333 = vector.shape_cast %select_n3A_330 : vector<16xf32> to vector<16xf32>
    tpu.vector_store %arg7[%swap3A], %swap3A_333 {strides = array<i32>} : memref<16xf32, #tpu.memory_space<vmem>>, vector<16xf32>,
    %mul3A_334 = arith.constant 16 : i32
    %mul3A_335 = arith.muli %arg1, %mul3A_334 : i32
    "tpu.region"() ({
      %run_scoped3A = tpu.sem_alloc : memref<!tpu.dma_semaphore, #tpu.memory_space<semaphore_mem>>
      %dma_start3A = tpu.memref_slice %arg8[%mul3A_335] : memref<256xf32, #tpu.memory_space<vmem_shared>> -> memref<16xf32, #tpu.memory_space<vmem_shared>>
      %dma_start3A_341 = tpu.memref_slice %arg8[%mul3A_335] : memref<256xf32, #tpu.memory_space<vmem_shared>> -> memref<16xf32, #tpu.memory_space<vmem_shared>>
      tpu.enqueue_dma source(%arg7 : memref<16xf32, #tpu.memory_space<vmem>>) target(%dma_start3A_341 : memref<16xf32, #tpu.memory_space<vmem_shared>>) target_semaphore(%run_scoped3A : memref<!tpu.dma_semaphore, #tpu.memory_space<semaphore_mem>>)
      %dma_wait3A = tpu.memref_slice %arg8[%mul3A_335] : memref<256xf32, #tpu.memory_space<vmem_shared>> -> memref<16xf32, #tpu.memory_space<vmem_shared>>
      %dma_wait3A_342 = tpu.memref_slice %arg8[%mul3A_335] : memref<256xf32, #tpu.memory_space<vmem_shared>> -> memref<16xf32, #tpu.memory_space<vmem_shared>>
      tpu.wait_dma2 semaphore(%run_scoped3A : memref<!tpu.dma_semaphore, #tpu.memory_space<semaphore_mem>>) src(%arg7 : memref<16xf32, #tpu.memory_space<vmem>>) dst(%dma_wait3A_342 : memref<16xf32, #tpu.memory_space<vmem_shared>>)
      tpu.yield
    }) : () -> ()
    %barrier3A = arith.constant 0 : index
    tpu.barrier barrier_id(%barrier3A)
    %eq3A_336 = arith.constant 0 : i32
    %eq3A_337 = arith.cmpi eq, %arg1, %eq3A_336 : i32
    %convert_element_type3A_338 = arith.extui %eq3A_337 : i1 to i32
    %cond3A_339 = arith.constant 0 : i32
    %cond3A_340 = arith.cmpi ne, %convert_element_type3A_338, %cond3A_339 : i32
    scf.if %cond3A_340 {
      %broadcast_in_dim3A_341 = arith.constant 0.000000e+00 : f32
      %broadcast_in_dim3A_342 = vector.broadcast %broadcast_in_dim3A_341 : f32 to vector<16xf32>
      "tpu.region"() ({
        %run_scoped3A = tpu.sem_alloc : memref<!tpu.dma_semaphore, #tpu.memory_space<semaphore_mem>>
        %dma_start3A = arith.constant 0 : i32
        %dma_start3A_427 = tpu.memref_slice %arg8[%dma_start3A] : memref<256xf32, #tpu.memory_space<vmem_shared>> -> memref<16xf32, #tpu.memory_space<vmem_shared>>
        %dma_start3A_428 = arith.constant 0 : i32
        %dma_start3A_429 = tpu.memref_slice %arg8[%dma_start3A_428] : memref<256xf32, #tpu.memory_space<vmem_shared>> -> memref<16xf32, #tpu.memory_space<vmem_shared>>
        tpu.enqueue_dma source(%dma_start3A_429 : memref<16xf32, #tpu.memory_space<vmem_shared>>) target(%arg7 : memref<16xf32, #tpu.memory_space<vmem>>) target_semaphore(%run_scoped3A : memref<!tpu.dma_semaphore, #tpu.memory_space<semaphore_mem>>)
        %dma_wait3A = arith.constant 0 : i32
        %dma_wait3A_430 = tpu.memref_slice %arg8[%dma_wait3A] : memref<256xf32, #tpu.memory_space<vmem_shared>> -> memref<16xf32, #tpu.memory_space<vmem_shared>>
        %dma_wait3A_431 = arith.constant 0 : i32
        %dma_wait3A_432 = tpu.memref_slice %arg8[%dma_wait3A_431] : memref<256xf32, #tpu.memory_space<vmem_shared>> -> memref<16xf32, #tpu.memory_space<vmem_shared>>
        tpu.wait_dma2 semaphore(%run_scoped3A : memref<!tpu.dma_semaphore, #tpu.memory_space<semaphore_mem>>) src(%dma_wait3A_432 : memref<16xf32, #tpu.memory_space<vmem_shared>>) dst(%arg7 : memref<16xf32, #tpu.memory_space<vmem>>)
        tpu.yield
      }) : () -> ()
      %get3A_343 = arith.constant 0 : index
      %get3A_344 = tpu.vector_load %arg7[%get3A_343] {strides = array<i32>} : memref<16xf32, #tpu.memory_space<vmem>>, vector<16xf32>,
      %get3A_345 = vector.shape_cast %get3A_344 : vector<16xf32> to vector<16xf32>
      %add3A_346 = arith.addf %broadcast_in_dim3A_342, %get3A_345 : vector<16xf32>
      "tpu.region"() ({
        %run_scoped3A = tpu.sem_alloc : memref<!tpu.dma_semaphore, #tpu.memory_space<semaphore_mem>>
        %dma_start3A = arith.constant 16 : i32
        %dma_start3A_427 = tpu.memref_slice %arg8[%dma_start3A] : memref<256xf32, #tpu.memory_space<vmem_shared>> -> memref<16xf32, #tpu.memory_space<vmem_shared>>
        %dma_start3A_428 = arith.constant 16 : i32
        %dma_start3A_429 = tpu.memref_slice %arg8[%dma_start3A_428] : memref<256xf32, #tpu.memory_space<vmem_shared>> -> memref<16xf32, #tpu.memory_space<vmem_shared>>
        tpu.enqueue_dma source(%dma_start3A_429 : memref<16xf32, #tpu.memory_space<vmem_shared>>) target(%arg7 : memref<16xf32, #tpu.memory_space<vmem>>) target_semaphore(%run_scoped3A : memref<!tpu.dma_semaphore, #tpu.memory_space<semaphore_mem>>)
        %dma_wait3A = arith.constant 16 : i32
        %dma_wait3A_430 = tpu.memref_slice %arg8[%dma_wait3A] : memref<256xf32, #tpu.memory_space<vmem_shared>> -> memref<16xf32, #tpu.memory_space<vmem_shared>>
        %dma_wait3A_431 = arith.constant 16 : i32
        %dma_wait3A_432 = tpu.memref_slice %arg8[%dma_wait3A_431] : memref<256xf32, #tpu.memory_space<vmem_shared>> -> memref<16xf32, #tpu.memory_space<vmem_shared>>
        tpu.wait_dma2 semaphore(%run_scoped3A : memref<!tpu.dma_semaphore, #tpu.memory_space<semaphore_mem>>) src(%dma_wait3A_432 : memref<16xf32, #tpu.memory_space<vmem_shared>>) dst(%arg7 : memref<16xf32, #tpu.memory_space<vmem>>)
        tpu.yield
      }) : () -> ()
      %get3A_347 = arith.constant 0 : index
      %get3A_348 = tpu.vector_load %arg7[%get3A_347] {strides = array<i32>} : memref<16xf32, #tpu.memory_space<vmem>>, vector<16xf32>,
      %get3A_349 = vector.shape_cast %get3A_348 : vector<16xf32> to vector<16xf32>
      %add3A_350 = arith.addf %add3A_346, %get3A_349 : vector<16xf32>
      "tpu.region"() ({
        %run_scoped3A = tpu.sem_alloc : memref<!tpu.dma_semaphore, #tpu.memory_space<semaphore_mem>>
        %dma_start3A = arith.constant 32 : i32
        %dma_start3A_427 = tpu.memref_slice %arg8[%dma_start3A] : memref<256xf32, #tpu.memory_space<vmem_shared>> -> memref<16xf32, #tpu.memory_space<vmem_shared>>
        %dma_start3A_428 = arith.constant 32 : i32
        %dma_start3A_429 = tpu.memref_slice %arg8[%dma_start3A_428] : memref<256xf32, #tpu.memory_space<vmem_shared>> -> memref<16xf32, #tpu.memory_space<vmem_shared>>
        tpu.enqueue_dma source(%dma_start3A_429 : memref<16xf32, #tpu.memory_space<vmem_shared>>) target(%arg7 : memref<16xf32, #tpu.memory_space<vmem>>) target_semaphore(%run_scoped3A : memref<!tpu.dma_semaphore, #tpu.memory_space<semaphore_mem>>)
        %dma_wait3A = arith.constant 32 : i32
        %dma_wait3A_430 = tpu.memref_slice %arg8[%dma_wait3A] : memref<256xf32, #tpu.memory_space<vmem_shared>> -> memref<16xf32, #tpu.memory_space<vmem_shared>>
        %dma_wait3A_431 = arith.constant 32 : i32
        %dma_wait3A_432 = tpu.memref_slice %arg8[%dma_wait3A_431] : memref<256xf32, #tpu.memory_space<vmem_shared>> -> memref<16xf32, #tpu.memory_space<vmem_shared>>
        tpu.wait_dma2 semaphore(%run_scoped3A : memref<!tpu.dma_semaphore, #tpu.memory_space<semaphore_mem>>) src(%dma_wait3A_432 : memref<16xf32, #tpu.memory_space<vmem_shared>>) dst(%arg7 : memref<16xf32, #tpu.memory_space<vmem>>)
        tpu.yield
      }) : () -> ()
      %get3A_351 = arith.constant 0 : index
      %get3A_352 = tpu.vector_load %arg7[%get3A_351] {strides = array<i32>} : memref<16xf32, #tpu.memory_space<vmem>>, vector<16xf32>,
      %get3A_353 = vector.shape_cast %get3A_352 : vector<16xf32> to vector<16xf32>
      %add3A_354 = arith.addf %add3A_350, %get3A_353 : vector<16xf32>
      "tpu.region"() ({
        %run_scoped3A = tpu.sem_alloc : memref<!tpu.dma_semaphore, #tpu.memory_space<semaphore_mem>>
        %dma_start3A = arith.constant 48 : i32
        %dma_start3A_427 = tpu.memref_slice %arg8[%dma_start3A] : memref<256xf32, #tpu.memory_space<vmem_shared>> -> memref<16xf32, #tpu.memory_space<vmem_shared>>
        %dma_start3A_428 = arith.constant 48 : i32
        %dma_start3A_429 = tpu.memref_slice %arg8[%dma_start3A_428] : memref<256xf32, #tpu.memory_space<vmem_shared>> -> memref<16xf32, #tpu.memory_space<vmem_shared>>
        tpu.enqueue_dma source(%dma_start3A_429 : memref<16xf32, #tpu.memory_space<vmem_shared>>) target(%arg7 : memref<16xf32, #tpu.memory_space<vmem>>) target_semaphore(%run_scoped3A : memref<!tpu.dma_semaphore, #tpu.memory_space<semaphore_mem>>)
        %dma_wait3A = arith.constant 48 : i32
        %dma_wait3A_430 = tpu.memref_slice %arg8[%dma_wait3A] : memref<256xf32, #tpu.memory_space<vmem_shared>> -> memref<16xf32, #tpu.memory_space<vmem_shared>>
        %dma_wait3A_431 = arith.constant 48 : i32
        %dma_wait3A_432 = tpu.memref_slice %arg8[%dma_wait3A_431] : memref<256xf32, #tpu.memory_space<vmem_shared>> -> memref<16xf32, #tpu.memory_space<vmem_shared>>
        tpu.wait_dma2 semaphore(%run_scoped3A : memref<!tpu.dma_semaphore, #tpu.memory_space<semaphore_mem>>) src(%dma_wait3A_432 : memref<16xf32, #tpu.memory_space<vmem_shared>>) dst(%arg7 : memref<16xf32, #tpu.memory_space<vmem>>)
        tpu.yield
      }) : () -> ()
      %get3A_355 = arith.constant 0 : index
      %get3A_356 = tpu.vector_load %arg7[%get3A_355] {strides = array<i32>} : memref<16xf32, #tpu.memory_space<vmem>>, vector<16xf32>,
      %get3A_357 = vector.shape_cast %get3A_356 : vector<16xf32> to vector<16xf32>
      %add3A_358 = arith.addf %add3A_354, %get3A_357 : vector<16xf32>
      "tpu.region"() ({
        %run_scoped3A = tpu.sem_alloc : memref<!tpu.dma_semaphore, #tpu.memory_space<semaphore_mem>>
        %dma_start3A = arith.constant 64 : i32
        %dma_start3A_427 = tpu.memref_slice %arg8[%dma_start3A] : memref<256xf32, #tpu.memory_space<vmem_shared>> -> memref<16xf32, #tpu.memory_space<vmem_shared>>
        %dma_start3A_428 = arith.constant 64 : i32
        %dma_start3A_429 = tpu.memref_slice %arg8[%dma_start3A_428] : memref<256xf32, #tpu.memory_space<vmem_shared>> -> memref<16xf32, #tpu.memory_space<vmem_shared>>
        tpu.enqueue_dma source(%dma_start3A_429 : memref<16xf32, #tpu.memory_space<vmem_shared>>) target(%arg7 : memref<16xf32, #tpu.memory_space<vmem>>) target_semaphore(%run_scoped3A : memref<!tpu.dma_semaphore, #tpu.memory_space<semaphore_mem>>)
        %dma_wait3A = arith.constant 64 : i32
        %dma_wait3A_430 = tpu.memref_slice %arg8[%dma_wait3A] : memref<256xf32, #tpu.memory_space<vmem_shared>> -> memref<16xf32, #tpu.memory_space<vmem_shared>>
        %dma_wait3A_431 = arith.constant 64 : i32
        %dma_wait3A_432 = tpu.memref_slice %arg8[%dma_wait3A_431] : memref<256xf32, #tpu.memory_space<vmem_shared>> -> memref<16xf32, #tpu.memory_space<vmem_shared>>
        tpu.wait_dma2 semaphore(%run_scoped3A : memref<!tpu.dma_semaphore, #tpu.memory_space<semaphore_mem>>) src(%dma_wait3A_432 : memref<16xf32, #tpu.memory_space<vmem_shared>>) dst(%arg7 : memref<16xf32, #tpu.memory_space<vmem>>)
        tpu.yield
      }) : () -> ()
      %get3A_359 = arith.constant 0 : index
      %get3A_360 = tpu.vector_load %arg7[%get3A_359] {strides = array<i32>} : memref<16xf32, #tpu.memory_space<vmem>>, vector<16xf32>,
      %get3A_361 = vector.shape_cast %get3A_360 : vector<16xf32> to vector<16xf32>
      %add3A_362 = arith.addf %add3A_358, %get3A_361 : vector<16xf32>
      "tpu.region"() ({
        %run_scoped3A = tpu.sem_alloc : memref<!tpu.dma_semaphore, #tpu.memory_space<semaphore_mem>>
        %dma_start3A = arith.constant 80 : i32
        %dma_start3A_427 = tpu.memref_slice %arg8[%dma_start3A] : memref<256xf32, #tpu.memory_space<vmem_shared>> -> memref<16xf32, #tpu.memory_space<vmem_shared>>
        %dma_start3A_428 = arith.constant 80 : i32
        %dma_start3A_429 = tpu.memref_slice %arg8[%dma_start3A_428] : memref<256xf32, #tpu.memory_space<vmem_shared>> -> memref<16xf32, #tpu.memory_space<vmem_shared>>
        tpu.enqueue_dma source(%dma_start3A_429 : memref<16xf32, #tpu.memory_space<vmem_shared>>) target(%arg7 : memref<16xf32, #tpu.memory_space<vmem>>) target_semaphore(%run_scoped3A : memref<!tpu.dma_semaphore, #tpu.memory_space<semaphore_mem>>)
        %dma_wait3A = arith.constant 80 : i32
        %dma_wait3A_430 = tpu.memref_slice %arg8[%dma_wait3A] : memref<256xf32, #tpu.memory_space<vmem_shared>> -> memref<16xf32, #tpu.memory_space<vmem_shared>>
        %dma_wait3A_431 = arith.constant 80 : i32
        %dma_wait3A_432 = tpu.memref_slice %arg8[%dma_wait3A_431] : memref<256xf32, #tpu.memory_space<vmem_shared>> -> memref<16xf32, #tpu.memory_space<vmem_shared>>
        tpu.wait_dma2 semaphore(%run_scoped3A : memref<!tpu.dma_semaphore, #tpu.memory_space<semaphore_mem>>) src(%dma_wait3A_432 : memref<16xf32, #tpu.memory_space<vmem_shared>>) dst(%arg7 : memref<16xf32, #tpu.memory_space<vmem>>)
        tpu.yield
      }) : () -> ()
      %get3A_363 = arith.constant 0 : index
      %get3A_364 = tpu.vector_load %arg7[%get3A_363] {strides = array<i32>} : memref<16xf32, #tpu.memory_space<vmem>>, vector<16xf32>,
      %get3A_365 = vector.shape_cast %get3A_364 : vector<16xf32> to vector<16xf32>
      %add3A_366 = arith.addf %add3A_362, %get3A_365 : vector<16xf32>
      "tpu.region"() ({
        %run_scoped3A = tpu.sem_alloc : memref<!tpu.dma_semaphore, #tpu.memory_space<semaphore_mem>>
        %dma_start3A = arith.constant 96 : i32
        %dma_start3A_427 = tpu.memref_slice %arg8[%dma_start3A] : memref<256xf32, #tpu.memory_space<vmem_shared>> -> memref<16xf32, #tpu.memory_space<vmem_shared>>
        %dma_start3A_428 = arith.constant 96 : i32
        %dma_start3A_429 = tpu.memref_slice %arg8[%dma_start3A_428] : memref<256xf32, #tpu.memory_space<vmem_shared>> -> memref<16xf32, #tpu.memory_space<vmem_shared>>
        tpu.enqueue_dma source(%dma_start3A_429 : memref<16xf32, #tpu.memory_space<vmem_shared>>) target(%arg7 : memref<16xf32, #tpu.memory_space<vmem>>) target_semaphore(%run_scoped3A : memref<!tpu.dma_semaphore, #tpu.memory_space<semaphore_mem>>)
        %dma_wait3A = arith.constant 96 : i32
        %dma_wait3A_430 = tpu.memref_slice %arg8[%dma_wait3A] : memref<256xf32, #tpu.memory_space<vmem_shared>> -> memref<16xf32, #tpu.memory_space<vmem_shared>>
        %dma_wait3A_431 = arith.constant 96 : i32
        %dma_wait3A_432 = tpu.memref_slice %arg8[%dma_wait3A_431] : memref<256xf32, #tpu.memory_space<vmem_shared>> -> memref<16xf32, #tpu.memory_space<vmem_shared>>
        tpu.wait_dma2 semaphore(%run_scoped3A : memref<!tpu.dma_semaphore, #tpu.memory_space<semaphore_mem>>) src(%dma_wait3A_432 : memref<16xf32, #tpu.memory_space<vmem_shared>>) dst(%arg7 : memref<16xf32, #tpu.memory_space<vmem>>)
        tpu.yield
      }) : () -> ()
      %get3A_367 = arith.constant 0 : index
      %get3A_368 = tpu.vector_load %arg7[%get3A_367] {strides = array<i32>} : memref<16xf32, #tpu.memory_space<vmem>>, vector<16xf32>,
      %get3A_369 = vector.shape_cast %get3A_368 : vector<16xf32> to vector<16xf32>
      %add3A_370 = arith.addf %add3A_366, %get3A_369 : vector<16xf32>
      "tpu.region"() ({
        %run_scoped3A = tpu.sem_alloc : memref<!tpu.dma_semaphore, #tpu.memory_space<semaphore_mem>>
        %dma_start3A = arith.constant 112 : i32
        %dma_start3A_427 = tpu.memref_slice %arg8[%dma_start3A] : memref<256xf32, #tpu.memory_space<vmem_shared>> -> memref<16xf32, #tpu.memory_space<vmem_shared>>
        %dma_start3A_428 = arith.constant 112 : i32
        %dma_start3A_429 = tpu.memref_slice %arg8[%dma_start3A_428] : memref<256xf32, #tpu.memory_space<vmem_shared>> -> memref<16xf32, #tpu.memory_space<vmem_shared>>
        tpu.enqueue_dma source(%dma_start3A_429 : memref<16xf32, #tpu.memory_space<vmem_shared>>) target(%arg7 : memref<16xf32, #tpu.memory_space<vmem>>) target_semaphore(%run_scoped3A : memref<!tpu.dma_semaphore, #tpu.memory_space<semaphore_mem>>)
        %dma_wait3A = arith.constant 112 : i32
        %dma_wait3A_430 = tpu.memref_slice %arg8[%dma_wait3A] : memref<256xf32, #tpu.memory_space<vmem_shared>> -> memref<16xf32, #tpu.memory_space<vmem_shared>>
        %dma_wait3A_431 = arith.constant 112 : i32
        %dma_wait3A_432 = tpu.memref_slice %arg8[%dma_wait3A_431] : memref<256xf32, #tpu.memory_space<vmem_shared>> -> memref<16xf32, #tpu.memory_space<vmem_shared>>
        tpu.wait_dma2 semaphore(%run_scoped3A : memref<!tpu.dma_semaphore, #tpu.memory_space<semaphore_mem>>) src(%dma_wait3A_432 : memref<16xf32, #tpu.memory_space<vmem_shared>>) dst(%arg7 : memref<16xf32, #tpu.memory_space<vmem>>)
        tpu.yield
      }) : () -> ()
      %get3A_371 = arith.constant 0 : index
      %get3A_372 = tpu.vector_load %arg7[%get3A_371] {strides = array<i32>} : memref<16xf32, #tpu.memory_space<vmem>>, vector<16xf32>,
      %get3A_373 = vector.shape_cast %get3A_372 : vector<16xf32> to vector<16xf32>
      %add3A_374 = arith.addf %add3A_370, %get3A_373 : vector<16xf32>
      "tpu.region"() ({
        %run_scoped3A = tpu.sem_alloc : memref<!tpu.dma_semaphore, #tpu.memory_space<semaphore_mem>>
        %dma_start3A = arith.constant 128 : i32
        %dma_start3A_427 = tpu.memref_slice %arg8[%dma_start3A] : memref<256xf32, #tpu.memory_space<vmem_shared>> -> memref<16xf32, #tpu.memory_space<vmem_shared>>
        %dma_start3A_428 = arith.constant 128 : i32
        %dma_start3A_429 = tpu.memref_slice %arg8[%dma_start3A_428] : memref<256xf32, #tpu.memory_space<vmem_shared>> -> memref<16xf32, #tpu.memory_space<vmem_shared>>
        tpu.enqueue_dma source(%dma_start3A_429 : memref<16xf32, #tpu.memory_space<vmem_shared>>) target(%arg7 : memref<16xf32, #tpu.memory_space<vmem>>) target_semaphore(%run_scoped3A : memref<!tpu.dma_semaphore, #tpu.memory_space<semaphore_mem>>)
        %dma_wait3A = arith.constant 128 : i32
        %dma_wait3A_430 = tpu.memref_slice %arg8[%dma_wait3A] : memref<256xf32, #tpu.memory_space<vmem_shared>> -> memref<16xf32, #tpu.memory_space<vmem_shared>>
        %dma_wait3A_431 = arith.constant 128 : i32
        %dma_wait3A_432 = tpu.memref_slice %arg8[%dma_wait3A_431] : memref<256xf32, #tpu.memory_space<vmem_shared>> -> memref<16xf32, #tpu.memory_space<vmem_shared>>
        tpu.wait_dma2 semaphore(%run_scoped3A : memref<!tpu.dma_semaphore, #tpu.memory_space<semaphore_mem>>) src(%dma_wait3A_432 : memref<16xf32, #tpu.memory_space<vmem_shared>>) dst(%arg7 : memref<16xf32, #tpu.memory_space<vmem>>)
        tpu.yield
      }) : () -> ()
      %get3A_375 = arith.constant 0 : index
      %get3A_376 = tpu.vector_load %arg7[%get3A_375] {strides = array<i32>} : memref<16xf32, #tpu.memory_space<vmem>>, vector<16xf32>,
      %get3A_377 = vector.shape_cast %get3A_376 : vector<16xf32> to vector<16xf32>
      %add3A_378 = arith.addf %add3A_374, %get3A_377 : vector<16xf32>
      "tpu.region"() ({
        %run_scoped3A = tpu.sem_alloc : memref<!tpu.dma_semaphore, #tpu.memory_space<semaphore_mem>>
        %dma_start3A = arith.constant 144 : i32
        %dma_start3A_427 = tpu.memref_slice %arg8[%dma_start3A] : memref<256xf32, #tpu.memory_space<vmem_shared>> -> memref<16xf32, #tpu.memory_space<vmem_shared>>
        %dma_start3A_428 = arith.constant 144 : i32
        %dma_start3A_429 = tpu.memref_slice %arg8[%dma_start3A_428] : memref<256xf32, #tpu.memory_space<vmem_shared>> -> memref<16xf32, #tpu.memory_space<vmem_shared>>
        tpu.enqueue_dma source(%dma_start3A_429 : memref<16xf32, #tpu.memory_space<vmem_shared>>) target(%arg7 : memref<16xf32, #tpu.memory_space<vmem>>) target_semaphore(%run_scoped3A : memref<!tpu.dma_semaphore, #tpu.memory_space<semaphore_mem>>)
        %dma_wait3A = arith.constant 144 : i32
        %dma_wait3A_430 = tpu.memref_slice %arg8[%dma_wait3A] : memref<256xf32, #tpu.memory_space<vmem_shared>> -> memref<16xf32, #tpu.memory_space<vmem_shared>>
        %dma_wait3A_431 = arith.constant 144 : i32
        %dma_wait3A_432 = tpu.memref_slice %arg8[%dma_wait3A_431] : memref<256xf32, #tpu.memory_space<vmem_shared>> -> memref<16xf32, #tpu.memory_space<vmem_shared>>
        tpu.wait_dma2 semaphore(%run_scoped3A : memref<!tpu.dma_semaphore, #tpu.memory_space<semaphore_mem>>) src(%dma_wait3A_432 : memref<16xf32, #tpu.memory_space<vmem_shared>>) dst(%arg7 : memref<16xf32, #tpu.memory_space<vmem>>)
        tpu.yield
      }) : () -> ()
      %get3A_379 = arith.constant 0 : index
      %get3A_380 = tpu.vector_load %arg7[%get3A_379] {strides = array<i32>} : memref<16xf32, #tpu.memory_space<vmem>>, vector<16xf32>,
      %get3A_381 = vector.shape_cast %get3A_380 : vector<16xf32> to vector<16xf32>
      %add3A_382 = arith.addf %add3A_378, %get3A_381 : vector<16xf32>
      "tpu.region"() ({
        %run_scoped3A = tpu.sem_alloc : memref<!tpu.dma_semaphore, #tpu.memory_space<semaphore_mem>>
        %dma_start3A = arith.constant 160 : i32
        %dma_start3A_427 = tpu.memref_slice %arg8[%dma_start3A] : memref<256xf32, #tpu.memory_space<vmem_shared>> -> memref<16xf32, #tpu.memory_space<vmem_shared>>
        %dma_start3A_428 = arith.constant 160 : i32
        %dma_start3A_429 = tpu.memref_slice %arg8[%dma_start3A_428] : memref<256xf32, #tpu.memory_space<vmem_shared>> -> memref<16xf32, #tpu.memory_space<vmem_shared>>
        tpu.enqueue_dma source(%dma_start3A_429 : memref<16xf32, #tpu.memory_space<vmem_shared>>) target(%arg7 : memref<16xf32, #tpu.memory_space<vmem>>) target_semaphore(%run_scoped3A : memref<!tpu.dma_semaphore, #tpu.memory_space<semaphore_mem>>)
        %dma_wait3A = arith.constant 160 : i32
        %dma_wait3A_430 = tpu.memref_slice %arg8[%dma_wait3A] : memref<256xf32, #tpu.memory_space<vmem_shared>> -> memref<16xf32, #tpu.memory_space<vmem_shared>>
        %dma_wait3A_431 = arith.constant 160 : i32
        %dma_wait3A_432 = tpu.memref_slice %arg8[%dma_wait3A_431] : memref<256xf32, #tpu.memory_space<vmem_shared>> -> memref<16xf32, #tpu.memory_space<vmem_shared>>
        tpu.wait_dma2 semaphore(%run_scoped3A : memref<!tpu.dma_semaphore, #tpu.memory_space<semaphore_mem>>) src(%dma_wait3A_432 : memref<16xf32, #tpu.memory_space<vmem_shared>>) dst(%arg7 : memref<16xf32, #tpu.memory_space<vmem>>)
        tpu.yield
      }) : () -> ()
      %get3A_383 = arith.constant 0 : index
      %get3A_384 = tpu.vector_load %arg7[%get3A_383] {strides = array<i32>} : memref<16xf32, #tpu.memory_space<vmem>>, vector<16xf32>,
      %get3A_385 = vector.shape_cast %get3A_384 : vector<16xf32> to vector<16xf32>
      %add3A_386 = arith.addf %add3A_382, %get3A_385 : vector<16xf32>
      "tpu.region"() ({
        %run_scoped3A = tpu.sem_alloc : memref<!tpu.dma_semaphore, #tpu.memory_space<semaphore_mem>>
        %dma_start3A = arith.constant 176 : i32
        %dma_start3A_427 = tpu.memref_slice %arg8[%dma_start3A] : memref<256xf32, #tpu.memory_space<vmem_shared>> -> memref<16xf32, #tpu.memory_space<vmem_shared>>
        %dma_start3A_428 = arith.constant 176 : i32
        %dma_start3A_429 = tpu.memref_slice %arg8[%dma_start3A_428] : memref<256xf32, #tpu.memory_space<vmem_shared>> -> memref<16xf32, #tpu.memory_space<vmem_shared>>
        tpu.enqueue_dma source(%dma_start3A_429 : memref<16xf32, #tpu.memory_space<vmem_shared>>) target(%arg7 : memref<16xf32, #tpu.memory_space<vmem>>) target_semaphore(%run_scoped3A : memref<!tpu.dma_semaphore, #tpu.memory_space<semaphore_mem>>)
        %dma_wait3A = arith.constant 176 : i32
        %dma_wait3A_430 = tpu.memref_slice %arg8[%dma_wait3A] : memref<256xf32, #tpu.memory_space<vmem_shared>> -> memref<16xf32, #tpu.memory_space<vmem_shared>>
        %dma_wait3A_431 = arith.constant 176 : i32
        %dma_wait3A_432 = tpu.memref_slice %arg8[%dma_wait3A_431] : memref<256xf32, #tpu.memory_space<vmem_shared>> -> memref<16xf32, #tpu.memory_space<vmem_shared>>
        tpu.wait_dma2 semaphore(%run_scoped3A : memref<!tpu.dma_semaphore, #tpu.memory_space<semaphore_mem>>) src(%dma_wait3A_432 : memref<16xf32, #tpu.memory_space<vmem_shared>>) dst(%arg7 : memref<16xf32, #tpu.memory_space<vmem>>)
        tpu.yield
      }) : () -> ()
      %get3A_387 = arith.constant 0 : index
      %get3A_388 = tpu.vector_load %arg7[%get3A_387] {strides = array<i32>} : memref<16xf32, #tpu.memory_space<vmem>>, vector<16xf32>,
      %get3A_389 = vector.shape_cast %get3A_388 : vector<16xf32> to vector<16xf32>
      %add3A_390 = arith.addf %add3A_386, %get3A_389 : vector<16xf32>
      "tpu.region"() ({
        %run_scoped3A = tpu.sem_alloc : memref<!tpu.dma_semaphore, #tpu.memory_space<semaphore_mem>>
        %dma_start3A = arith.constant 192 : i32
        %dma_start3A_427 = tpu.memref_slice %arg8[%dma_start3A] : memref<256xf32, #tpu.memory_space<vmem_shared>> -> memref<16xf32, #tpu.memory_space<vmem_shared>>
        %dma_start3A_428 = arith.constant 192 : i32
        %dma_start3A_429 = tpu.memref_slice %arg8[%dma_start3A_428] : memref<256xf32, #tpu.memory_space<vmem_shared>> -> memref<16xf32, #tpu.memory_space<vmem_shared>>
        tpu.enqueue_dma source(%dma_start3A_429 : memref<16xf32, #tpu.memory_space<vmem_shared>>) target(%arg7 : memref<16xf32, #tpu.memory_space<vmem>>) target_semaphore(%run_scoped3A : memref<!tpu.dma_semaphore, #tpu.memory_space<semaphore_mem>>)
        %dma_wait3A = arith.constant 192 : i32
        %dma_wait3A_430 = tpu.memref_slice %arg8[%dma_wait3A] : memref<256xf32, #tpu.memory_space<vmem_shared>> -> memref<16xf32, #tpu.memory_space<vmem_shared>>
        %dma_wait3A_431 = arith.constant 192 : i32
        %dma_wait3A_432 = tpu.memref_slice %arg8[%dma_wait3A_431] : memref<256xf32, #tpu.memory_space<vmem_shared>> -> memref<16xf32, #tpu.memory_space<vmem_shared>>
        tpu.wait_dma2 semaphore(%run_scoped3A : memref<!tpu.dma_semaphore, #tpu.memory_space<semaphore_mem>>) src(%dma_wait3A_432 : memref<16xf32, #tpu.memory_space<vmem_shared>>) dst(%arg7 : memref<16xf32, #tpu.memory_space<vmem>>)
        tpu.yield
      }) : () -> ()
      %get3A_391 = arith.constant 0 : index
      %get3A_392 = tpu.vector_load %arg7[%get3A_391] {strides = array<i32>} : memref<16xf32, #tpu.memory_space<vmem>>, vector<16xf32>,
      %get3A_393 = vector.shape_cast %get3A_392 : vector<16xf32> to vector<16xf32>
      %add3A_394 = arith.addf %add3A_390, %get3A_393 : vector<16xf32>
      "tpu.region"() ({
        %run_scoped3A = tpu.sem_alloc : memref<!tpu.dma_semaphore, #tpu.memory_space<semaphore_mem>>
        %dma_start3A = arith.constant 208 : i32
        %dma_start3A_427 = tpu.memref_slice %arg8[%dma_start3A] : memref<256xf32, #tpu.memory_space<vmem_shared>> -> memref<16xf32, #tpu.memory_space<vmem_shared>>
        %dma_start3A_428 = arith.constant 208 : i32
        %dma_start3A_429 = tpu.memref_slice %arg8[%dma_start3A_428] : memref<256xf32, #tpu.memory_space<vmem_shared>> -> memref<16xf32, #tpu.memory_space<vmem_shared>>
        tpu.enqueue_dma source(%dma_start3A_429 : memref<16xf32, #tpu.memory_space<vmem_shared>>) target(%arg7 : memref<16xf32, #tpu.memory_space<vmem>>) target_semaphore(%run_scoped3A : memref<!tpu.dma_semaphore, #tpu.memory_space<semaphore_mem>>)
        %dma_wait3A = arith.constant 208 : i32
        %dma_wait3A_430 = tpu.memref_slice %arg8[%dma_wait3A] : memref<256xf32, #tpu.memory_space<vmem_shared>> -> memref<16xf32, #tpu.memory_space<vmem_shared>>
        %dma_wait3A_431 = arith.constant 208 : i32
        %dma_wait3A_432 = tpu.memref_slice %arg8[%dma_wait3A_431] : memref<256xf32, #tpu.memory_space<vmem_shared>> -> memref<16xf32, #tpu.memory_space<vmem_shared>>
        tpu.wait_dma2 semaphore(%run_scoped3A : memref<!tpu.dma_semaphore, #tpu.memory_space<semaphore_mem>>) src(%dma_wait3A_432 : memref<16xf32, #tpu.memory_space<vmem_shared>>) dst(%arg7 : memref<16xf32, #tpu.memory_space<vmem>>)
        tpu.yield
      }) : () -> ()
      %get3A_395 = arith.constant 0 : index
      %get3A_396 = tpu.vector_load %arg7[%get3A_395] {strides = array<i32>} : memref<16xf32, #tpu.memory_space<vmem>>, vector<16xf32>,
      %get3A_397 = vector.shape_cast %get3A_396 : vector<16xf32> to vector<16xf32>
      %add3A_398 = arith.addf %add3A_394, %get3A_397 : vector<16xf32>
      "tpu.region"() ({
        %run_scoped3A = tpu.sem_alloc : memref<!tpu.dma_semaphore, #tpu.memory_space<semaphore_mem>>
        %dma_start3A = arith.constant 224 : i32
        %dma_start3A_427 = tpu.memref_slice %arg8[%dma_start3A] : memref<256xf32, #tpu.memory_space<vmem_shared>> -> memref<16xf32, #tpu.memory_space<vmem_shared>>
        %dma_start3A_428 = arith.constant 224 : i32
        %dma_start3A_429 = tpu.memref_slice %arg8[%dma_start3A_428] : memref<256xf32, #tpu.memory_space<vmem_shared>> -> memref<16xf32, #tpu.memory_space<vmem_shared>>
        tpu.enqueue_dma source(%dma_start3A_429 : memref<16xf32, #tpu.memory_space<vmem_shared>>) target(%arg7 : memref<16xf32, #tpu.memory_space<vmem>>) target_semaphore(%run_scoped3A : memref<!tpu.dma_semaphore, #tpu.memory_space<semaphore_mem>>)
        %dma_wait3A = arith.constant 224 : i32
        %dma_wait3A_430 = tpu.memref_slice %arg8[%dma_wait3A] : memref<256xf32, #tpu.memory_space<vmem_shared>> -> memref<16xf32, #tpu.memory_space<vmem_shared>>
        %dma_wait3A_431 = arith.constant 224 : i32
        %dma_wait3A_432 = tpu.memref_slice %arg8[%dma_wait3A_431] : memref<256xf32, #tpu.memory_space<vmem_shared>> -> memref<16xf32, #tpu.memory_space<vmem_shared>>
        tpu.wait_dma2 semaphore(%run_scoped3A : memref<!tpu.dma_semaphore, #tpu.memory_space<semaphore_mem>>) src(%dma_wait3A_432 : memref<16xf32, #tpu.memory_space<vmem_shared>>) dst(%arg7 : memref<16xf32, #tpu.memory_space<vmem>>)
        tpu.yield
      }) : () -> ()
      %get3A_399 = arith.constant 0 : index
      %get3A_400 = tpu.vector_load %arg7[%get3A_399] {strides = array<i32>} : memref<16xf32, #tpu.memory_space<vmem>>, vector<16xf32>,
      %get3A_401 = vector.shape_cast %get3A_400 : vector<16xf32> to vector<16xf32>
      %add3A_402 = arith.addf %add3A_398, %get3A_401 : vector<16xf32>
      "tpu.region"() ({
        %run_scoped3A = tpu.sem_alloc : memref<!tpu.dma_semaphore, #tpu.memory_space<semaphore_mem>>
        %dma_start3A = arith.constant 240 : i32
        %dma_start3A_427 = tpu.memref_slice %arg8[%dma_start3A] : memref<256xf32, #tpu.memory_space<vmem_shared>> -> memref<16xf32, #tpu.memory_space<vmem_shared>>
        %dma_start3A_428 = arith.constant 240 : i32
        %dma_start3A_429 = tpu.memref_slice %arg8[%dma_start3A_428] : memref<256xf32, #tpu.memory_space<vmem_shared>> -> memref<16xf32, #tpu.memory_space<vmem_shared>>
        tpu.enqueue_dma source(%dma_start3A_429 : memref<16xf32, #tpu.memory_space<vmem_shared>>) target(%arg7 : memref<16xf32, #tpu.memory_space<vmem>>) target_semaphore(%run_scoped3A : memref<!tpu.dma_semaphore, #tpu.memory_space<semaphore_mem>>)
        %dma_wait3A = arith.constant 240 : i32
        %dma_wait3A_430 = tpu.memref_slice %arg8[%dma_wait3A] : memref<256xf32, #tpu.memory_space<vmem_shared>> -> memref<16xf32, #tpu.memory_space<vmem_shared>>
        %dma_wait3A_431 = arith.constant 240 : i32
        %dma_wait3A_432 = tpu.memref_slice %arg8[%dma_wait3A_431] : memref<256xf32, #tpu.memory_space<vmem_shared>> -> memref<16xf32, #tpu.memory_space<vmem_shared>>
        tpu.wait_dma2 semaphore(%run_scoped3A : memref<!tpu.dma_semaphore, #tpu.memory_space<semaphore_mem>>) src(%dma_wait3A_432 : memref<16xf32, #tpu.memory_space<vmem_shared>>) dst(%arg7 : memref<16xf32, #tpu.memory_space<vmem>>)
        tpu.yield
      }) : () -> ()
      %get3A_403 = arith.constant 0 : index
      %get3A_404 = tpu.vector_load %arg7[%get3A_403] {strides = array<i32>} : memref<16xf32, #tpu.memory_space<vmem>>, vector<16xf32>,
      %get3A_405 = vector.shape_cast %get3A_404 : vector<16xf32> to vector<16xf32>
      %add3A_406 = arith.addf %add3A_402, %get3A_405 : vector<16xf32>
      %slice3A_407 = vector.extract_strided_slice %add3A_406 {offsets = [2], sizes = [1], strides = [1]} : vector<16xf32> to vector<1xf32>
      %squeeze3A_408 = vector.extract %slice3A_407[0] : f32 from vector<1xf32>
      %slice3A_409 = vector.extract_strided_slice %add3A_406 {offsets = [0], sizes = [1], strides = [1]} : vector<16xf32> to vector<1xf32>
      %squeeze3A_410 = vector.extract %slice3A_409[0] : f32 from vector<1xf32>
      %add3A_411 = arith.addf %squeeze3A_408, %squeeze3A_410 : f32
      %broadcast_in_dim3A_412 = vector.broadcast %add3A_411 : f32 to vector<16xf32>
      %iota3A_413 = tpu.iota {dimensions = array<i32: 0>} : vector<16xi32>
      %ge3A_414 = arith.constant 0 : i32
      %ge3A_415 = vector.broadcast %ge3A_414 : i32 to vector<16xi32>
      %ge3A_416 = arith.cmpi sge, %iota3A_413, %ge3A_415 : vector<16xi32>
      %slice3A_417 = vector.extract_strided_slice %add3A_406 {offsets = [1], sizes = [1], strides = [1]} : vector<16xf32> to vector<1xf32>
      %squeeze3A_418 = vector.extract %slice3A_417[0] : f32 from vector<1xf32>
      %jit3A_419 = arith.constant 1.000000e+00 : f32
      %broadcast_in_dim3A_420 = vector.broadcast %squeeze3A_418 : f32 to vector<16xf32>
      %broadcast_in_dim3A_421 = vector.broadcast %jit3A_419 : f32 to vector<16xf32>
      %select_n3A_422 = arith.select %ge3A_416, %broadcast_in_dim3A_420, %broadcast_in_dim3A_421 : vector<16xi1>, vector<16xf32>
      %div3A = arith.divf %broadcast_in_dim3A_412, %select_n3A_422 : vector<16xf32>
      %swap3A_423 = arith.constant 0 : index
      %swap3A_424 = tpu.vector_load %arg7[%swap3A_423] {strides = array<i32>} : memref<16xf32, #tpu.memory_space<vmem>>, vector<16xf32>,
      %swap3A_425 = vector.shape_cast %swap3A_424 : vector<16xf32> to vector<16xf32>
      %swap3A_426 = vector.shape_cast %div3A : vector<16xf32> to vector<16xf32>
      tpu.vector_store %arg7[%swap3A_423], %swap3A_426 {strides = array<i32>} : memref<16xf32, #tpu.memory_space<vmem>>, vector<16xf32>,
      "tpu.region"() ({
        %run_scoped3A = tpu.sem_alloc : memref<!tpu.dma_semaphore, #tpu.memory_space<semaphore_mem>>
        tpu.enqueue_dma source(%arg7 : memref<16xf32, #tpu.memory_space<vmem>>) target(%arg4 : memref<16xf32, #tpu.memory_space<hbm>>) target_semaphore(%run_scoped3A : memref<!tpu.dma_semaphore, #tpu.memory_space<semaphore_mem>>)
        tpu.wait_dma2 semaphore(%run_scoped3A : memref<!tpu.dma_semaphore, #tpu.memory_space<semaphore_mem>>) src(%arg7 : memref<16xf32, #tpu.memory_space<vmem>>) dst(%arg4 : memref<16xf32, #tpu.memory_space<hbm>>)
        tpu.yield
      }) : () -> ()
    } else {
    }
    return
  }
}

module attributes {stable_mosaic.version = 14 : i64} {
  func.func @_stage_a(%arg0: i32, %arg1: i32, %arg2: memref<8x1152x81xf32, #tpu.memory_space<vmem>>, %arg3: memref<8x1152xi32, #tpu.memory_space<vmem>>, %arg4: memref<8x4608xf32, #tpu.memory_space<vmem>>, %arg5: memref<8x4608xf32, #tpu.memory_space<vmem>>, %arg6: memref<8x1152xf32, #tpu.memory_space<vmem>>, %arg7: memref<8x128xf32, #tpu.memory_space<vmem>>) attributes {dimension_semantics = [#tpu.dimension_semantics<parallel>, #tpu.dimension_semantics<arbitrary>], iteration_bounds = array<i64: 8, 8>, scalar_prefetch = 0 : i64, scratch_operands = 0 : i64, tpu.core_type = #tpu.core_type<tc>, window_params = [{transform_indices = @transform_0, window_bounds = array<i64: 8, 1152, 81>}, {transform_indices = @transform_1, window_bounds = array<i64: 8, 1152>}, {transform_indices = @transform_2, window_bounds = array<i64: 8, 4608>}, {transform_indices = @transform_3, window_bounds = array<i64: 8, 4608>}, {transform_indices = @transform_4, window_bounds = array<i64: 8, 1152>}, {transform_indices = @transform_5, window_bounds = array<i64: 8, 128>}]} {
    %get3A = arith.constant 0 : index
    %get3A_0 = arith.constant 0 : index
    %get3A_1 = arith.constant 0 : index
    %get3A_2 = vector.load %arg2[%get3A, %get3A_0, %get3A_1] : memref<8x1152x81xf32, #tpu.memory_space<vmem>>, vector<8x1152x81xf32>
    %get3A_3 = arith.constant 0 : index
    %get3A_4 = arith.constant 0 : index
    %get3A_5 = vector.load %arg3[%get3A_3, %get3A_4] : memref<8x1152xi32, #tpu.memory_space<vmem>>, vector<8x1152xi32>
    %exp3A = math.exp %get3A_2 : vector<8x1152x81xf32>
    %reduce_sum3A = arith.constant dense<0.000000e+00> : vector<8x1152xf32>
    %reduce_sum3A_6 = vector.multi_reduction <add>, %exp3A, %reduce_sum3A [2] : vector<8x1152x81xf32> to vector<8x1152xf32>
    %log3A = math.log %reduce_sum3A_6 : vector<8x1152xf32>
    %iota3A = tpu.iota {dimensions = array<i32: 2>} : vector<8x1152x81xi32>
    %broadcast_in_dim3A = vector.shape_cast %get3A_5 : vector<8x1152xi32> to vector<8x1152x1xi32>
    %eq3A = vector.broadcast %broadcast_in_dim3A : vector<8x1152x1xi32> to vector<8x1152x81xi32>
    %eq3A_7 = arith.cmpi eq, %iota3A, %eq3A : vector<8x1152x81xi32>
    %jit3A = arith.constant 0.000000e+00 : f32
    %broadcast_in_dim3A_8 = vector.broadcast %jit3A : f32 to vector<8x1152x81xf32>
    %select_n3A = arith.select %eq3A_7, %get3A_2, %broadcast_in_dim3A_8 : vector<8x1152x81xi1>, vector<8x1152x81xf32>
    %reduce_sum3A_9 = arith.constant dense<0.000000e+00> : vector<8x1152xf32>
    %reduce_sum3A_10 = vector.multi_reduction <add>, %select_n3A, %reduce_sum3A_9 [2] : vector<8x1152x81xf32> to vector<8x1152xf32>
    %lt3A = arith.constant 0 : i32
    %lt3A_11 = vector.broadcast %lt3A : i32 to vector<8x1152xi32>
    %lt3A_12 = arith.cmpi slt, %get3A_5, %lt3A_11 : vector<8x1152xi32>
    %sub3A = arith.subf %log3A, %reduce_sum3A_10 : vector<8x1152xf32>
    %jit3A_13 = arith.constant 0.000000e+00 : f32
    %broadcast_in_dim3A_14 = vector.broadcast %jit3A_13 : f32 to vector<8x1152xf32>
    %select_n3A_15 = arith.select %lt3A_12, %broadcast_in_dim3A_14, %sub3A : vector<8x1152xi1>, vector<8x1152xf32>
    %iota3A_16 = tpu.iota {dimensions = array<i32: 1>} : vector<8x1152xi32>
    %mul3A = arith.constant 1152 : i32
    %mul3A_17 = arith.muli %arg1, %mul3A : i32
    %add3A = vector.broadcast %mul3A_17 : i32 to vector<8x1152xi32>
    %add3A_18 = arith.addi %add3A, %iota3A_16 : vector<8x1152xi32>
    %lt3A_19 = arith.constant 8732 : i32
    %lt3A_20 = vector.broadcast %lt3A_19 : i32 to vector<8x1152xi32>
    %lt3A_21 = arith.cmpi slt, %add3A_18, %lt3A_20 : vector<8x1152xi32>
    %gt3A = arith.constant 0 : i32
    %gt3A_22 = vector.broadcast %gt3A : i32 to vector<8x1152xi32>
    %gt3A_23 = arith.cmpi sgt, %get3A_5, %gt3A_22 : vector<8x1152xi32>
    %and3A = arith.andi %gt3A_23, %lt3A_21 : vector<8x1152xi1>
    %not3A = arith.constant dense<true> : vector<8x1152xi1>
    %not3A_24 = arith.xori %lt3A_21, %not3A : vector<8x1152xi1>
    %or3A = arith.ori %and3A, %not3A_24 : vector<8x1152xi1>
    %jit3A_25 = arith.constant 0.000000e+00 : f32
    %broadcast_in_dim3A_26 = vector.broadcast %jit3A_25 : f32 to vector<8x1152xf32>
    %select_n3A_27 = arith.select %or3A, %broadcast_in_dim3A_26, %select_n3A_15 : vector<8x1152xi1>, vector<8x1152xf32>
    %swap3A = arith.constant 0 : index
    %swap3A_28 = arith.constant 0 : index
    %swap3A_29 = vector.load %arg6[%swap3A, %swap3A_28] : memref<8x1152xf32, #tpu.memory_space<vmem>>, vector<8x1152xf32>
    tpu.vector_store %arg6[%swap3A, %swap3A_28], %select_n3A_27 {strides = array<i32>} : memref<8x1152xf32, #tpu.memory_space<vmem>>, vector<8x1152xf32>,
    %jit3A_30 = arith.constant 1.000000e+00 : f32
    %jit3A_31 = arith.constant 0.000000e+00 : f32
    %broadcast_in_dim3A_32 = vector.broadcast %jit3A_30 : f32 to vector<8x1152xf32>
    %broadcast_in_dim3A_33 = vector.broadcast %jit3A_31 : f32 to vector<8x1152xf32>
    %select_n3A_34 = arith.select %and3A, %broadcast_in_dim3A_32, %broadcast_in_dim3A_33 : vector<8x1152xi1>, vector<8x1152xf32>
    %reduce_sum3A_35 = arith.constant dense<0.000000e+00> : vector<8xf32>
    %reduce_sum3A_36 = vector.multi_reduction <add>, %select_n3A_34, %reduce_sum3A_35 [1] : vector<8x1152xf32> to vector<8xf32>
    %broadcast_in_dim3A_37 = vector.shape_cast %reduce_sum3A_36 : vector<8xf32> to vector<8x1xf32>
    %jit3A_38 = arith.constant 0.000000e+00 : f32
    %broadcast_in_dim3A_39 = vector.broadcast %jit3A_38 : f32 to vector<8x1152xf32>
    %select_n3A_40 = arith.select %and3A, %select_n3A_15, %broadcast_in_dim3A_39 : vector<8x1152xi1>, vector<8x1152xf32>
    %reduce_sum3A_41 = arith.constant dense<0.000000e+00> : vector<8xf32>
    %reduce_sum3A_42 = vector.multi_reduction <add>, %select_n3A_40, %reduce_sum3A_41 [1] : vector<8x1152xf32> to vector<8xf32>
    %broadcast_in_dim3A_43 = vector.shape_cast %reduce_sum3A_42 : vector<8xf32> to vector<8x1xf32>
    %get3A_44 = arith.constant 0 : index
    %get3A_45 = arith.constant 0 : index
    %get3A_46 = vector.load %arg4[%get3A_44, %get3A_45] : memref<8x4608xf32, #tpu.memory_space<vmem>>, vector<8x4608xf32>
    %get3A_47 = arith.constant 0 : index
    %get3A_48 = arith.constant 0 : index
    %get3A_49 = vector.load %arg5[%get3A_47, %get3A_48] : memref<8x4608xf32, #tpu.memory_space<vmem>>, vector<8x4608xf32>
    %sub3A_50 = arith.subf %get3A_46, %get3A_49 : vector<8x4608xf32>
    %abs3A = math.absf %sub3A_50 : vector<8x4608xf32>
    %lt3A_51 = arith.constant 1.000000e+00 : f32
    %lt3A_52 = vector.broadcast %lt3A_51 : f32 to vector<8x4608xf32>
    %lt3A_53 = arith.cmpf olt, %abs3A, %lt3A_52 : vector<8x4608xf32>
    %mul3A_54 = arith.constant 5.000000e-01 : f32
    %mul3A_55 = vector.broadcast %mul3A_54 : f32 to vector<8x4608xf32>
    %mul3A_56 = arith.mulf %mul3A_55, %sub3A_50 : vector<8x4608xf32>
    %mul3A_57 = arith.mulf %mul3A_56, %sub3A_50 : vector<8x4608xf32>
    %sub3A_58 = arith.constant 5.000000e-01 : f32
    %sub3A_59 = vector.broadcast %sub3A_58 : f32 to vector<8x4608xf32>
    %sub3A_60 = arith.subf %abs3A, %sub3A_59 : vector<8x4608xf32>
    %select_n3A_61 = arith.select %lt3A_53, %mul3A_57, %sub3A_60 : vector<8x4608xi1>, vector<8x4608xf32>
    %gt3A_62 = arith.constant 0 : i32
    %gt3A_63 = vector.broadcast %gt3A_62 : i32 to vector<8x1152xi32>
    %gt3A_64 = arith.cmpi sgt, %get3A_5, %gt3A_63 : vector<8x1152xi32>
    %convert_element_type3A = arith.extui %gt3A_64 : vector<8x1152xi1> to vector<8x1152xi32>
    %convert_element_type3A_65 = arith.sitofp %convert_element_type3A : vector<8x1152xi32> to vector<8x1152xf32>
    %convert_element_type3A_66 = arith.truncf %convert_element_type3A_65 : vector<8x1152xf32> to vector<8x1152xbf16>
    %iota3A_67 = tpu.iota {dimensions = array<i32: 1>} : vector<128x512xi32>
    %jit3A_68 = arith.constant 4 : i32
    %div3A = vector.broadcast %jit3A_68 : i32 to vector<128x512xi32>
    %div3A_69 = arith.divsi %iota3A_67, %div3A : vector<128x512xi32>
    %sign3A = arith.constant 0 : i32
    %sign3A_70 = vector.broadcast %sign3A : i32 to vector<128x512xi32>
    %sign3A_71 = arith.cmpi sgt, %iota3A_67, %sign3A_70 : vector<128x512xi32>
    %sign3A_72 = arith.extui %sign3A_71 : vector<128x512xi1> to vector<128x512xi32>
    %sign3A_73 = arith.constant 0 : i32
    %sign3A_74 = vector.broadcast %sign3A_73 : i32 to vector<128x512xi32>
    %sign3A_75 = arith.cmpi slt, %iota3A_67, %sign3A_74 : vector<128x512xi32>
    %sign3A_76 = arith.extui %sign3A_75 : vector<128x512xi1> to vector<128x512xi32>
    %sign3A_77 = arith.subi %sign3A_72, %sign3A_76 : vector<128x512xi32>
    %sign3A_78 = arith.constant 0 : i32
    %sign3A_79 = arith.cmpi sgt, %jit3A_68, %sign3A_78 : i32
    %sign3A_80 = arith.extui %sign3A_79 : i1 to i32
    %sign3A_81 = arith.constant 0 : i32
    %sign3A_82 = arith.cmpi slt, %jit3A_68, %sign3A_81 : i32
    %sign3A_83 = arith.extui %sign3A_82 : i1 to i32
    %sign3A_84 = arith.subi %sign3A_80, %sign3A_83 : i32
    %ne3A = vector.broadcast %sign3A_84 : i32 to vector<128x512xi32>
    %ne3A_85 = arith.cmpi ne, %sign3A_77, %ne3A : vector<128x512xi32>
    %rem3A = vector.broadcast %jit3A_68 : i32 to vector<128x512xi32>
    %rem3A_86 = arith.remsi %iota3A_67, %rem3A : vector<128x512xi32>
    %ne3A_87 = arith.constant 0 : i32
    %ne3A_88 = vector.broadcast %ne3A_87 : i32 to vector<128x512xi32>
    %ne3A_89 = arith.cmpi ne, %rem3A_86, %ne3A_88 : vector<128x512xi32>
    %and3A_90 = arith.andi %ne3A_85, %ne3A_89 : vector<128x512xi1>
    %sub3A_91 = arith.constant 1 : i32
    %sub3A_92 = vector.broadcast %sub3A_91 : i32 to vector<128x512xi32>
    %sub3A_93 = arith.subi %div3A_69, %sub3A_92 : vector<128x512xi32>
    %select_n3A_94 = arith.select %and3A_90, %sub3A_93, %div3A_69 : vector<128x512xi1>, vector<128x512xi32>
    %iota3A_95 = tpu.iota {dimensions = array<i32: 0>} : vector<128x512xi32>
    %eq3A_96 = arith.cmpi eq, %select_n3A_94, %iota3A_95 : vector<128x512xi32>
    %convert_element_type3A_97 = arith.extui %eq3A_96 : vector<128x512xi1> to vector<128x512xi32>
    %convert_element_type3A_98 = arith.sitofp %convert_element_type3A_97 : vector<128x512xi32> to vector<128x512xf32>
    %convert_element_type3A_99 = arith.truncf %convert_element_type3A_98 : vector<128x512xf32> to vector<128x512xbf16>
    %broadcast_in_dim3A_100 = arith.constant 0.000000e+00 : f32
    %broadcast_in_dim3A_101 = vector.broadcast %broadcast_in_dim3A_100 : f32 to vector<8x1xf32>
    %slice3A = vector.extract_strided_slice %convert_element_type3A_66 {offsets = [0, 0], sizes = [8, 128], strides = [1, 1]} : vector<8x1152xbf16> to vector<8x128xbf16>
    %dot_general3A = arith.constant dense<0.000000e+00> : vector<8x512xf32>
    %dot_general3A_102 = tpu.matmul %slice3A, %convert_element_type3A_99, %dot_general3A {dimension_numbers = #tpu.dot_dimension_numbers<[1], [0], [0], [1], [0, 0, 1, 1], [], []>, transpose_lhs_hint = false} : vector<8x128xbf16>, vector<128x512xbf16>, vector<8x512xf32> -> vector<8x512xf32>
    %slice3A_103 = vector.extract_strided_slice %select_n3A_61 {offsets = [0, 0], sizes = [8, 512], strides = [1, 1]} : vector<8x4608xf32> to vector<8x512xf32>
    %iota3A_104 = tpu.iota {dimensions = array<i32: 1>} : vector<8x512xi32>
    %mul3A_105 = arith.constant 4608 : i32
    %mul3A_106 = arith.muli %arg1, %mul3A_105 : i32
    %add3A_107 = arith.constant 0 : i32
    %add3A_108 = arith.addi %mul3A_106, %add3A_107 : i32
    %add3A_109 = vector.broadcast %add3A_108 : i32 to vector<8x512xi32>
    %add3A_110 = arith.addi %add3A_109, %iota3A_104 : vector<8x512xi32>
    %lt3A_111 = arith.constant 34928 : i32
    %lt3A_112 = vector.broadcast %lt3A_111 : i32 to vector<8x512xi32>
    %lt3A_113 = arith.cmpi slt, %add3A_110, %lt3A_112 : vector<8x512xi32>
    %mul3A_114 = arith.mulf %slice3A_103, %dot_general3A_102 : vector<8x512xf32>
    %jit3A_115 = arith.constant 0.000000e+00 : f32
    %broadcast_in_dim3A_116 = vector.broadcast %jit3A_115 : f32 to vector<8x512xf32>
    %select_n3A_117 = arith.select %lt3A_113, %mul3A_114, %broadcast_in_dim3A_116 : vector<8x512xi1>, vector<8x512xf32>
    %reduce_sum3A_118 = arith.constant dense<0.000000e+00> : vector<8xf32>
    %reduce_sum3A_119 = vector.multi_reduction <add>, %select_n3A_117, %reduce_sum3A_118 [1] : vector<8x512xf32> to vector<8xf32>
    %broadcast_in_dim3A_120 = vector.shape_cast %reduce_sum3A_119 : vector<8xf32> to vector<8x1xf32>
    %add3A_121 = arith.addf %broadcast_in_dim3A_101, %broadcast_in_dim3A_120 : vector<8x1xf32>
    %slice3A_122 = vector.extract_strided_slice %convert_element_type3A_66 {offsets = [0, 128], sizes = [8, 128], strides = [1, 1]} : vector<8x1152xbf16> to vector<8x128xbf16>
    %dot_general3A_123 = arith.constant dense<0.000000e+00> : vector<8x512xf32>
    %dot_general3A_124 = tpu.matmul %slice3A_122, %convert_element_type3A_99, %dot_general3A_123 {dimension_numbers = #tpu.dot_dimension_numbers<[1], [0], [0], [1], [0, 0, 1, 1], [], []>, transpose_lhs_hint = false} : vector<8x128xbf16>, vector<128x512xbf16>, vector<8x512xf32> -> vector<8x512xf32>
    %slice3A_125 = vector.extract_strided_slice %select_n3A_61 {offsets = [0, 512], sizes = [8, 512], strides = [1, 1]} : vector<8x4608xf32> to vector<8x512xf32>
    %iota3A_126 = tpu.iota {dimensions = array<i32: 1>} : vector<8x512xi32>
    %mul3A_127 = arith.constant 4608 : i32
    %mul3A_128 = arith.muli %arg1, %mul3A_127 : i32
    %add3A_129 = arith.constant 512 : i32
    %add3A_130 = arith.addi %mul3A_128, %add3A_129 : i32
    %add3A_131 = vector.broadcast %add3A_130 : i32 to vector<8x512xi32>
    %add3A_132 = arith.addi %add3A_131, %iota3A_126 : vector<8x512xi32>
    %lt3A_133 = arith.constant 34928 : i32
    %lt3A_134 = vector.broadcast %lt3A_133 : i32 to vector<8x512xi32>
    %lt3A_135 = arith.cmpi slt, %add3A_132, %lt3A_134 : vector<8x512xi32>
    %mul3A_136 = arith.mulf %slice3A_125, %dot_general3A_124 : vector<8x512xf32>
    %jit3A_137 = arith.constant 0.000000e+00 : f32
    %broadcast_in_dim3A_138 = vector.broadcast %jit3A_137 : f32 to vector<8x512xf32>
    %select_n3A_139 = arith.select %lt3A_135, %mul3A_136, %broadcast_in_dim3A_138 : vector<8x512xi1>, vector<8x512xf32>
    %reduce_sum3A_140 = arith.constant dense<0.000000e+00> : vector<8xf32>
    %reduce_sum3A_141 = vector.multi_reduction <add>, %select_n3A_139, %reduce_sum3A_140 [1] : vector<8x512xf32> to vector<8xf32>
    %broadcast_in_dim3A_142 = vector.shape_cast %reduce_sum3A_141 : vector<8xf32> to vector<8x1xf32>
    %add3A_143 = arith.addf %add3A_121, %broadcast_in_dim3A_142 : vector<8x1xf32>
    %slice3A_144 = vector.extract_strided_slice %convert_element_type3A_66 {offsets = [0, 256], sizes = [8, 128], strides = [1, 1]} : vector<8x1152xbf16> to vector<8x128xbf16>
    %dot_general3A_145 = arith.constant dense<0.000000e+00> : vector<8x512xf32>
    %dot_general3A_146 = tpu.matmul %slice3A_144, %convert_element_type3A_99, %dot_general3A_145 {dimension_numbers = #tpu.dot_dimension_numbers<[1], [0], [0], [1], [0, 0, 1, 1], [], []>, transpose_lhs_hint = false} : vector<8x128xbf16>, vector<128x512xbf16>, vector<8x512xf32> -> vector<8x512xf32>
    %slice3A_147 = vector.extract_strided_slice %select_n3A_61 {offsets = [0, 1024], sizes = [8, 512], strides = [1, 1]} : vector<8x4608xf32> to vector<8x512xf32>
    %iota3A_148 = tpu.iota {dimensions = array<i32: 1>} : vector<8x512xi32>
    %mul3A_149 = arith.constant 4608 : i32
    %mul3A_150 = arith.muli %arg1, %mul3A_149 : i32
    %add3A_151 = arith.constant 1024 : i32
    %add3A_152 = arith.addi %mul3A_150, %add3A_151 : i32
    %add3A_153 = vector.broadcast %add3A_152 : i32 to vector<8x512xi32>
    %add3A_154 = arith.addi %add3A_153, %iota3A_148 : vector<8x512xi32>
    %lt3A_155 = arith.constant 34928 : i32
    %lt3A_156 = vector.broadcast %lt3A_155 : i32 to vector<8x512xi32>
    %lt3A_157 = arith.cmpi slt, %add3A_154, %lt3A_156 : vector<8x512xi32>
    %mul3A_158 = arith.mulf %slice3A_147, %dot_general3A_146 : vector<8x512xf32>
    %jit3A_159 = arith.constant 0.000000e+00 : f32
    %broadcast_in_dim3A_160 = vector.broadcast %jit3A_159 : f32 to vector<8x512xf32>
    %select_n3A_161 = arith.select %lt3A_157, %mul3A_158, %broadcast_in_dim3A_160 : vector<8x512xi1>, vector<8x512xf32>
    %reduce_sum3A_162 = arith.constant dense<0.000000e+00> : vector<8xf32>
    %reduce_sum3A_163 = vector.multi_reduction <add>, %select_n3A_161, %reduce_sum3A_162 [1] : vector<8x512xf32> to vector<8xf32>
    %broadcast_in_dim3A_164 = vector.shape_cast %reduce_sum3A_163 : vector<8xf32> to vector<8x1xf32>
    %add3A_165 = arith.addf %add3A_143, %broadcast_in_dim3A_164 : vector<8x1xf32>
    %slice3A_166 = vector.extract_strided_slice %convert_element_type3A_66 {offsets = [0, 384], sizes = [8, 128], strides = [1, 1]} : vector<8x1152xbf16> to vector<8x128xbf16>
    %dot_general3A_167 = arith.constant dense<0.000000e+00> : vector<8x512xf32>
    %dot_general3A_168 = tpu.matmul %slice3A_166, %convert_element_type3A_99, %dot_general3A_167 {dimension_numbers = #tpu.dot_dimension_numbers<[1], [0], [0], [1], [0, 0, 1, 1], [], []>, transpose_lhs_hint = false} : vector<8x128xbf16>, vector<128x512xbf16>, vector<8x512xf32> -> vector<8x512xf32>
    %slice3A_169 = vector.extract_strided_slice %select_n3A_61 {offsets = [0, 1536], sizes = [8, 512], strides = [1, 1]} : vector<8x4608xf32> to vector<8x512xf32>
    %iota3A_170 = tpu.iota {dimensions = array<i32: 1>} : vector<8x512xi32>
    %mul3A_171 = arith.constant 4608 : i32
    %mul3A_172 = arith.muli %arg1, %mul3A_171 : i32
    %add3A_173 = arith.constant 1536 : i32
    %add3A_174 = arith.addi %mul3A_172, %add3A_173 : i32
    %add3A_175 = vector.broadcast %add3A_174 : i32 to vector<8x512xi32>
    %add3A_176 = arith.addi %add3A_175, %iota3A_170 : vector<8x512xi32>
    %lt3A_177 = arith.constant 34928 : i32
    %lt3A_178 = vector.broadcast %lt3A_177 : i32 to vector<8x512xi32>
    %lt3A_179 = arith.cmpi slt, %add3A_176, %lt3A_178 : vector<8x512xi32>
    %mul3A_180 = arith.mulf %slice3A_169, %dot_general3A_168 : vector<8x512xf32>
    %jit3A_181 = arith.constant 0.000000e+00 : f32
    %broadcast_in_dim3A_182 = vector.broadcast %jit3A_181 : f32 to vector<8x512xf32>
    %select_n3A_183 = arith.select %lt3A_179, %mul3A_180, %broadcast_in_dim3A_182 : vector<8x512xi1>, vector<8x512xf32>
    %reduce_sum3A_184 = arith.constant dense<0.000000e+00> : vector<8xf32>
    %reduce_sum3A_185 = vector.multi_reduction <add>, %select_n3A_183, %reduce_sum3A_184 [1] : vector<8x512xf32> to vector<8xf32>
    %broadcast_in_dim3A_186 = vector.shape_cast %reduce_sum3A_185 : vector<8xf32> to vector<8x1xf32>
    %add3A_187 = arith.addf %add3A_165, %broadcast_in_dim3A_186 : vector<8x1xf32>
    %slice3A_188 = vector.extract_strided_slice %convert_element_type3A_66 {offsets = [0, 512], sizes = [8, 128], strides = [1, 1]} : vector<8x1152xbf16> to vector<8x128xbf16>
    %dot_general3A_189 = arith.constant dense<0.000000e+00> : vector<8x512xf32>
    %dot_general3A_190 = tpu.matmul %slice3A_188, %convert_element_type3A_99, %dot_general3A_189 {dimension_numbers = #tpu.dot_dimension_numbers<[1], [0], [0], [1], [0, 0, 1, 1], [], []>, transpose_lhs_hint = false} : vector<8x128xbf16>, vector<128x512xbf16>, vector<8x512xf32> -> vector<8x512xf32>
    %slice3A_191 = vector.extract_strided_slice %select_n3A_61 {offsets = [0, 2048], sizes = [8, 512], strides = [1, 1]} : vector<8x4608xf32> to vector<8x512xf32>
    %iota3A_192 = tpu.iota {dimensions = array<i32: 1>} : vector<8x512xi32>
    %mul3A_193 = arith.constant 4608 : i32
    %mul3A_194 = arith.muli %arg1, %mul3A_193 : i32
    %add3A_195 = arith.constant 2048 : i32
    %add3A_196 = arith.addi %mul3A_194, %add3A_195 : i32
    %add3A_197 = vector.broadcast %add3A_196 : i32 to vector<8x512xi32>
    %add3A_198 = arith.addi %add3A_197, %iota3A_192 : vector<8x512xi32>
    %lt3A_199 = arith.constant 34928 : i32
    %lt3A_200 = vector.broadcast %lt3A_199 : i32 to vector<8x512xi32>
    %lt3A_201 = arith.cmpi slt, %add3A_198, %lt3A_200 : vector<8x512xi32>
    %mul3A_202 = arith.mulf %slice3A_191, %dot_general3A_190 : vector<8x512xf32>
    %jit3A_203 = arith.constant 0.000000e+00 : f32
    %broadcast_in_dim3A_204 = vector.broadcast %jit3A_203 : f32 to vector<8x512xf32>
    %select_n3A_205 = arith.select %lt3A_201, %mul3A_202, %broadcast_in_dim3A_204 : vector<8x512xi1>, vector<8x512xf32>
    %reduce_sum3A_206 = arith.constant dense<0.000000e+00> : vector<8xf32>
    %reduce_sum3A_207 = vector.multi_reduction <add>, %select_n3A_205, %reduce_sum3A_206 [1] : vector<8x512xf32> to vector<8xf32>
    %broadcast_in_dim3A_208 = vector.shape_cast %reduce_sum3A_207 : vector<8xf32> to vector<8x1xf32>
    %add3A_209 = arith.addf %add3A_187, %broadcast_in_dim3A_208 : vector<8x1xf32>
    %slice3A_210 = vector.extract_strided_slice %convert_element_type3A_66 {offsets = [0, 640], sizes = [8, 128], strides = [1, 1]} : vector<8x1152xbf16> to vector<8x128xbf16>
    %dot_general3A_211 = arith.constant dense<0.000000e+00> : vector<8x512xf32>
    %dot_general3A_212 = tpu.matmul %slice3A_210, %convert_element_type3A_99, %dot_general3A_211 {dimension_numbers = #tpu.dot_dimension_numbers<[1], [0], [0], [1], [0, 0, 1, 1], [], []>, transpose_lhs_hint = false} : vector<8x128xbf16>, vector<128x512xbf16>, vector<8x512xf32> -> vector<8x512xf32>
    %slice3A_213 = vector.extract_strided_slice %select_n3A_61 {offsets = [0, 2560], sizes = [8, 512], strides = [1, 1]} : vector<8x4608xf32> to vector<8x512xf32>
    %iota3A_214 = tpu.iota {dimensions = array<i32: 1>} : vector<8x512xi32>
    %mul3A_215 = arith.constant 4608 : i32
    %mul3A_216 = arith.muli %arg1, %mul3A_215 : i32
    %add3A_217 = arith.constant 2560 : i32
    %add3A_218 = arith.addi %mul3A_216, %add3A_217 : i32
    %add3A_219 = vector.broadcast %add3A_218 : i32 to vector<8x512xi32>
    %add3A_220 = arith.addi %add3A_219, %iota3A_214 : vector<8x512xi32>
    %lt3A_221 = arith.constant 34928 : i32
    %lt3A_222 = vector.broadcast %lt3A_221 : i32 to vector<8x512xi32>
    %lt3A_223 = arith.cmpi slt, %add3A_220, %lt3A_222 : vector<8x512xi32>
    %mul3A_224 = arith.mulf %slice3A_213, %dot_general3A_212 : vector<8x512xf32>
    %jit3A_225 = arith.constant 0.000000e+00 : f32
    %broadcast_in_dim3A_226 = vector.broadcast %jit3A_225 : f32 to vector<8x512xf32>
    %select_n3A_227 = arith.select %lt3A_223, %mul3A_224, %broadcast_in_dim3A_226 : vector<8x512xi1>, vector<8x512xf32>
    %reduce_sum3A_228 = arith.constant dense<0.000000e+00> : vector<8xf32>
    %reduce_sum3A_229 = vector.multi_reduction <add>, %select_n3A_227, %reduce_sum3A_228 [1] : vector<8x512xf32> to vector<8xf32>
    %broadcast_in_dim3A_230 = vector.shape_cast %reduce_sum3A_229 : vector<8xf32> to vector<8x1xf32>
    %add3A_231 = arith.addf %add3A_209, %broadcast_in_dim3A_230 : vector<8x1xf32>
    %slice3A_232 = vector.extract_strided_slice %convert_element_type3A_66 {offsets = [0, 768], sizes = [8, 128], strides = [1, 1]} : vector<8x1152xbf16> to vector<8x128xbf16>
    %dot_general3A_233 = arith.constant dense<0.000000e+00> : vector<8x512xf32>
    %dot_general3A_234 = tpu.matmul %slice3A_232, %convert_element_type3A_99, %dot_general3A_233 {dimension_numbers = #tpu.dot_dimension_numbers<[1], [0], [0], [1], [0, 0, 1, 1], [], []>, transpose_lhs_hint = false} : vector<8x128xbf16>, vector<128x512xbf16>, vector<8x512xf32> -> vector<8x512xf32>
    %slice3A_235 = vector.extract_strided_slice %select_n3A_61 {offsets = [0, 3072], sizes = [8, 512], strides = [1, 1]} : vector<8x4608xf32> to vector<8x512xf32>
    %iota3A_236 = tpu.iota {dimensions = array<i32: 1>} : vector<8x512xi32>
    %mul3A_237 = arith.constant 4608 : i32
    %mul3A_238 = arith.muli %arg1, %mul3A_237 : i32
    %add3A_239 = arith.constant 3072 : i32
    %add3A_240 = arith.addi %mul3A_238, %add3A_239 : i32
    %add3A_241 = vector.broadcast %add3A_240 : i32 to vector<8x512xi32>
    %add3A_242 = arith.addi %add3A_241, %iota3A_236 : vector<8x512xi32>
    %lt3A_243 = arith.constant 34928 : i32
    %lt3A_244 = vector.broadcast %lt3A_243 : i32 to vector<8x512xi32>
    %lt3A_245 = arith.cmpi slt, %add3A_242, %lt3A_244 : vector<8x512xi32>
    %mul3A_246 = arith.mulf %slice3A_235, %dot_general3A_234 : vector<8x512xf32>
    %jit3A_247 = arith.constant 0.000000e+00 : f32
    %broadcast_in_dim3A_248 = vector.broadcast %jit3A_247 : f32 to vector<8x512xf32>
    %select_n3A_249 = arith.select %lt3A_245, %mul3A_246, %broadcast_in_dim3A_248 : vector<8x512xi1>, vector<8x512xf32>
    %reduce_sum3A_250 = arith.constant dense<0.000000e+00> : vector<8xf32>
    %reduce_sum3A_251 = vector.multi_reduction <add>, %select_n3A_249, %reduce_sum3A_250 [1] : vector<8x512xf32> to vector<8xf32>
    %broadcast_in_dim3A_252 = vector.shape_cast %reduce_sum3A_251 : vector<8xf32> to vector<8x1xf32>
    %add3A_253 = arith.addf %add3A_231, %broadcast_in_dim3A_252 : vector<8x1xf32>
    %slice3A_254 = vector.extract_strided_slice %convert_element_type3A_66 {offsets = [0, 896], sizes = [8, 128], strides = [1, 1]} : vector<8x1152xbf16> to vector<8x128xbf16>
    %dot_general3A_255 = arith.constant dense<0.000000e+00> : vector<8x512xf32>
    %dot_general3A_256 = tpu.matmul %slice3A_254, %convert_element_type3A_99, %dot_general3A_255 {dimension_numbers = #tpu.dot_dimension_numbers<[1], [0], [0], [1], [0, 0, 1, 1], [], []>, transpose_lhs_hint = false} : vector<8x128xbf16>, vector<128x512xbf16>, vector<8x512xf32> -> vector<8x512xf32>
    %slice3A_257 = vector.extract_strided_slice %select_n3A_61 {offsets = [0, 3584], sizes = [8, 512], strides = [1, 1]} : vector<8x4608xf32> to vector<8x512xf32>
    %iota3A_258 = tpu.iota {dimensions = array<i32: 1>} : vector<8x512xi32>
    %mul3A_259 = arith.constant 4608 : i32
    %mul3A_260 = arith.muli %arg1, %mul3A_259 : i32
    %add3A_261 = arith.constant 3584 : i32
    %add3A_262 = arith.addi %mul3A_260, %add3A_261 : i32
    %add3A_263 = vector.broadcast %add3A_262 : i32 to vector<8x512xi32>
    %add3A_264 = arith.addi %add3A_263, %iota3A_258 : vector<8x512xi32>
    %lt3A_265 = arith.constant 34928 : i32
    %lt3A_266 = vector.broadcast %lt3A_265 : i32 to vector<8x512xi32>
    %lt3A_267 = arith.cmpi slt, %add3A_264, %lt3A_266 : vector<8x512xi32>
    %mul3A_268 = arith.mulf %slice3A_257, %dot_general3A_256 : vector<8x512xf32>
    %jit3A_269 = arith.constant 0.000000e+00 : f32
    %broadcast_in_dim3A_270 = vector.broadcast %jit3A_269 : f32 to vector<8x512xf32>
    %select_n3A_271 = arith.select %lt3A_267, %mul3A_268, %broadcast_in_dim3A_270 : vector<8x512xi1>, vector<8x512xf32>
    %reduce_sum3A_272 = arith.constant dense<0.000000e+00> : vector<8xf32>
    %reduce_sum3A_273 = vector.multi_reduction <add>, %select_n3A_271, %reduce_sum3A_272 [1] : vector<8x512xf32> to vector<8xf32>
    %broadcast_in_dim3A_274 = vector.shape_cast %reduce_sum3A_273 : vector<8xf32> to vector<8x1xf32>
    %add3A_275 = arith.addf %add3A_253, %broadcast_in_dim3A_274 : vector<8x1xf32>
    %slice3A_276 = vector.extract_strided_slice %convert_element_type3A_66 {offsets = [0, 1024], sizes = [8, 128], strides = [1, 1]} : vector<8x1152xbf16> to vector<8x128xbf16>
    %dot_general3A_277 = arith.constant dense<0.000000e+00> : vector<8x512xf32>
    %dot_general3A_278 = tpu.matmul %slice3A_276, %convert_element_type3A_99, %dot_general3A_277 {dimension_numbers = #tpu.dot_dimension_numbers<[1], [0], [0], [1], [0, 0, 1, 1], [], []>, transpose_lhs_hint = false} : vector<8x128xbf16>, vector<128x512xbf16>, vector<8x512xf32> -> vector<8x512xf32>
    %slice3A_279 = vector.extract_strided_slice %select_n3A_61 {offsets = [0, 4096], sizes = [8, 512], strides = [1, 1]} : vector<8x4608xf32> to vector<8x512xf32>
    %iota3A_280 = tpu.iota {dimensions = array<i32: 1>} : vector<8x512xi32>
    %mul3A_281 = arith.constant 4608 : i32
    %mul3A_282 = arith.muli %arg1, %mul3A_281 : i32
    %add3A_283 = arith.constant 4096 : i32
    %add3A_284 = arith.addi %mul3A_282, %add3A_283 : i32
    %add3A_285 = vector.broadcast %add3A_284 : i32 to vector<8x512xi32>
    %add3A_286 = arith.addi %add3A_285, %iota3A_280 : vector<8x512xi32>
    %lt3A_287 = arith.constant 34928 : i32
    %lt3A_288 = vector.broadcast %lt3A_287 : i32 to vector<8x512xi32>
    %lt3A_289 = arith.cmpi slt, %add3A_286, %lt3A_288 : vector<8x512xi32>
    %mul3A_290 = arith.mulf %slice3A_279, %dot_general3A_278 : vector<8x512xf32>
    %jit3A_291 = arith.constant 0.000000e+00 : f32
    %broadcast_in_dim3A_292 = vector.broadcast %jit3A_291 : f32 to vector<8x512xf32>
    %select_n3A_293 = arith.select %lt3A_289, %mul3A_290, %broadcast_in_dim3A_292 : vector<8x512xi1>, vector<8x512xf32>
    %reduce_sum3A_294 = arith.constant dense<0.000000e+00> : vector<8xf32>
    %reduce_sum3A_295 = vector.multi_reduction <add>, %select_n3A_293, %reduce_sum3A_294 [1] : vector<8x512xf32> to vector<8xf32>
    %broadcast_in_dim3A_296 = vector.shape_cast %reduce_sum3A_295 : vector<8xf32> to vector<8x1xf32>
    %add3A_297 = arith.addf %add3A_275, %broadcast_in_dim3A_296 : vector<8x1xf32>
    %iota3A_298 = tpu.iota {dimensions = array<i32: 1>} : vector<8x128xi32>
    %eq3A_299 = arith.constant 0 : i32
    %eq3A_300 = vector.broadcast %eq3A_299 : i32 to vector<8x128xi32>
    %eq3A_301 = arith.cmpi eq, %iota3A_298, %eq3A_300 : vector<8x128xi32>
    %eq3A_302 = arith.constant 1 : i32
    %eq3A_303 = vector.broadcast %eq3A_302 : i32 to vector<8x128xi32>
    %eq3A_304 = arith.cmpi eq, %iota3A_298, %eq3A_303 : vector<8x128xi32>
    %eq3A_305 = arith.constant 2 : i32
    %eq3A_306 = vector.broadcast %eq3A_305 : i32 to vector<8x128xi32>
    %eq3A_307 = arith.cmpi eq, %iota3A_298, %eq3A_306 : vector<8x128xi32>
    %jit3A_308 = arith.constant 0.000000e+00 : f32
    %broadcast_in_dim3A_309 = vector.shape_cast %add3A_297 : vector<8x1xf32> to vector<8x1xf32>
    %broadcast_in_dim3A_310 = vector.broadcast %broadcast_in_dim3A_309 : vector<8x1xf32> to vector<8x128xf32>
    %broadcast_in_dim3A_311 = vector.broadcast %jit3A_308 : f32 to vector<8x128xf32>
    %select_n3A_312 = arith.select %eq3A_307, %broadcast_in_dim3A_310, %broadcast_in_dim3A_311 : vector<8x128xi1>, vector<8x128xf32>
    %broadcast_in_dim3A_313 = vector.shape_cast %broadcast_in_dim3A_43 : vector<8x1xf32> to vector<8x1xf32>
    %broadcast_in_dim3A_314 = vector.broadcast %broadcast_in_dim3A_313 : vector<8x1xf32> to vector<8x128xf32>
    %select_n3A_315 = arith.select %eq3A_304, %broadcast_in_dim3A_314, %select_n3A_312 : vector<8x128xi1>, vector<8x128xf32>
    %broadcast_in_dim3A_316 = vector.shape_cast %broadcast_in_dim3A_37 : vector<8x1xf32> to vector<8x1xf32>
    %broadcast_in_dim3A_317 = vector.broadcast %broadcast_in_dim3A_316 : vector<8x1xf32> to vector<8x128xf32>
    %select_n3A_318 = arith.select %eq3A_301, %broadcast_in_dim3A_317, %select_n3A_315 : vector<8x128xi1>, vector<8x128xf32>
    %eq3A_319 = arith.constant 0 : i32
    %eq3A_320 = arith.cmpi eq, %arg1, %eq3A_319 : i32
    %convert_element_type3A_321 = arith.extui %eq3A_320 : i1 to i32
    %cond3A = arith.constant 0 : i32
    %cond3A_322 = arith.cmpi ne, %convert_element_type3A_321, %cond3A : i32
    scf.if %cond3A_322 {
      %broadcast_in_dim3A_330 = arith.constant 0.000000e+00 : f32
      %broadcast_in_dim3A_331 = vector.broadcast %broadcast_in_dim3A_330 : f32 to vector<8x128xf32>
      %swap3A_332 = arith.constant 0 : index
      %swap3A_333 = arith.constant 0 : index
      %swap3A_334 = vector.load %arg7[%swap3A_332, %swap3A_333] : memref<8x128xf32, #tpu.memory_space<vmem>>, vector<8x128xf32>
      tpu.vector_store %arg7[%swap3A_332, %swap3A_333], %broadcast_in_dim3A_331 {strides = array<i32>} : memref<8x128xf32, #tpu.memory_space<vmem>>, vector<8x128xf32>,
    } else {
    }
    %get3A_323 = arith.constant 0 : index
    %get3A_324 = arith.constant 0 : index
    %get3A_325 = vector.load %arg7[%get3A_323, %get3A_324] : memref<8x128xf32, #tpu.memory_space<vmem>>, vector<8x128xf32>
    %add3A_326 = arith.addf %get3A_325, %select_n3A_318 : vector<8x128xf32>
    %swap3A_327 = arith.constant 0 : index
    %swap3A_328 = arith.constant 0 : index
    %swap3A_329 = vector.load %arg7[%swap3A_327, %swap3A_328] : memref<8x128xf32, #tpu.memory_space<vmem>>, vector<8x128xf32>
    tpu.vector_store %arg7[%swap3A_327, %swap3A_328], %add3A_326 {strides = array<i32>} : memref<8x128xf32, #tpu.memory_space<vmem>>, vector<8x128xf32>,
    return
  }
  func.func @transform_0(%arg0: i32, %arg1: i32) -> (i32, i32, i32) {
    %c0_i32 = arith.constant 0 : i32
    %c0_i32_0 = arith.constant 0 : i32
    return %arg0, %arg1, %c0_i32 : i32, i32, i32
  }
  func.func @transform_1(%arg0: i32, %arg1: i32) -> (i32, i32) {
    %c0_i32 = arith.constant 0 : i32
    return %arg0, %arg1 : i32, i32
  }
  func.func @transform_2(%arg0: i32, %arg1: i32) -> (i32, i32) {
    %c0_i32 = arith.constant 0 : i32
    return %arg0, %arg1 : i32, i32
  }
  func.func @transform_3(%arg0: i32, %arg1: i32) -> (i32, i32) {
    %c0_i32 = arith.constant 0 : i32
    return %arg0, %arg1 : i32, i32
  }
  func.func @transform_4(%arg0: i32, %arg1: i32) -> (i32, i32) {
    %c0_i32 = arith.constant 0 : i32
    return %arg0, %arg1 : i32, i32
  }
  func.func @transform_5(%arg0: i32, %arg1: i32) -> (i32, i32) {
    %c0_i32 = arith.constant 0 : i32
    %c0_i32_0 = arith.constant 0 : i32
    return %arg0, %c0_i32 : i32, i32
  }
}

</mosaic_0001>

<sc_bundles>
// kernel: kernel.4.cloned.1.call-start
scs
__scs_entry_jumppad:
0x0: {  	(pc) =	sbr.rel $0x88, $3  }
0x1: {  	(tag) =	ssettag $0x0;
	lr =	simm.s32 $0x1  }
0x2: {  	[smem:$0x3F9D] =	sst lr;
	_ =	strace $0xD0000000  }
0x3: {  	_ = 	snop  }
0x4: {  	_ = 	snop  }
0x5: {  	_ = 	snop  }
0x6: {  	_ = 	snop  }
0x7: {  	_ = 	snop  }
__scs_overlays_trampoline_lowered:
0x8: {  	[smem:$0x3FAC] =	sst s0  }
0x9: {  	[smem:$0x3FAD] =	sst s1  }
0xa: {  	[smem:$0x3FAE] =	sst s2  }
0xb: {  	[smem:$0x3FAF] =	sst s3  }
0xc: {  	[smem:$0x3FB0] =	sst s4  }
0xd: {  	[smem:$0x3FB1] =	sst s5  }
0xe: {  	[smem:$0x3FB2] =	sst s6  }
0xf: {  	[smem:$0x3FB3] =	sst s7  }
0x10: {  	[smem:$0x3FB4] =	sst s8  }
0x11: {  	[smem:$0x3FB5] =	sst s9;
	s0 =	simm.s32 @!p0 $0x0  }
0x12: {  	s1 =	sld [smem:$0x3F9B];
	s0 =	simm.s32 @p0 $0x1  }
0x13: {  	[smem:$0x3FB6] =	sst s0;
	s0 =	simm.s32 @!p1 $0x0  }
0x14: {  	s2 =	sld [smem:$0x3F9A];
	s0 =	simm.s32 @p1 $0x1  }
0x15: {  	[smem:$0x3FB7] =	sst s0;
	s0 =	simm.s32 @!p2 $0x0  }
0x16: {  	s3 =	sld [smem:$0x3FDB];
	s0 =	simm.s32 @p2 $0x1  }
0x17: {  	s4 =	simm.s32 $0x1BF5;
	[smem:$0x3FB9] =	sst s0  }
0x18: {  	s0 =	sld [smem:$0x3F9C];
	_ =	swait.ge [sflag:s4], $0x0  }
0x19: {  	s7 =	sld [smem:$0x3F9D]  }
0x1a: {  	s8 =	sadd.s32 $0xFFFFE003, lr  }
0x1b: {  	s9 =	sadd.s32 $0xFFFFFEF7, lr;
	s5 =	simm.s32 $0xFFFFFFFF;
	p2 =	slt.u32 s8, $0xFFFFF086  }
0x1c: {  	p1 =	slt.u32 s9, $0xF7A;
	s5 =	simm.s32 @!p2 $0x0  }
0x1d: {  	s5 =	simm.s32 @p1 $0x1;
	p0 =	seq.s32 s7, s2  }
0x1e: {  	s7 =	smul.u32 @!p0 $0xF7A, s2;
	p2 =	seq.s32 @!p0 s5, $0x0  }
0x1f: {  	s9 =	smul.u32 $0xF7A, s1;
	s8 =	simm.s32 @!p0 $0x1BF5;
	p2 =	por !p2, p0  }
0x20: {  	[sflag:s8] =	ssyncset.s32 @!p0 $0xFFFFF086;
	s6 =	sadd.s32 @!p0 s3, s7;
	s7 =	simm.s32 @!p0 $0x108  }
0x21: {  	s3 =	sadd.s32 s3, s9;
	s6 =	sadd.s32 @!p0 $0x88, s6;
	s7 =	simm.s32 @p2 $0x1082  }
0x22: {  	[simem:s7], [sflag:s8] =	dma.local @!p0 [hbm:s6], $0xF7A  }
0x23: {  	s9 =	sor.u32 $0xD0000000, s2;
	s6 =	simm.s32 $0x108;
	_ =	swait.ge @!p0 [sflag:s8], $0x0  }
0x24: {  	s3 =	sadd.s32 $0x88, s3;
	s6 =	simm.s32 @!p1 $0x1082;
	[sflag:s4] =	ssyncset.s32 $0xFFFFF086  }
0x25: {  	[simem:s6], [sflag:s4] =	dma.local [hbm:s3], $0xF7A  }
0x26: {  	[smem:$0x3F9D] =	sst s1;
	(tag) =	ssettag s2;
	_ =	strace s9  }
0x27: {  	s1 =	sld [smem:$0x3FAD]  }
0x28: {  	s2 =	sld [smem:$0x3FAE]  }
0x29: {  	s4 =	sld [smem:$0x3FB0]  }
0x2a: {  	p0 =	seq.s32 s5, $0x0;
	s5 =	sld [smem:$0x3FB1]  }
0x2b: {  	s6 =	sld [smem:$0x3FB2]  }
0x2c: {  	s7 =	sld [smem:$0x3FB3]  }
0x2d: {  	s3 =	simm.s32 $0x108;
	s8 =	sld [smem:$0x3FB4]  }
0x2e: {  	s3 =	simm.s32 @!p0 $0x1082;
	s9 =	sld [smem:$0x3FB5]  }
0x2f: {  	lr =	sadd.s32 s0, s3;
	s0 =	sld [smem:$0x3FAC]  }
0x30: {  	s3 =	sld [smem:$0x3FAF]  }
0x31: {  	[smem:$0x3FB8] =	sst s10  }
0x32: {  	s10 =	sld [smem:$0x3FB6];
	_ =	sdelay $0x3  }
0x33: {  	p0 =	seq.s32 s10, $0x1;
	s10 =	sld [smem:$0x3FB8];
	_ =	sdelay $0x3  }
0x34: {  	[smem:$0x3FB8] =	sst s10  }
0x35: {  	s10 =	sld [smem:$0x3FB7];
	_ =	sdelay $0x3  }
0x36: {  	p1 =	seq.s32 s10, $0x1;
	s10 =	sld [smem:$0x3FB8];
	_ =	sdelay $0x3  }
0x37: {  	[smem:$0x3FB8] =	sst s10  }
0x38: {  	s10 =	sld [smem:$0x3FB9]  }
0x39: {  	_ = 	snop;
	(pc) =	sbr.ind lr, $3  }
0x3a: {  	_ = 	snop  }
0x3b: {  	_ = 	snop  }
0x3c: {  	p2 =	seq.s32 s10, $0x1;
	s10 =	sld [smem:$0x3FB8]  }
0x3d: {  	_ =	shalt  }
0x3e: {  	_ =	shalt  }
0x3f: {  	_ =	shalt  }
0x40: {  	_ =	shalt  }
0x41: {  	_ =	shalt  }
0x42: {  	_ =	shalt  }
0x43: {  	_ =	shalt  }
0x44: {  	_ =	shalt  }
0x45: {  	_ =	shalt  }
0x46: {  	_ =	shalt  }
0x47: {  	_ =	shalt  }
0x48: {  	_ =	shalt  }
0x49: {  	_ =	shalt  }
0x4a: {  	_ =	shalt  }
0x4b: {  	_ =	shalt  }
0x4c: {  	_ =	shalt  }
0x4d: {  	_ =	shalt  }
0x4e: {  	_ =	shalt  }
0x4f: {  	_ =	shalt  }
0x50: {  	_ =	shalt  }
0x51: {  	_ =	shalt  }
0x52: {  	_ =	shalt  }
0x53: {  	_ =	shalt  }
0x54: {  	_ =	shalt  }
0x55: {  	_ =	shalt  }
0x56: {  	_ =	shalt  }
0x57: {  	_ =	shalt  }
0x58: {  	_ =	shalt  }
0x59: {  	_ =	shalt  }
0x5a: {  	_ =	shalt  }
0x5b: {  	_ =	shalt  }
0x5c: {  	_ =	shalt  }
0x5d: {  	_ =	shalt  }
0x5e: {  	_ =	shalt  }
0x5f: {  	_ =	shalt  }
0x60: {  	_ =	shalt  }
0x61: {  	_ =	shalt  }
0x62: {  	_ =	shalt  }
0x63: {  	_ =	shalt  }
0x64: {  	_ =	shalt  }
0x65: {  	_ =	shalt  }
0x66: {  	_ =	shalt  }
0x67: {  	_ =	shalt  }
0x68: {  	_ =	shalt  }
0x69: {  	_ =	shalt  }
0x6a: {  	_ =	shalt  }
0x6b: {  	_ =	shalt  }
0x6c: {  	_ =	shalt  }
0x6d: {  	_ =	shalt  }
0x6e: {  	_ =	shalt  }
0x6f: {  	_ =	shalt  }
0x70: {  	_ =	shalt  }
0x71: {  	_ =	shalt  }
0x72: {  	_ =	shalt  }
0x73: {  	_ =	shalt  }
0x74: {  	_ =	shalt  }
0x75: {  	_ =	shalt  }
0x76: {  	_ =	shalt  }
0x77: {  	_ =	shalt  }
0x78: {  	_ =	shalt  }
0x79: {  	_ =	shalt  }
0x7a: {  	_ =	shalt  }
0x7b: {  	_ =	shalt  }
0x7c: {  	_ =	shalt  }
0x7d: {  	_ =	shalt  }
0x7e: {  	_ =	shalt  }
0x7f: {  	_ =	shalt  }
0x80: {  	_ =	shalt  }
0x81: {  	_ =	shalt  }
0x82: {  	_ =	shalt  }
0x83: {  	_ =	shalt  }
0x84: {  	_ =	shalt  }
0x85: {  	_ =	shalt  }
0x86: {  	_ =	shalt  }
0x87: {  	_ =	shalt  }
.Lfunc_end0:
.L_simem_size_0:
called_computation_lowered:
.L_overlay_start_0:
0x88: {  	s0 =	sld [smem:$0x3FD9]  }
0x89: {  	s1 =	sld [smem:$0x3FFE];
	_ =	sdelay $0x3  }
0x8a: {  	s0 =	sadd.s32 s1, s0  }
0x8b: {  	[smem:$0x3FC4] =	sst s0  }
0x8c: {  	_ = 	snop  }
0x8d: {  	s0 =	sld [smem:$0x3FD0];
	(tm) =	ssettm $0x1  }
0x8e: {  	s16 =	sld [smem:$0x3FFB];
	_ =	sdelay $0x3  }
0x8f: {  	_ =	strace s16  }
0x90: {  	s1 =	sld [smem:$0x3FFC];
	_ =	sdelay $0x3  }
0x91: {  	_ =	strace s1  }
0x92: {  	s1 =	sld [smem:$0x3FFD];
	_ =	sdelay $0x3  }
0x93: {  	_ =	strace s1  }
0x94: {  	_ =	strace $0x8FFFFFFF  }
0x95: {  	s17 =	sld [smem:$0x3FDB];
	_ =	sdelay $0x1  }
0x96: {  	s2 =	simm.s32 $_scs_section_size  }
0x97: {  	s3 =	simm.s32 $_size__tile_overlayer_lowered;
	s4 =	simm.s32 $_tile_overlayer_lowered  }
0x98: {  	s20 =	simm.s32 $0x1BFF;
	s19 =	sshll.u32 s4, $0x1;
	s1 =	sadd.s32 s2, s17  }
0x99: {  	s5 =	simm.s32 $0x0;
	s18 =	sshll.u32 s3, $0x1;
	s3 =	sadd.s32 s19, s1  }
0x9a: {  	[timem:s5], [sflag:s20] =	dma.local [hbm:s3], s18  }
0x9b: {  	_ =	swait.ge [sflag:s20], s18  }
0x9c: {  	s2 =	ssub.s32 $0x0, s18;
	[sflag:s20] =	ssyncset.done $0x0  }
0x9d: {  	[sflag:s20] =	ssyncadd.s32 s2;
	_ =	sdelay $0x1  }
0x9e: {  	s21 =	simm.s32 $0x1B8B  }
0x9f: {  	_ =	swait.ge [sflag:s21], $0x1  }
0xa0: {  	[sflag:s21] =	ssyncset.done $0x0  }
0xa1: {  	s23 =	simm.s32 $0x1B8E;
	s22 =	sld [smem:$0x3FFE];
	[sflag:s21] =	ssyncadd.s32 $0xFFFFFFFF  }
0xa2: {  	s24 =	simm.s32 $execute0_lowered;
	[smem:$0x3FD2] =	sst s23  }
0xa3: {  	s3 =	sshll.u32 s24, $0x1;
	_ =	strace $0x80000046;
	[dreg:$0x1] =	wrdreg $0xFFFFFFFF  }
0xa4: {  	s25 =	simm.s32 $_size_execute0_lowered;
	s1 =	sadd.s32 s1, s3;
	[dreg:$0x0] =	wrdreg $0x0  }
0xa5: {  	s3 =	sshll.u32 s25, $0x1;
	[dreg:$0x2] =	wrdreg s1  }
0xa6: {  	[dreg:$0x3] =	wrdreg s3  }
0xa7: {  	[dreg:$0x4] =	wrdreg $0xC0  }
0xa8: {  	_ =	task [dreg:s5], $0x5FFFF  }
0xa9: {  	[dreg:$0x1] =	wrdreg $0xFFFFFFFF  }
0xaa: {  	[dreg:$0x0] =	wrdreg $0x60  }
0xab: {  	[dreg:$0x2] =	wrdreg s22  }
0xac: {  	[dreg:$0x3] =	wrdreg s0  }
0xad: {  	[dreg:$0x4] =	wrdreg $0x23800  }
0xae: {  	[dreg:$0x5] =	wrdreg $0x9  }
0xaf: {  	_ =	task.clear_ibuf [dreg:s5], $0x6FFFF;
	_ =	strace $0x90000046  }
0xb0: {  	s26 =	simm.s32 $0x9;
	_ =	strace $0x80000048  }
0xb1: {  	_ =	swait.ge [sflag:s26], $0x1  }
0xb2: {  	[sflag:s26] =	ssyncadd.s32 $0xFFFFFFFF  }
0xb3: {  	_ =	strace $0x90000048  }
0xb4: {  	_ =	sfence  }
0xb5: {  	s28 =	sld [smem:$0x0];
	_ =	sdelay $0x1  }
0xb6: {  	s29 =	srdreg.scid  }
0xb7: {  	s30 =	sshll.u32 s29, $0xD;
	s31 =	sshrl.u32 s29, $0x2  }
0xb8: {  	s2 =	sand.u32 $0x4000, s30;
	s1 =	sand.u32 $0x1, s29;
	s0 =	sadd.s32 s31, s28  }
0xb9: {  	s1 =	sor.u32 s2, s1;
	s0 =	sshll.u32 s0, $0x11  }
0xba: {  	s0 =	sor.u32 s0, s1  }
0xbb: {  	s0 =	sadd.s32 $0x8F2B, s0  }
0xbc: {  	[sflag:s0] =	ssyncadd.remote.s32 $0x1  }
0xbd: {  	_ =	sfence.sel $0xFFFF  }
0xbe: {  	[dreg:$0x0] =	wrdreg $0xFFFFFFFF;
	(pc) =	sbr.abs _section_cstart, $3  }
0xbf: {  	[dreg:$0x1] =	wrdreg $0xFFFFFFFF  }
0xc0: {  	_ =	task.clear_ibuf [dreg:s5], $0x2FFFF;
	_ =	strace $0x9FFFFFFF  }
0xc1: {  	(tm) =	ssettm $0x7FFFFFFF  }
tec
execute0_lowered:
.L_overlay_start_1:
0x0: {  	(tag) =	ssettag $0x1  }
0x1: {  	s4 =	stileid.u32  }
0x2: {  	s3 =	rddreg [dreg:$0x0];
	s1 =	sshrl.u32 s4, $0x1  }
0x3: {  	s2 =	rddreg [dreg:$0x2];
	s4 =	sshll.u32 s4, $0x9;
	s0 =	smul.u32 $0x11400, s1  }
0x4: {  	s6 =	simm.s32 $0x0;
	s7 =	simm.s32 $0x80;
	s9 =	sand.u32 $0x200, s4  }
0x5: {  	s8 =	simm.s32 $0x400;
	s26 =	simm.s32 $0x1;
	s5 =	sor.u32 s9, s0  }
0x6: {  	[smem:$0x7FF] =	sst s6;
	s4 =	sadd.s32 $0xC00, s3;
	s5 =	sshrl.u32 s5, $0x3  }
0x7: {  	_ =	strace $0x80000047;
	s1 =	sshll.u32 s1, $0xA;
	s5 =	sadd.s32 s4, s5  }
0x8: {  	[tilespmem:s6], [sflag:$0x1] =	stream.strided.gather [hbm4b:s5+s7], $0x2280, s8, s7, $0x38;
	[tilespmem:$0x2390] =	vst v63  }
0x9: {  	s28 =	sor.u32 s9, s1;
	_ =	swait.ge [sflag:s26], $0x2280  }
0xa: {  	s29 =	sshrl.u32 s28, $0x3;
	s5 =	sadd.s32 $0x12000, s3;
	[sflag:s26] =	ssyncset.done $0x0  }
0xb: {  	s30 =	simm.s32 $0x2280;
	s3 =	sadd.s32 s5, s29;
	[sflag:s26] =	ssyncadd.s32 $0xFFFFDD80  }
0xc: {  	[tilespmem:s30], [sflag:$0x1] =	stream.linear.gather [hbm4b:s3+s6], $0x80, $0x38;
	[tilespmem:$0x2390] =	vst v63  }
0xd: {  	_ =	swait.ge [sflag:s26], $0x80  }
0xe: {  	[sflag:s26] =	ssyncset.done $0x0  }
0xf: {  	s31 =	simm.s32 $0x0;
	[sflag:s26] =	ssyncadd.s32 $0xFFFFFF80  }
0x10: {  	v0 =	vimm.f32 $0.0e+00;
	s3 =	simm.s32 $0x40;
	v1 =	vld [tilespmem:s31+$0x0]  }
.LBB2_1:
0x11: {  	p0 =	sne.s32 s3, $0x8840  }
.Ltmp0:
0x12: {  	_ = 	snop;
	(pc) =	sbr.rel @p0 .LBB2_1-.Ltmp0, $3  }
0x13: {  	_ =	sdelay $0x1  }
0x14: {  	s6 =	sshra.s32 s3, $0x2;
	s3 =	sadd.s32 $0x40, s3;
	v0 =	vadd.f32 v1, v0  }
0x15: {  	v1 =	vld [tilespmem:s6+$0x0]  }
0x16: {  	_ =	sdelay $0x3  }
0x17: {  	v1 =	vadd.f32 v1, v0;
	_ =	sdelay $0x1  }
0x18: {  	(v2sf) =	vpush v1, $0x0  }
0x19: {  	(v2sf) =	vpush v1, $0x1  }
0x1a: {  	(v2sf) =	vpush v1, $0x2  }
0x1b: {  	(v2sf) =	vpush v1, $0x3  }
0x1c: {  	(v2sf) =	vpush v1, $0x4  }
0x1d: {  	(v2sf) =	vpush v1, $0x5  }
0x1e: {  	(v2sf) =	vpush v1, $0x6  }
0x1f: {  	(v2sf) =	vpush v1, $0x7  }
0x20: {  	(v2sf) =	vpush v1, $0x8  }
0x21: {  	(v2sf) =	vpush v1, $0x9  }
0x22: {  	(v2sf) =	vpush v1, $0xA  }
0x23: {  	v0 =	vld [tilespmem:$0x2280];
	(v2sf) =	vpush v1, $0xB  }
0x24: {  	(v2sf) =	vpush v1, $0xC  }
0x25: {  	(v2sf) =	vpush v1, $0xD  }
0x26: {  	(v2sf) =	vpush v1, $0xE  }
0x27: {  	s14 =	spop (v2sf);
	(v2sf) =	vpush v1, $0xF  }
0x28: {  	s15 =	spop (v2sf);
	(v2sf) =	vpush v0, $0x0  }
0x29: {  	s16 =	spop (v2sf)  }
0x2a: {  	s17 =	spop (v2sf)  }
0x2b: {  	s18 =	spop (v2sf)  }
0x2c: {  	s19 =	spop (v2sf)  }
0x2d: {  	s20 =	spop (v2sf)  }
0x2e: {  	s21 =	spop (v2sf)  }
0x2f: {  	s23 =	spop (v2sf)  }
0x30: {  	(v2sf) =	vpush v0, $0x1;
	s24 =	spop (v2sf)  }
0x31: {  	s25 =	spop (v2sf)  }
0x32: {  	s26 =	spop (v2sf)  }
0x33: {  	s29 =	spop (v2sf)  }
0x34: {  	s30 =	spop (v2sf)  }
0x35: {  	s31 =	spop (v2sf)  }
0x36: {  	s3 =	spop (v2sf)  }
0x37: {  	s22 =	spop (v2sf)  }
0x38: {  	s6 =	sor.u32 $0x80, s9;
	s13 =	smul.f32 $3.000000000e+00, s22  }
0x39: {  	s10 =	sor.u32 $0x100, s9;
	s11 =	sor.u32 $0x180, s9;
	s7 =	sor.u32 s0, s6  }
0x3a: {  	s6 =	sor.u32 s1, s6;
	s8 =	sor.u32 s0, s10;
	p0 =	sge.f32 s13, $8.732000000e+03  }
.Ltmp1:
0x3b: {  	s12 =	sor.u32 s1, s10;
	s10 =	sor.u32 s0, s11;
	(pc) =	sbr.rel @p0 .LBB2_3-.Ltmp1, $4  }
0x3c: {  	s11 =	sor.u32 s1, s11;
	s7 =	sshrl.u32 s7, $0x3;
	s6 =	sshrl.u32 s6, $0x3  }
0x3d: {  	s8 =	sshrl.u32 s8, $0x3;
	s9 =	sshrl.u32 s12, $0x3;
	s10 =	sshrl.u32 s10, $0x3  }
0x3e: {  	s11 =	sshrl.u32 s11, $0x3;
	s12 =	stileid.u32;
	s7 =	sadd.s32 s4, s7  }
0x3f: {  	s6 =	sadd.s32 s5, s6;
	s12 =	sshll.u32 s12, $0x4;
	s28 =	spop (v2sf)  }
0x40: {  	s1 =	simm.s32 $0x0  }
0x41: {  	v1 =	vimm.f32 $0.0e+00;
	s0 =	simm.s32 $0x40;
	v2 =	vld [tilespmem:s1+$0x0]  }
.LBB2_5:
0x42: {  	p0 =	sne.s32 s0, $0x8840  }
.Ltmp2:
0x43: {  	_ = 	snop;
	(pc) =	sbr.rel @p0 .LBB2_5-.Ltmp2, $3  }
0x44: {  	_ =	sdelay $0x1  }
0x45: {  	s1 =	sshra.s32 s0, $0x2;
	s0 =	sadd.s32 $0x40, s0;
	v1 =	vmax.f32 v1, v2  }
0x46: {  	v2 =	vld [tilespmem:s1+$0x0]  }
0x47: {  	_ =	sdelay $0x3  }
0x48: {  	v1 =	vmax.f32 v1, v2  }
0x49: {  	(v2sf) =	vpush v1, $0x0  }
0x4a: {  	(v2sf) =	vpush v1, $0x1  }
0x4b: {  	(v2sf) =	vpush v1, $0x2  }
0x4c: {  	(v2sf) =	vpush v1, $0x3  }
0x4d: {  	(v2sf) =	vpush v1, $0x4  }
0x4e: {  	(v2sf) =	vpush v1, $0x5  }
0x4f: {  	(v2sf) =	vpush v1, $0x6  }
0x50: {  	(v2sf) =	vpush v1, $0x7  }
0x51: {  	(v2sf) =	vpush v1, $0x8  }
0x52: {  	(v2sf) =	vpush v1, $0x9  }
0x53: {  	(v2sf) =	vpush v1, $0xA  }
0x54: {  	(v2sf) =	vpush v1, $0xB  }
0x55: {  	(v2sf) =	vpush v1, $0xC  }
0x56: {  	(v2sf) =	vpush v1, $0xD  }
0x57: {  	(v2sf) =	vpush v1, $0xE  }
0x58: {  	s0 =	spop (v2sf);
	(v2sf) =	vpush v1, $0xF  }
0x59: {  	s30 =	scvt.f32.s32 s22;
	s1 =	spop (v2sf)  }
0x5a: {  	s3 =	spop (v2sf);
	s0 =	smax.f32 s0, s1  }
0x5b: {  	s14 =	spop (v2sf);
	s0 =	smax.f32 s0, s3  }
0x5c: {  	s16 =	spop (v2sf);
	s0 =	smax.f32 s0, s14  }
0x5d: {  	s17 =	spop (v2sf);
	s0 =	smax.f32 s0, s16  }
0x5e: {  	s18 =	spop (v2sf);
	s0 =	smax.f32 s0, s17  }
0x5f: {  	s19 =	spop (v2sf);
	s0 =	smax.f32 s0, s18  }
0x60: {  	s20 =	spop (v2sf);
	s0 =	smax.f32 s0, s19  }
0x61: {  	s21 =	spop (v2sf);
	s0 =	smax.f32 s0, s20  }
0x62: {  	s23 =	spop (v2sf);
	s0 =	smax.f32 s0, s21  }
0x63: {  	s24 =	spop (v2sf);
	s0 =	smax.f32 s0, s23  }
0x64: {  	s25 =	spop (v2sf);
	s0 =	smax.f32 s0, s24  }
0x65: {  	s26 =	spop (v2sf);
	s0 =	smax.f32 s0, s25  }
0x66: {  	s29 =	spop (v2sf);
	s0 =	smax.f32 s0, s26  }
0x67: {  	s0 =	smax.f32 s0, s29;
	s31 =	spop (v2sf)  }
0x68: {  	s15 =	simm.s32 $0x0;
	s0 =	smax.f32 s0, s31  }
0x69: {  	v1 =	vimm.s32 $0x0;
	s14 =	smul.u32 $0x3, s30;
	s16 =	simm.f32 $0.0e+00;
	s1 =	sadd.f32 $1.000000000e+00, s0  }
.LBB2_7:
0x6a: {  	_ = 	snop  }
0x6b: {  	s0 =	sadd.f32 s1, s16;
	_ =	sdelay $0x1  }
0x6c: {  	s3 =	simm.s32 $0x0;
	s17 =	smul.f32 $5.000000000e-01, s0  }
0x6d: {  	v4 =	vld [tilespmem:s3+$0x0]  }
0x6e: {  	v3 =	vimm.s32 $0x0;
	s0 =	simm.s32 $0x40;
	v2 =	vmov s17  }
.LBB2_8:
0x6f: {  	p0 =	sne.s32 s0, $0x8840  }
.Ltmp3:
0x70: {  	_ = 	snop;
	(pc) =	sbr.rel @p0 .LBB2_8-.Ltmp3, $4  }
0x71: {  	_ = 	snop  }
0x72: {  	s3 =	sshra.s32 s0, $0x2;
	s0 =	sadd.s32 $0x40, s0;
	vm0 =	vge.f32 v4, v2  }
0x73: {  	v4 =	vld [tilespmem:s3+$0x0];
	v5 =	vsel vm0, $0x1, v1  }
0x74: {  	v3 =	vadd.s32 v5, v3  }
0x75: {  	_ =	sdelay $0x2  }
0x76: {  	vm0 =	vge.f32 v4, v2  }
0x77: {  	v2 =	vsel vm0, $0x1, v1  }
0x78: {  	v2 =	vadd.s32 v2, v3  }
0x79: {  	(v2sf) =	vpush v2, $0x0  }
0x7a: {  	(v2sf) =	vpush v2, $0x1  }
0x7b: {  	(v2sf) =	vpush v2, $0x2  }
0x7c: {  	(v2sf) =	vpush v2, $0x3  }
0x7d: {  	(v2sf) =	vpush v2, $0x4  }
0x7e: {  	(v2sf) =	vpush v2, $0x5  }
0x7f: {  	(v2sf) =	vpush v2, $0x6  }
0x80: {  	(v2sf) =	vpush v2, $0x7  }
0x81: {  	(v2sf) =	vpush v2, $0x8  }
0x82: {  	(v2sf) =	vpush v2, $0x9  }
0x83: {  	(v2sf) =	vpush v2, $0xA  }
0x84: {  	(v2sf) =	vpush v2, $0xB  }
0x85: {  	(v2sf) =	vpush v2, $0xC  }
0x86: {  	(v2sf) =	vpush v2, $0xD  }
0x87: {  	(v2sf) =	vpush v2, $0xE  }
0x88: {  	s0 =	spop (v2sf);
	(v2sf) =	vpush v2, $0xF  }
0x89: {  	s3 =	spop (v2sf)  }
0x8a: {  	s0 =	sadd.s32 s3, s0;
	s29 =	spop (v2sf)  }
0x8b: {  	s0 =	sadd.s32 s29, s0;
	s30 =	spop (v2sf)  }
0x8c: {  	s0 =	sadd.s32 s30, s0;
	s31 =	spop (v2sf)  }
0x8d: {  	s0 =	sadd.s32 s31, s0;
	s18 =	spop (v2sf)  }
0x8e: {  	s0 =	sadd.s32 s18, s0;
	s19 =	spop (v2sf)  }
0x8f: {  	s0 =	sadd.s32 s19, s0;
	s20 =	spop (v2sf)  }
0x90: {  	s0 =	sadd.s32 s20, s0;
	s21 =	spop (v2sf)  }
0x91: {  	s0 =	sadd.s32 s21, s0;
	s23 =	spop (v2sf)  }
0x92: {  	s0 =	sadd.s32 s23, s0;
	s24 =	spop (v2sf)  }
0x93: {  	s0 =	sadd.s32 s24, s0;
	s25 =	spop (v2sf)  }
0x94: {  	s0 =	sadd.s32 s25, s0;
	s26 =	spop (v2sf)  }
0x95: {  	s15 =	sadd.s32 $0x1, s15;
	s0 =	sadd.s32 s26, s0;
	s29 =	spop (v2sf)  }
0x96: {  	p1 =	sne.s32 s15, $0x28;
	s0 =	sadd.s32 s29, s0;
	s30 =	spop (v2sf)  }
.Ltmp4:
0x97: {  	s0 =	sadd.s32 s30, s0;
	s31 =	spop (v2sf);
	(pc) =	sbr.rel @p1 .LBB2_7-.Ltmp4, $4  }
0x98: {  	s0 =	sadd.s32 s31, s0  }
0x99: {  	p0 =	slt.s32 s0, s14;
	s0 =	smov.u32 s17  }
0x9a: {  	s0 =	smov.u32 @p0 s16  }
0x9b: {  	s1 =	smov.u32 @p0 s17;
	s16 =	smov.u32 s0  }
0x9c: {  	s3 =	simm.s32 $0x0  }
0x9d: {  	v3 =	vmov s0;
	v5 =	vld [tilespmem:s3+$0x0]  }
0x9e: {  	v4 =	vimm.f32 $0.0e+00;
	v1 =	vimm.s32 $0x0;
	s1 =	simm.s32 $0x40;
	v2 =	vimm.s32 $0x0  }
.LBB2_11:
0x9f: {  	p0 =	sne.s32 s1, $0x8840  }
.Ltmp5:
0xa0: {  	_ = 	snop;
	(pc) =	sbr.rel @p0 .LBB2_11-.Ltmp5, $4  }
0xa1: {  	_ = 	snop  }
0xa2: {  	s3 =	sshra.s32 s1, $0x2;
	s1 =	sadd.s32 $0x40, s1;
	vm0 =	vgt.f32 v5, v3  }
0xa3: {  	v6 =	vnsel vm0, $0x0, v5;
	v5 =	vld [tilespmem:s3+$0x0];
	v7 =	vsel vm0, $0x1, v1  }
0xa4: {  	v4 =	vadd.f32 v6, v4;
	v2 =	vadd.s32 v7, v2  }
0xa5: {  	_ =	sdelay $0x2  }
0xa6: {  	vm0 =	vgt.f32 v5, v3  }
0xa7: {  	v3 =	vnsel vm0, $0x0, v5  }
0xa8: {  	v3 =	vadd.f32 v3, v4;
	_ =	sdelay $0x1  }
0xa9: {  	(v2sf) =	vpush v3, $0x0  }
0xaa: {  	(v2sf) =	vpush v3, $0x1  }
0xab: {  	(v2sf) =	vpush v3, $0x2  }
0xac: {  	(v2sf) =	vpush v3, $0x3  }
0xad: {  	(v2sf) =	vpush v3, $0x4  }
0xae: {  	(v2sf) =	vpush v3, $0x5  }
0xaf: {  	(v2sf) =	vpush v3, $0x6  }
0xb0: {  	(v2sf) =	vpush v3, $0x7  }
0xb1: {  	(v2sf) =	vpush v3, $0x8  }
0xb2: {  	(v2sf) =	vpush v3, $0x9  }
0xb3: {  	(v2sf) =	vpush v3, $0xA  }
0xb4: {  	(v2sf) =	vpush v3, $0xB  }
0xb5: {  	(v2sf) =	vpush v3, $0xC  }
0xb6: {  	(v2sf) =	vpush v3, $0xD  }
0xb7: {  	v1 =	vsel vm0, $0x1, v1;
	(v2sf) =	vpush v3, $0xE  }
0xb8: {  	v1 =	vadd.s32 v1, v2;
	s1 =	spop (v2sf);
	(v2sf) =	vpush v3, $0xF  }
0xb9: {  	s3 =	spop (v2sf);
	(v2sf) =	vpush v1, $0x0  }
0xba: {  	s14 =	spop (v2sf);
	(v2sf) =	vpush v1, $0x1  }
0xbb: {  	s15 =	spop (v2sf);
	(v2sf) =	vpush v1, $0x2  }
0xbc: {  	s16 =	spop (v2sf);
	(v2sf) =	vpush v1, $0x3  }
0xbd: {  	s17 =	spop (v2sf);
	(v2sf) =	vpush v1, $0x4  }
0xbe: {  	s18 =	spop (v2sf);
	(v2sf) =	vpush v1, $0x5  }
0xbf: {  	s19 =	spop (v2sf);
	(v2sf) =	vpush v1, $0x6  }
0xc0: {  	s1 =	sadd.f32 s3, s1;
	s3 =	spop (v2sf);
	(v2sf) =	vpush v1, $0x7  }
0xc1: {  	s20 =	spop (v2sf);
	(v2sf) =	vpush v1, $0x8  }
0xc2: {  	s1 =	sadd.f32 s1, s14;
	s14 =	spop (v2sf);
	(v2sf) =	vpush v1, $0x9  }
0xc3: {  	s21 =	spop (v2sf);
	(v2sf) =	vpush v1, $0xA  }
0xc4: {  	s1 =	sadd.f32 s1, s15;
	s15 =	spop (v2sf);
	(v2sf) =	vpush v1, $0xB  }
0xc5: {  	s23 =	spop (v2sf);
	(v2sf) =	vpush v1, $0xC  }
0xc6: {  	s1 =	sadd.f32 s1, s16;
	s16 =	spop (v2sf);
	(v2sf) =	vpush v1, $0xD  }
0xc7: {  	s24 =	spop (v2sf);
	(v2sf) =	vpush v1, $0xE  }
0xc8: {  	s1 =	sadd.f32 s1, s17;
	s29 =	spop (v2sf);
	(v2sf) =	vpush v1, $0xF  }
0xc9: {  	s25 =	spop (v2sf)  }
0xca: {  	s1 =	sadd.f32 s1, s18;
	s17 =	sadd.s32 s25, s29;
	s30 =	spop (v2sf)  }
0xcb: {  	s17 =	sadd.s32 s30, s17;
	s31 =	spop (v2sf)  }
0xcc: {  	s1 =	sadd.f32 s1, s19;
	s17 =	sadd.s32 s31, s17;
	s25 =	spop (v2sf)  }
0xcd: {  	s17 =	sadd.s32 s25, s17;
	s26 =	spop (v2sf)  }
0xce: {  	s1 =	sadd.f32 s1, s3;
	s29 =	sadd.s32 s26, s17;
	s30 =	spop (v2sf)  }
0xcf: {  	s3 =	sadd.s32 s30, s29;
	s31 =	spop (v2sf)  }
0xd0: {  	s1 =	sadd.f32 s1, s20;
	s3 =	sadd.s32 s31, s3;
	s18 =	spop (v2sf)  }
0xd1: {  	s3 =	sadd.s32 s18, s3;
	s19 =	spop (v2sf)  }
0xd2: {  	s1 =	sadd.f32 s1, s14;
	s3 =	sadd.s32 s19, s3;
	s20 =	spop (v2sf)  }
0xd3: {  	s3 =	sadd.s32 s20, s3;
	s25 =	spop (v2sf)  }
0xd4: {  	s1 =	sadd.f32 s1, s21;
	s3 =	sadd.s32 s25, s3;
	s26 =	spop (v2sf)  }
0xd5: {  	s3 =	sadd.s32 s26, s3;
	s29 =	spop (v2sf)  }
0xd6: {  	s1 =	sadd.f32 s1, s15;
	s3 =	sadd.s32 s29, s3;
	s30 =	spop (v2sf)  }
0xd7: {  	s3 =	sadd.s32 s30, s3;
	s31 =	spop (v2sf)  }
0xd8: {  	s1 =	sadd.f32 s1, s23;
	s3 =	sadd.s32 s31, s3  }
0xd9: {  	s3 =	scvt.s32.f32 s3  }
0xda: {  	s1 =	sadd.f32 s1, s16  }
.Ltmp6:
0xdb: {  	s3 =	ssub.f32 s13, s3;
	(pc) =	sbr.rel .LBB2_13-.Ltmp6, $4  }
0xdc: {  	_ = 	snop  }
0xdd: {  	s1 =	sadd.f32 s1, s24;
	s0 =	smul.f32 s3, s0  }
0xde: {  	_ = 	snop  }
0xdf: {  	s24 =	sadd.f32 s0, s1  }
.LBB2_3:
0xe0: {  	s0 =	sadd.f32 s15, s14;
	_ =	sdelay $0x1  }
0xe1: {  	s0 =	sadd.f32 s0, s16;
	_ =	sdelay $0x1  }
0xe2: {  	s0 =	sadd.f32 s0, s17;
	_ =	sdelay $0x1  }
0xe3: {  	s0 =	sadd.f32 s0, s18;
	_ =	sdelay $0x1  }
0xe4: {  	s0 =	sadd.f32 s0, s19;
	_ =	sdelay $0x1  }
0xe5: {  	s0 =	sadd.f32 s0, s20;
	_ =	sdelay $0x1  }
0xe6: {  	s0 =	sadd.f32 s0, s21;
	_ =	sdelay $0x1  }
0xe7: {  	s0 =	sadd.f32 s0, s23;
	_ =	sdelay $0x1  }
0xe8: {  	s0 =	sadd.f32 s0, s24;
	_ =	sdelay $0x1  }
0xe9: {  	s0 =	sadd.f32 s0, s25;
	_ =	sdelay $0x1  }
0xea: {  	s0 =	sadd.f32 s0, s26;
	_ =	sdelay $0x1  }
0xeb: {  	s0 =	sadd.f32 s0, s29;
	_ =	sdelay $0x1  }
0xec: {  	s0 =	sadd.f32 s0, s30;
	_ =	sdelay $0x1  }
0xed: {  	s0 =	sadd.f32 s0, s31;
	_ =	sdelay $0x1  }
0xee: {  	s24 =	sadd.f32 s0, s3  }
.LBB2_13:
0xef: {  	s26 =	sadd.s32 s4, s8  }
0xf0: {  	s25 =	sadd.s32 s5, s9;
	s21 =	sadd.s32 s4, s10;
	s20 =	sadd.s32 s5, s11  }
0xf1: {  	s0 =	sadd.s32 $0x10, s2;
	s4 =	simm.s32 $0x80;
	s1 =	simm.s32 $0x400  }
0xf2: {  	s3 =	simm.s32 $0x0;
	s5 =	sadd.s32 $0x30, s2;
	[dreg:$0x11] =	wrdreg s0  }
0xf3: {  	[tilespmem:s3], [sflag:$0x1] =	stream.strided.gather [hbm4b:s7+s4], $0x2280, s1, s4, $0x38;
	[tilespmem:$0x2390] =	vst v63  }
0xf4: {  	s8 =	sadd.s32 $0x40, s2;
	[dreg:$0x10] =	wrdreg s5  }
0xf5: {  	s9 =	sadd.s32 $0x50, s2;
	[dreg:$0xf] =	wrdreg s8  }
0xf6: {  	s10 =	sadd.s32 $0x60, s2;
	s7 =	simm.s32 $0x1;
	[dreg:$0xe] =	wrdreg s9  }
0xf7: {  	s11 =	sadd.s32 $0x70, s2;
	_ =	swait.ge [sflag:s7], $0x2280;
	[dreg:$0xd] =	wrdreg s10  }
0xf8: {  	s19 =	sadd.s32 s12, s2;
	s12 =	sadd.s32 $0x80, s2;
	[dreg:$0xc] =	wrdreg s11  }
0xf9: {  	s13 =	simm.s32 $0x2280;
	s14 =	sadd.s32 $0x90, s2;
	[dreg:$0xb] =	wrdreg s12  }
0xfa: {  	s15 =	sadd.s32 $0xA0, s2;
	[dreg:$0xa] =	wrdreg s14;
	[sflag:s7] =	ssyncset.done $0x0  }
0xfb: {  	s16 =	sadd.s32 $0xB0, s2;
	[dreg:$0x9] =	wrdreg s15;
	[sflag:s7] =	ssyncadd.s32 $0xFFFFDD80  }
0xfc: {  	[tilespmem:s13], [sflag:$0x1] =	stream.linear.gather [hbm4b:s6+s3], $0x80, $0x38;
	[tilespmem:$0x2390] =	vst v63  }
0xfd: {  	s17 =	sadd.s32 $0xC0, s2;
	_ =	swait.ge [sflag:s7], $0x80;
	[dreg:$0x8] =	wrdreg s16  }
0xfe: {  	s23 =	sadd.s32 $0xD0, s2;
	s29 =	simm.s32 $0x0;
	[dreg:$0x7] =	wrdreg s17  }
0xff: {  	s30 =	sadd.s32 $0xE0, s2;
	[dreg:$0x6] =	wrdreg s23;
	[sflag:s7] =	ssyncset.done $0x0  }
0x100: {  	s31 =	sadd.s32 $0xF0, s2;
	[dreg:$0x5] =	wrdreg s30;
	[sflag:s7] =	ssyncadd.s32 $0xFFFFFF80  }
0x101: {  	s18 =	sadd.s32 $0x20, s2;
	v1 =	vimm.f32 $0.0e+00;
	s0 =	simm.s32 $0x40;
	[dreg:$0x4] =	wrdreg s31;
	v2 =	vld [tilespmem:s29+$0x0]  }
.LBB2_14:
0x102: {  	p0 =	sne.s32 s0, $0x8840  }
.Ltmp7:
0x103: {  	_ = 	snop;
	(pc) =	sbr.rel @p0 .LBB2_14-.Ltmp7, $3  }
0x104: {  	_ =	sdelay $0x1  }
0x105: {  	s1 =	sshra.s32 s0, $0x2;
	s0 =	sadd.s32 $0x40, s0;
	v1 =	vadd.f32 v2, v1  }
0x106: {  	v2 =	vld [tilespmem:s1+$0x0]  }
0x107: {  	_ =	sdelay $0x3  }
0x108: {  	v1 =	vadd.f32 v2, v1  }
0x109: {  	(v2sf) =	vpush v0, $0x2  }
0x10a: {  	(v2sf) =	vpush v1, $0x0  }
0x10b: {  	(v2sf) =	vpush v1, $0x1  }
0x10c: {  	(v2sf) =	vpush v1, $0x2  }
0x10d: {  	(v2sf) =	vpush v1, $0x3  }
0x10e: {  	(v2sf) =	vpush v1, $0x4  }
0x10f: {  	(v2sf) =	vpush v1, $0x5  }
0x110: {  	(v2sf) =	vpush v1, $0x6  }
0x111: {  	(v2sf) =	vpush v1, $0x7  }
0x112: {  	(v2sf) =	vpush v1, $0x8  }
0x113: {  	(v2sf) =	vpush v1, $0x9  }
0x114: {  	(v2sf) =	vpush v1, $0xA  }
0x115: {  	v0 =	vld [tilespmem:$0x2280];
	(v2sf) =	vpush v1, $0xB  }
0x116: {  	(v2sf) =	vpush v1, $0xC  }
0x117: {  	(v2sf) =	vpush v1, $0xD  }
0x118: {  	s30 =	spop (v2sf);
	(v2sf) =	vpush v1, $0xE  }
0x119: {  	s1 =	spop (v2sf);
	(v2sf) =	vpush v1, $0xF  }
0x11a: {  	s3 =	spop (v2sf);
	(v2sf) =	vpush v0, $0x0  }
0x11b: {  	s4 =	spop (v2sf)  }
0x11c: {  	s5 =	spop (v2sf)  }
0x11d: {  	s6 =	spop (v2sf)  }
0x11e: {  	s7 =	spop (v2sf)  }
0x11f: {  	s8 =	spop (v2sf)  }
0x120: {  	s9 =	spop (v2sf)  }
0x121: {  	s10 =	spop (v2sf)  }
0x122: {  	(v2sf) =	vpush v0, $0x1;
	s11 =	spop (v2sf)  }
0x123: {  	s12 =	spop (v2sf)  }
0x124: {  	s13 =	spop (v2sf)  }
0x125: {  	s14 =	spop (v2sf)  }
0x126: {  	s15 =	spop (v2sf)  }
0x127: {  	s16 =	spop (v2sf)  }
0x128: {  	s17 =	spop (v2sf)  }
0x129: {  	s23 =	spop (v2sf)  }
0x12a: {  	s0 =	smul.f32 $3.000000000e+00, s23;
	_ =	sdelay $0x1  }
0x12b: {  	p0 =	sge.f32 s0, $8.732000000e+03  }
.Ltmp8:
0x12c: {  	_ = 	snop;
	(pc) =	sbr.rel @p0 .LBB2_16-.Ltmp8, $2  }
0x12d: {  	_ =	sdelay $0x2  }
0x12e: {  	s31 =	sadd.f32 $0.0e+00, s28;
	s29 =	spop (v2sf)  }
0x12f: {  	s3 =	simm.s32 $0x0  }
0x130: {  	v1 =	vimm.f32 $0.0e+00;
	s1 =	simm.s32 $0x40;
	v2 =	vld [tilespmem:s3+$0x0]  }
.LBB2_18:
0x131: {  	p0 =	sne.s32 s1, $0x8840  }
.Ltmp9:
0x132: {  	_ = 	snop;
	(pc) =	sbr.rel @p0 .LBB2_18-.Ltmp9, $3  }
0x133: {  	_ =	sdelay $0x1  }
0x134: {  	s3 =	sshra.s32 s1, $0x2;
	s1 =	sadd.s32 $0x40, s1;
	v1 =	vmax.f32 v1, v2  }
0x135: {  	v2 =	vld [tilespmem:s3+$0x0]  }
0x136: {  	_ =	sdelay $0x3  }
0x137: {  	v1 =	vmax.f32 v1, v2  }
0x138: {  	(v2sf) =	vpush v1, $0x0  }
0x139: {  	(v2sf) =	vpush v1, $0x1  }
0x13a: {  	(v2sf) =	vpush v1, $0x2  }
0x13b: {  	(v2sf) =	vpush v1, $0x3  }
0x13c: {  	(v2sf) =	vpush v1, $0x4  }
0x13d: {  	(v2sf) =	vpush v1, $0x5  }
0x13e: {  	(v2sf) =	vpush v1, $0x6  }
0x13f: {  	(v2sf) =	vpush v1, $0x7  }
0x140: {  	(v2sf) =	vpush v1, $0x8  }
0x141: {  	(v2sf) =	vpush v1, $0x9  }
0x142: {  	(v2sf) =	vpush v1, $0xA  }
0x143: {  	(v2sf) =	vpush v1, $0xB  }
0x144: {  	(v2sf) =	vpush v1, $0xC  }
0x145: {  	(v2sf) =	vpush v1, $0xD  }
0x146: {  	(v2sf) =	vpush v1, $0xE  }
0x147: {  	s1 =	spop (v2sf);
	(v2sf) =	vpush v1, $0xF  }
0x148: {  	s17 =	scvt.f32.s32 s23;
	s3 =	spop (v2sf)  }
0x149: {  	s4 =	spop (v2sf);
	s1 =	smax.f32 s1, s3  }
0x14a: {  	s5 =	spop (v2sf);
	s1 =	smax.f32 s1, s4  }
0x14b: {  	s6 =	spop (v2sf);
	s1 =	smax.f32 s1, s5  }
0x14c: {  	s7 =	spop (v2sf);
	s1 =	smax.f32 s1, s6  }
0x14d: {  	s8 =	spop (v2sf);
	s1 =	smax.f32 s1, s7  }
0x14e: {  	s9 =	spop (v2sf);
	s1 =	smax.f32 s1, s8  }
0x14f: {  	s10 =	spop (v2sf);
	s1 =	smax.f32 s1, s9  }
0x150: {  	s11 =	spop (v2sf);
	s1 =	smax.f32 s1, s10  }
0x151: {  	s12 =	spop (v2sf);
	s1 =	smax.f32 s1, s11  }
0x152: {  	s13 =	spop (v2sf);
	s1 =	smax.f32 s1, s12  }
0x153: {  	s14 =	spop (v2sf);
	s1 =	smax.f32 s1, s13  }
0x154: {  	s15 =	spop (v2sf);
	s1 =	smax.f32 s1, s14  }
0x155: {  	s16 =	spop (v2sf);
	s1 =	smax.f32 s1, s15  }
0x156: {  	s3 =	smax.f32 s1, s16;
	s28 =	spop (v2sf)  }
0x157: {  	s5 =	simm.s32 $0x0;
	s3 =	smax.f32 s3, s28  }
0x158: {  	v1 =	vimm.s32 $0x0;
	s6 =	simm.f32 $0.0e+00;
	s1 =	smul.u32 $0x3, s17;
	s4 =	sadd.f32 $1.000000000e+00, s3  }
.LBB2_20:
0x159: {  	_ = 	snop  }
0x15a: {  	s3 =	sadd.f32 s4, s6;
	_ =	sdelay $0x1  }
0x15b: {  	s8 =	simm.s32 $0x0;
	s7 =	smul.f32 $5.000000000e-01, s3  }
0x15c: {  	v4 =	vld [tilespmem:s8+$0x0]  }
0x15d: {  	v3 =	vimm.s32 $0x0;
	s3 =	simm.s32 $0x40;
	v2 =	vmov s7  }
.LBB2_21:
0x15e: {  	p0 =	sne.s32 s3, $0x8840  }
.Ltmp10:
0x15f: {  	_ = 	snop;
	(pc) =	sbr.rel @p0 .LBB2_21-.Ltmp10, $4  }
0x160: {  	_ = 	snop  }
0x161: {  	s8 =	sshra.s32 s3, $0x2;
	s3 =	sadd.s32 $0x40, s3;
	vm0 =	vge.f32 v4, v2  }
0x162: {  	v4 =	vld [tilespmem:s8+$0x0];
	v5 =	vsel vm0, $0x1, v1  }
0x163: {  	v3 =	vadd.s32 v5, v3  }
0x164: {  	_ =	sdelay $0x2  }
0x165: {  	vm0 =	vge.f32 v4, v2  }
0x166: {  	v2 =	vsel vm0, $0x1, v1  }
0x167: {  	v2 =	vadd.s32 v2, v3  }
0x168: {  	(v2sf) =	vpush v2, $0x0  }
0x169: {  	(v2sf) =	vpush v2, $0x1  }
0x16a: {  	(v2sf) =	vpush v2, $0x2  }
0x16b: {  	(v2sf) =	vpush v2, $0x3  }
0x16c: {  	(v2sf) =	vpush v2, $0x4  }
0x16d: {  	(v2sf) =	vpush v2, $0x5  }
0x16e: {  	(v2sf) =	vpush v2, $0x6  }
0x16f: {  	(v2sf) =	vpush v2, $0x7  }
0x170: {  	(v2sf) =	vpush v2, $0x8  }
0x171: {  	(v2sf) =	vpush v2, $0x9  }
0x172: {  	(v2sf) =	vpush v2, $0xA  }
0x173: {  	(v2sf) =	vpush v2, $0xB  }
0x174: {  	(v2sf) =	vpush v2, $0xC  }
0x175: {  	(v2sf) =	vpush v2, $0xD  }
0x176: {  	(v2sf) =	vpush v2, $0xE  }
0x177: {  	s3 =	spop (v2sf);
	(v2sf) =	vpush v2, $0xF  }
0x178: {  	s8 =	spop (v2sf)  }
0x179: {  	s3 =	sadd.s32 s8, s3;
	s13 =	spop (v2sf)  }
0x17a: {  	s3 =	sadd.s32 s13, s3;
	s14 =	spop (v2sf)  }
0x17b: {  	s3 =	sadd.s32 s14, s3;
	s15 =	spop (v2sf)  }
0x17c: {  	s3 =	sadd.s32 s15, s3;
	s16 =	spop (v2sf)  }
0x17d: {  	s3 =	sadd.s32 s16, s3;
	s17 =	spop (v2sf)  }
0x17e: {  	s3 =	sadd.s32 s17, s3;
	s9 =	spop (v2sf)  }
0x17f: {  	s3 =	sadd.s32 s9, s3;
	s10 =	spop (v2sf)  }
0x180: {  	s3 =	sadd.s32 s10, s3;
	s11 =	spop (v2sf)  }
0x181: {  	s3 =	sadd.s32 s11, s3;
	s12 =	spop (v2sf)  }
0x182: {  	s3 =	sadd.s32 s12, s3;
	s13 =	spop (v2sf)  }
0x183: {  	s3 =	sadd.s32 s13, s3;
	s14 =	spop (v2sf)  }
0x184: {  	s5 =	sadd.s32 $0x1, s5;
	s3 =	sadd.s32 s14, s3;
	s15 =	spop (v2sf)  }
0x185: {  	p1 =	sne.s32 s5, $0x28;
	s3 =	sadd.s32 s15, s3;
	s16 =	spop (v2sf)  }
.Ltmp11:
0x186: {  	s3 =	sadd.s32 s16, s3;
	s17 =	spop (v2sf);
	(pc) =	sbr.rel @p1 .LBB2_20-.Ltmp11, $4  }
0x187: {  	s3 =	sadd.s32 s17, s3  }
0x188: {  	s28 =	smov.u32 s7;
	p0 =	slt.s32 s3, s1  }
0x189: {  	s28 =	smov.u32 @p0 s6  }
0x18a: {  	s4 =	smov.u32 @p0 s7;
	s6 =	smov.u32 s28  }
0x18b: {  	s3 =	simm.s32 $0x0  }
0x18c: {  	v3 =	vmov s28;
	v5 =	vld [tilespmem:s3+$0x0]  }
0x18d: {  	v4 =	vimm.f32 $0.0e+00;
	v1 =	vimm.s32 $0x0;
	s1 =	simm.s32 $0x40;
	v2 =	vimm.s32 $0x0  }
.LBB2_24:
0x18e: {  	p0 =	sne.s32 s1, $0x8840  }
.Ltmp12:
0x18f: {  	_ = 	snop;
	(pc) =	sbr.rel @p0 .LBB2_24-.Ltmp12, $4  }
0x190: {  	_ = 	snop  }
0x191: {  	s3 =	sshra.s32 s1, $0x2;
	s1 =	sadd.s32 $0x40, s1;
	vm0 =	vgt.f32 v5, v3  }
0x192: {  	v6 =	vnsel vm0, $0x0, v5;
	v5 =	vld [tilespmem:s3+$0x0];
	v7 =	vsel vm0, $0x1, v1  }
0x193: {  	v4 =	vadd.f32 v6, v4;
	v2 =	vadd.s32 v7, v2  }
0x194: {  	_ =	sdelay $0x2  }
0x195: {  	vm0 =	vgt.f32 v5, v3  }
0x196: {  	v3 =	vnsel vm0, $0x0, v5  }
0x197: {  	v3 =	vadd.f32 v3, v4;
	_ =	sdelay $0x1  }
0x198: {  	(v2sf) =	vpush v3, $0x0  }
0x199: {  	(v2sf) =	vpush v3, $0x1  }
0x19a: {  	(v2sf) =	vpush v3, $0x2  }
0x19b: {  	(v2sf) =	vpush v3, $0x3  }
0x19c: {  	(v2sf) =	vpush v3, $0x4  }
0x19d: {  	(v2sf) =	vpush v3, $0x5  }
0x19e: {  	(v2sf) =	vpush v3, $0x6  }
0x19f: {  	(v2sf) =	vpush v3, $0x7  }
0x1a0: {  	(v2sf) =	vpush v3, $0x8  }
0x1a1: {  	(v2sf) =	vpush v3, $0x9  }
0x1a2: {  	(v2sf) =	vpush v3, $0xA  }
0x1a3: {  	(v2sf) =	vpush v3, $0xB  }
0x1a4: {  	(v2sf) =	vpush v3, $0xC  }
0x1a5: {  	(v2sf) =	vpush v3, $0xD  }
0x1a6: {  	v1 =	vsel vm0, $0x1, v1;
	(v2sf) =	vpush v3, $0xE  }
0x1a7: {  	v1 =	vadd.s32 v1, v2;
	s1 =	spop (v2sf);
	(v2sf) =	vpush v3, $0xF  }
0x1a8: {  	s3 =	spop (v2sf);
	(v2sf) =	vpush v1, $0x0  }
0x1a9: {  	s4 =	spop (v2sf);
	(v2sf) =	vpush v1, $0x1  }
0x1aa: {  	s5 =	spop (v2sf);
	(v2sf) =	vpush v1, $0x2  }
0x1ab: {  	s6 =	spop (v2sf);
	(v2sf) =	vpush v1, $0x3  }
0x1ac: {  	s7 =	spop (v2sf);
	(v2sf) =	vpush v1, $0x4  }
0x1ad: {  	s8 =	spop (v2sf);
	(v2sf) =	vpush v1, $0x5  }
0x1ae: {  	s9 =	spop (v2sf);
	(v2sf) =	vpush v1, $0x6  }
0x1af: {  	s1 =	sadd.f32 s3, s1;
	s3 =	spop (v2sf);
	(v2sf) =	vpush v1, $0x7  }
0x1b0: {  	s10 =	spop (v2sf);
	(v2sf) =	vpush v1, $0x8  }
0x1b1: {  	s1 =	sadd.f32 s1, s4;
	s4 =	spop (v2sf);
	(v2sf) =	vpush v1, $0x9  }
0x1b2: {  	s11 =	spop (v2sf);
	(v2sf) =	vpush v1, $0xA  }
0x1b3: {  	s1 =	sadd.f32 s1, s5;
	s5 =	spop (v2sf);
	(v2sf) =	vpush v1, $0xB  }
0x1b4: {  	s12 =	spop (v2sf);
	(v2sf) =	vpush v1, $0xC  }
0x1b5: {  	s1 =	sadd.f32 s1, s6;
	s6 =	spop (v2sf);
	(v2sf) =	vpush v1, $0xD  }
0x1b6: {  	s13 =	spop (v2sf);
	(v2sf) =	vpush v1, $0xE  }
0x1b7: {  	s1 =	sadd.f32 s1, s7;
	s17 =	spop (v2sf);
	(v2sf) =	vpush v1, $0xF  }
0x1b8: {  	s14 =	spop (v2sf)  }
0x1b9: {  	s1 =	sadd.f32 s1, s8;
	s7 =	sadd.s32 s14, s17;
	s15 =	spop (v2sf)  }
0x1ba: {  	s7 =	sadd.s32 s15, s7;
	s16 =	spop (v2sf)  }
0x1bb: {  	s1 =	sadd.f32 s1, s9;
	s7 =	sadd.s32 s16, s7;
	s17 =	spop (v2sf)  }
0x1bc: {  	s7 =	sadd.s32 s17, s7;
	s9 =	spop (v2sf)  }
0x1bd: {  	s1 =	sadd.f32 s1, s3;
	s14 =	sadd.s32 s9, s7;
	s15 =	spop (v2sf)  }
0x1be: {  	s3 =	sadd.s32 s15, s14;
	s16 =	spop (v2sf)  }
0x1bf: {  	s1 =	sadd.f32 s1, s10;
	s3 =	sadd.s32 s16, s3;
	s17 =	spop (v2sf)  }
0x1c0: {  	s3 =	sadd.s32 s17, s3;
	s8 =	spop (v2sf)  }
0x1c1: {  	s1 =	sadd.f32 s1, s4;
	s3 =	sadd.s32 s8, s3;
	s9 =	spop (v2sf)  }
0x1c2: {  	s3 =	sadd.s32 s9, s3;
	s10 =	spop (v2sf)  }
0x1c3: {  	s1 =	sadd.f32 s1, s11;
	s3 =	sadd.s32 s10, s3;
	s14 =	spop (v2sf)  }
0x1c4: {  	s3 =	sadd.s32 s14, s3;
	s15 =	spop (v2sf)  }
0x1c5: {  	s1 =	sadd.f32 s1, s5;
	s3 =	sadd.s32 s15, s3;
	s16 =	spop (v2sf)  }
0x1c6: {  	s3 =	sadd.s32 s16, s3;
	s17 =	spop (v2sf)  }
0x1c7: {  	s1 =	sadd.f32 s1, s12;
	s3 =	sadd.s32 s17, s3  }
0x1c8: {  	s3 =	scvt.s32.f32 s3  }
0x1c9: {  	s1 =	sadd.f32 s1, s6  }
.Ltmp13:
0x1ca: {  	s0 =	ssub.f32 s0, s3;
	(pc) =	sbr.rel .LBB2_26-.Ltmp13, $4  }
0x1cb: {  	_ = 	snop  }
0x1cc: {  	s1 =	sadd.f32 s1, s13;
	s0 =	smul.f32 s0, s28  }
0x1cd: {  	_ = 	snop  }
0x1ce: {  	s28 =	sadd.f32 s0, s1  }
.LBB2_16:
0x1cf: {  	s0 =	sadd.f32 s3, s1;
	_ =	sdelay $0x1  }
0x1d0: {  	s0 =	sadd.f32 s0, s4;
	_ =	sdelay $0x1  }
0x1d1: {  	s0 =	sadd.f32 s0, s5;
	_ =	sdelay $0x1  }
0x1d2: {  	s0 =	sadd.f32 s0, s6;
	_ =	sdelay $0x1  }
0x1d3: {  	s0 =	sadd.f32 s0, s7;
	_ =	sdelay $0x1  }
0x1d4: {  	s0 =	sadd.f32 s0, s8;
	_ =	sdelay $0x1  }
0x1d5: {  	s0 =	sadd.f32 s0, s9;
	_ =	sdelay $0x1  }
0x1d6: {  	s0 =	sadd.f32 s0, s10;
	_ =	sdelay $0x1  }
0x1d7: {  	s0 =	sadd.f32 s0, s11;
	_ =	sdelay $0x1  }
0x1d8: {  	s0 =	sadd.f32 s0, s12;
	_ =	sdelay $0x1  }
0x1d9: {  	s0 =	sadd.f32 s0, s13;
	_ =	sdelay $0x1  }
0x1da: {  	s0 =	sadd.f32 s0, s14;
	_ =	sdelay $0x1  }
0x1db: {  	s0 =	sadd.f32 s0, s15;
	_ =	sdelay $0x1  }
0x1dc: {  	s0 =	sadd.f32 s0, s16;
	_ =	sdelay $0x1  }
0x1dd: {  	s28 =	sadd.f32 s0, s17  }
.LBB2_26:
0x1de: {  	s0 =	simm.s32 $0x80  }
0x1df: {  	s1 =	simm.s32 $0x400;
	s3 =	simm.s32 $0x0;
	s17 =	simm.s32 $0x1  }
0x1e0: {  	[tilespmem:s3], [sflag:$0x1] =	stream.strided.gather [hbm4b:s26+s0], $0x2280, s1, s0, $0x38;
	[tilespmem:$0x2390] =	vst v63  }
0x1e1: {  	_ =	swait.ge [sflag:s17], $0x2280  }
0x1e2: {  	[sflag:s17] =	ssyncset.done $0x0  }
0x1e3: {  	s26 =	simm.s32 $0x2280;
	[sflag:s17] =	ssyncadd.s32 $0xFFFFDD80  }
0x1e4: {  	[tilespmem:s26], [sflag:$0x1] =	stream.linear.gather [hbm4b:s25+s3], $0x80, $0x38;
	[tilespmem:$0x2390] =	vst v63  }
0x1e5: {  	_ =	swait.ge [sflag:s17], $0x80  }
0x1e6: {  	s1 =	sadd.f32 s24, s31;
	[sflag:s17] =	ssyncset.done $0x0  }
0x1e7: {  	s24 =	sadd.f32 $0.0e+00, s22;
	s31 =	simm.s32 $0x0;
	[sflag:s17] =	ssyncadd.s32 $0xFFFFFF80  }
0x1e8: {  	v1 =	vimm.f32 $0.0e+00;
	s0 =	simm.s32 $0x40;
	s25 =	sadd.f32 $0.0e+00, s30;
	v2 =	vld [tilespmem:s31+$0x0]  }
.LBB2_27:
0x1e9: {  	p0 =	sne.s32 s0, $0x8840  }
.Ltmp14:
0x1ea: {  	_ = 	snop;
	(pc) =	sbr.rel @p0 .LBB2_27-.Ltmp14, $3  }
0x1eb: {  	_ =	sdelay $0x1  }
0x1ec: {  	s3 =	sshra.s32 s0, $0x2;
	s0 =	sadd.s32 $0x40, s0;
	v1 =	vadd.f32 v2, v1  }
0x1ed: {  	v2 =	vld [tilespmem:s3+$0x0]  }
0x1ee: {  	_ =	sdelay $0x3  }
0x1ef: {  	v1 =	vadd.f32 v2, v1  }
0x1f0: {  	(v2sf) =	vpush v0, $0x2  }
0x1f1: {  	(v2sf) =	vpush v1, $0x0  }
0x1f2: {  	(v2sf) =	vpush v1, $0x1  }
0x1f3: {  	(v2sf) =	vpush v1, $0x2  }
0x1f4: {  	(v2sf) =	vpush v1, $0x3  }
0x1f5: {  	(v2sf) =	vpush v1, $0x4  }
0x1f6: {  	(v2sf) =	vpush v1, $0x5  }
0x1f7: {  	(v2sf) =	vpush v1, $0x6  }
0x1f8: {  	(v2sf) =	vpush v1, $0x7  }
0x1f9: {  	(v2sf) =	vpush v1, $0x8  }
0x1fa: {  	(v2sf) =	vpush v1, $0x9  }
0x1fb: {  	(v2sf) =	vpush v1, $0xA  }
0x1fc: {  	v0 =	vld [tilespmem:$0x2280];
	(v2sf) =	vpush v1, $0xB  }
0x1fd: {  	(v2sf) =	vpush v1, $0xC  }
0x1fe: {  	(v2sf) =	vpush v1, $0xD  }
0x1ff: {  	s30 =	spop (v2sf);
	(v2sf) =	vpush v1, $0xE  }
0x200: {  	s3 =	spop (v2sf);
	(v2sf) =	vpush v1, $0xF  }
0x201: {  	s4 =	spop (v2sf);
	(v2sf) =	vpush v0, $0x0  }
0x202: {  	s5 =	spop (v2sf)  }
0x203: {  	s6 =	spop (v2sf)  }
0x204: {  	s7 =	spop (v2sf)  }
0x205: {  	s8 =	spop (v2sf)  }
0x206: {  	s9 =	spop (v2sf)  }
0x207: {  	s10 =	spop (v2sf)  }
0x208: {  	s11 =	spop (v2sf)  }
0x209: {  	(v2sf) =	vpush v0, $0x1;
	s12 =	spop (v2sf)  }
0x20a: {  	s13 =	spop (v2sf)  }
0x20b: {  	s14 =	spop (v2sf)  }
0x20c: {  	s15 =	spop (v2sf)  }
0x20d: {  	s16 =	spop (v2sf)  }
0x20e: {  	s17 =	spop (v2sf)  }
0x20f: {  	s31 =	spop (v2sf)  }
0x210: {  	s22 =	spop (v2sf)  }
0x211: {  	s0 =	smul.f32 $3.000000000e+00, s22;
	_ =	sdelay $0x1  }
0x212: {  	p0 =	sge.f32 s0, $8.732000000e+03  }
.Ltmp15:
0x213: {  	_ = 	snop;
	(pc) =	sbr.rel @p0 .LBB2_29-.Ltmp15, $2  }
0x214: {  	_ =	sdelay $0x2  }
0x215: {  	s29 =	sadd.f32 s29, s1;
	s26 =	spop (v2sf)  }
0x216: {  	s3 =	simm.s32 $0x0  }
0x217: {  	v1 =	vimm.f32 $0.0e+00;
	s1 =	simm.s32 $0x40;
	v2 =	vld [tilespmem:s3+$0x0]  }
.LBB2_31:
0x218: {  	p0 =	sne.s32 s1, $0x8840  }
.Ltmp16:
0x219: {  	_ = 	snop;
	(pc) =	sbr.rel @p0 .LBB2_31-.Ltmp16, $3  }
0x21a: {  	_ =	sdelay $0x1  }
0x21b: {  	s3 =	sshra.s32 s1, $0x2;
	s1 =	sadd.s32 $0x40, s1;
	v1 =	vmax.f32 v1, v2  }
0x21c: {  	v2 =	vld [tilespmem:s3+$0x0]  }
0x21d: {  	_ =	sdelay $0x3  }
0x21e: {  	v1 =	vmax.f32 v1, v2  }
0x21f: {  	(v2sf) =	vpush v1, $0x0  }
0x220: {  	(v2sf) =	vpush v1, $0x1  }
0x221: {  	(v2sf) =	vpush v1, $0x2  }
0x222: {  	(v2sf) =	vpush v1, $0x3  }
0x223: {  	(v2sf) =	vpush v1, $0x4  }
0x224: {  	(v2sf) =	vpush v1, $0x5  }
0x225: {  	(v2sf) =	vpush v1, $0x6  }
0x226: {  	(v2sf) =	vpush v1, $0x7  }
0x227: {  	(v2sf) =	vpush v1, $0x8  }
0x228: {  	(v2sf) =	vpush v1, $0x9  }
0x229: {  	(v2sf) =	vpush v1, $0xA  }
0x22a: {  	(v2sf) =	vpush v1, $0xB  }
0x22b: {  	(v2sf) =	vpush v1, $0xC  }
0x22c: {  	(v2sf) =	vpush v1, $0xD  }
0x22d: {  	(v2sf) =	vpush v1, $0xE  }
0x22e: {  	s1 =	spop (v2sf);
	(v2sf) =	vpush v1, $0xF  }
0x22f: {  	s17 =	scvt.f32.s32 s22;
	s3 =	spop (v2sf)  }
0x230: {  	s4 =	spop (v2sf);
	s1 =	smax.f32 s1, s3  }
0x231: {  	s5 =	spop (v2sf);
	s1 =	smax.f32 s1, s4  }
0x232: {  	s6 =	spop (v2sf);
	s1 =	smax.f32 s1, s5  }
0x233: {  	s7 =	spop (v2sf);
	s1 =	smax.f32 s1, s6  }
0x234: {  	s8 =	spop (v2sf);
	s1 =	smax.f32 s1, s7  }
0x235: {  	s9 =	spop (v2sf);
	s1 =	smax.f32 s1, s8  }
0x236: {  	s10 =	spop (v2sf);
	s1 =	smax.f32 s1, s9  }
0x237: {  	s11 =	spop (v2sf);
	s1 =	smax.f32 s1, s10  }
0x238: {  	s12 =	spop (v2sf);
	s1 =	smax.f32 s1, s11  }
0x239: {  	s13 =	spop (v2sf);
	s1 =	smax.f32 s1, s12  }
0x23a: {  	s14 =	spop (v2sf);
	s1 =	smax.f32 s1, s13  }
0x23b: {  	s15 =	spop (v2sf);
	s1 =	smax.f32 s1, s14  }
0x23c: {  	s16 =	spop (v2sf);
	s1 =	smax.f32 s1, s15  }
0x23d: {  	s3 =	smax.f32 s1, s16;
	s31 =	spop (v2sf)  }
0x23e: {  	s5 =	simm.s32 $0x0;
	s3 =	smax.f32 s3, s31  }
0x23f: {  	v1 =	vimm.s32 $0x0;
	s6 =	simm.f32 $0.0e+00;
	s1 =	smul.u32 $0x3, s17;
	s4 =	sadd.f32 $1.000000000e+00, s3  }
.LBB2_33:
0x240: {  	_ = 	snop  }
0x241: {  	s3 =	sadd.f32 s4, s6;
	_ =	sdelay $0x1  }
0x242: {  	s8 =	simm.s32 $0x0;
	s7 =	smul.f32 $5.000000000e-01, s3  }
0x243: {  	v4 =	vld [tilespmem:s8+$0x0]  }
0x244: {  	v3 =	vimm.s32 $0x0;
	s3 =	simm.s32 $0x40;
	v2 =	vmov s7  }
.LBB2_34:
0x245: {  	p0 =	sne.s32 s3, $0x8840  }
.Ltmp17:
0x246: {  	_ = 	snop;
	(pc) =	sbr.rel @p0 .LBB2_34-.Ltmp17, $4  }
0x247: {  	_ = 	snop  }
0x248: {  	s8 =	sshra.s32 s3, $0x2;
	s3 =	sadd.s32 $0x40, s3;
	vm0 =	vge.f32 v4, v2  }
0x249: {  	v4 =	vld [tilespmem:s8+$0x0];
	v5 =	vsel vm0, $0x1, v1  }
0x24a: {  	v3 =	vadd.s32 v5, v3  }
0x24b: {  	_ =	sdelay $0x2  }
0x24c: {  	vm0 =	vge.f32 v4, v2  }
0x24d: {  	v2 =	vsel vm0, $0x1, v1  }
0x24e: {  	v2 =	vadd.s32 v2, v3  }
0x24f: {  	(v2sf) =	vpush v2, $0x0  }
0x250: {  	(v2sf) =	vpush v2, $0x1  }
0x251: {  	(v2sf) =	vpush v2, $0x2  }
0x252: {  	(v2sf) =	vpush v2, $0x3  }
0x253: {  	(v2sf) =	vpush v2, $0x4  }
0x254: {  	(v2sf) =	vpush v2, $0x5  }
0x255: {  	(v2sf) =	vpush v2, $0x6  }
0x256: {  	(v2sf) =	vpush v2, $0x7  }
0x257: {  	(v2sf) =	vpush v2, $0x8  }
0x258: {  	(v2sf) =	vpush v2, $0x9  }
0x259: {  	(v2sf) =	vpush v2, $0xA  }
0x25a: {  	(v2sf) =	vpush v2, $0xB  }
0x25b: {  	(v2sf) =	vpush v2, $0xC  }
0x25c: {  	(v2sf) =	vpush v2, $0xD  }
0x25d: {  	(v2sf) =	vpush v2, $0xE  }
0x25e: {  	s3 =	spop (v2sf);
	(v2sf) =	vpush v2, $0xF  }
0x25f: {  	s8 =	spop (v2sf)  }
0x260: {  	s3 =	sadd.s32 s8, s3;
	s13 =	spop (v2sf)  }
0x261: {  	s3 =	sadd.s32 s13, s3;
	s14 =	spop (v2sf)  }
0x262: {  	s3 =	sadd.s32 s14, s3;
	s15 =	spop (v2sf)  }
0x263: {  	s3 =	sadd.s32 s15, s3;
	s16 =	spop (v2sf)  }
0x264: {  	s3 =	sadd.s32 s16, s3;
	s17 =	spop (v2sf)  }
0x265: {  	s3 =	sadd.s32 s17, s3;
	s9 =	spop (v2sf)  }
0x266: {  	s3 =	sadd.s32 s9, s3;
	s10 =	spop (v2sf)  }
0x267: {  	s3 =	sadd.s32 s10, s3;
	s11 =	spop (v2sf)  }
0x268: {  	s3 =	sadd.s32 s11, s3;
	s12 =	spop (v2sf)  }
0x269: {  	s3 =	sadd.s32 s12, s3;
	s13 =	spop (v2sf)  }
0x26a: {  	s3 =	sadd.s32 s13, s3;
	s14 =	spop (v2sf)  }
0x26b: {  	s5 =	sadd.s32 $0x1, s5;
	s3 =	sadd.s32 s14, s3;
	s15 =	spop (v2sf)  }
0x26c: {  	p1 =	sne.s32 s5, $0x28;
	s3 =	sadd.s32 s15, s3;
	s16 =	spop (v2sf)  }
.Ltmp18:
0x26d: {  	s3 =	sadd.s32 s16, s3;
	s17 =	spop (v2sf);
	(pc) =	sbr.rel @p1 .LBB2_33-.Ltmp18, $4  }
0x26e: {  	s3 =	sadd.s32 s17, s3  }
0x26f: {  	s31 =	smov.u32 s7;
	p0 =	slt.s32 s3, s1  }
0x270: {  	s31 =	smov.u32 @p0 s6  }
0x271: {  	s4 =	smov.u32 @p0 s7;
	s6 =	smov.u32 s31  }
0x272: {  	s3 =	simm.s32 $0x0  }
0x273: {  	v3 =	vmov s31;
	v5 =	vld [tilespmem:s3+$0x0]  }
0x274: {  	v4 =	vimm.f32 $0.0e+00;
	v1 =	vimm.s32 $0x0;
	s1 =	simm.s32 $0x40;
	v2 =	vimm.s32 $0x0  }
.LBB2_37:
0x275: {  	p0 =	sne.s32 s1, $0x8840  }
.Ltmp19:
0x276: {  	_ = 	snop;
	(pc) =	sbr.rel @p0 .LBB2_37-.Ltmp19, $4  }
0x277: {  	_ = 	snop  }
0x278: {  	s3 =	sshra.s32 s1, $0x2;
	s1 =	sadd.s32 $0x40, s1;
	vm0 =	vgt.f32 v5, v3  }
0x279: {  	v6 =	vnsel vm0, $0x0, v5;
	v5 =	vld [tilespmem:s3+$0x0];
	v7 =	vsel vm0, $0x1, v1  }
0x27a: {  	v4 =	vadd.f32 v6, v4;
	v2 =	vadd.s32 v7, v2  }
0x27b: {  	_ =	sdelay $0x2  }
0x27c: {  	vm0 =	vgt.f32 v5, v3  }
0x27d: {  	v3 =	vnsel vm0, $0x0, v5  }
0x27e: {  	v3 =	vadd.f32 v3, v4;
	_ =	sdelay $0x1  }
0x27f: {  	(v2sf) =	vpush v3, $0x0  }
0x280: {  	(v2sf) =	vpush v3, $0x1  }
0x281: {  	(v2sf) =	vpush v3, $0x2  }
0x282: {  	(v2sf) =	vpush v3, $0x3  }
0x283: {  	(v2sf) =	vpush v3, $0x4  }
0x284: {  	(v2sf) =	vpush v3, $0x5  }
0x285: {  	(v2sf) =	vpush v3, $0x6  }
0x286: {  	(v2sf) =	vpush v3, $0x7  }
0x287: {  	(v2sf) =	vpush v3, $0x8  }
0x288: {  	(v2sf) =	vpush v3, $0x9  }
0x289: {  	(v2sf) =	vpush v3, $0xA  }
0x28a: {  	(v2sf) =	vpush v3, $0xB  }
0x28b: {  	(v2sf) =	vpush v3, $0xC  }
0x28c: {  	(v2sf) =	vpush v3, $0xD  }
0x28d: {  	v1 =	vsel vm0, $0x1, v1;
	(v2sf) =	vpush v3, $0xE  }
0x28e: {  	v1 =	vadd.s32 v1, v2;
	s1 =	spop (v2sf);
	(v2sf) =	vpush v3, $0xF  }
0x28f: {  	s3 =	spop (v2sf);
	(v2sf) =	vpush v1, $0x0  }
0x290: {  	s4 =	spop (v2sf);
	(v2sf) =	vpush v1, $0x1  }
0x291: {  	s5 =	spop (v2sf);
	(v2sf) =	vpush v1, $0x2  }
0x292: {  	s6 =	spop (v2sf);
	(v2sf) =	vpush v1, $0x3  }
0x293: {  	s7 =	spop (v2sf);
	(v2sf) =	vpush v1, $0x4  }
0x294: {  	s8 =	spop (v2sf);
	(v2sf) =	vpush v1, $0x5  }
0x295: {  	s9 =	spop (v2sf);
	(v2sf) =	vpush v1, $0x6  }
0x296: {  	s1 =	sadd.f32 s3, s1;
	s3 =	spop (v2sf);
	(v2sf) =	vpush v1, $0x7  }
0x297: {  	s10 =	spop (v2sf);
	(v2sf) =	vpush v1, $0x8  }
0x298: {  	s1 =	sadd.f32 s1, s4;
	s4 =	spop (v2sf);
	(v2sf) =	vpush v1, $0x9  }
0x299: {  	s11 =	spop (v2sf);
	(v2sf) =	vpush v1, $0xA  }
0x29a: {  	s1 =	sadd.f32 s1, s5;
	s5 =	spop (v2sf);
	(v2sf) =	vpush v1, $0xB  }
0x29b: {  	s12 =	spop (v2sf);
	(v2sf) =	vpush v1, $0xC  }
0x29c: {  	s1 =	sadd.f32 s1, s6;
	s6 =	spop (v2sf);
	(v2sf) =	vpush v1, $0xD  }
0x29d: {  	s13 =	spop (v2sf);
	(v2sf) =	vpush v1, $0xE  }
0x29e: {  	s1 =	sadd.f32 s1, s7;
	s17 =	spop (v2sf);
	(v2sf) =	vpush v1, $0xF  }
0x29f: {  	s14 =	spop (v2sf)  }
0x2a0: {  	s1 =	sadd.f32 s1, s8;
	s7 =	sadd.s32 s14, s17;
	s15 =	spop (v2sf)  }
0x2a1: {  	s7 =	sadd.s32 s15, s7;
	s16 =	spop (v2sf)  }
0x2a2: {  	s1 =	sadd.f32 s1, s9;
	s7 =	sadd.s32 s16, s7;
	s17 =	spop (v2sf)  }
0x2a3: {  	s7 =	sadd.s32 s17, s7;
	s9 =	spop (v2sf)  }
0x2a4: {  	s1 =	sadd.f32 s1, s3;
	s14 =	sadd.s32 s9, s7;
	s15 =	spop (v2sf)  }
0x2a5: {  	s3 =	sadd.s32 s15, s14;
	s16 =	spop (v2sf)  }
0x2a6: {  	s1 =	sadd.f32 s1, s10;
	s3 =	sadd.s32 s16, s3;
	s17 =	spop (v2sf)  }
0x2a7: {  	s3 =	sadd.s32 s17, s3;
	s8 =	spop (v2sf)  }
0x2a8: {  	s1 =	sadd.f32 s1, s4;
	s3 =	sadd.s32 s8, s3;
	s9 =	spop (v2sf)  }
0x2a9: {  	s3 =	sadd.s32 s9, s3;
	s10 =	spop (v2sf)  }
0x2aa: {  	s1 =	sadd.f32 s1, s11;
	s3 =	sadd.s32 s10, s3;
	s14 =	spop (v2sf)  }
0x2ab: {  	s3 =	sadd.s32 s14, s3;
	s15 =	spop (v2sf)  }
0x2ac: {  	s1 =	sadd.f32 s1, s5;
	s3 =	sadd.s32 s15, s3;
	s16 =	spop (v2sf)  }
0x2ad: {  	s3 =	sadd.s32 s16, s3;
	s17 =	spop (v2sf)  }
0x2ae: {  	s1 =	sadd.f32 s1, s12;
	s3 =	sadd.s32 s17, s3  }
0x2af: {  	s3 =	scvt.s32.f32 s3  }
0x2b0: {  	s1 =	sadd.f32 s1, s6  }
.Ltmp20:
0x2b1: {  	s0 =	ssub.f32 s0, s3;
	(pc) =	sbr.rel .LBB2_39-.Ltmp20, $4  }
0x2b2: {  	_ = 	snop  }
0x2b3: {  	s1 =	sadd.f32 s1, s13;
	s0 =	smul.f32 s0, s31  }
0x2b4: {  	_ = 	snop  }
0x2b5: {  	s0 =	sadd.f32 s0, s1  }
.LBB2_29:
0x2b6: {  	s0 =	sadd.f32 s4, s3;
	_ =	sdelay $0x1  }
0x2b7: {  	s0 =	sadd.f32 s0, s5;
	_ =	sdelay $0x1  }
0x2b8: {  	s0 =	sadd.f32 s0, s6;
	_ =	sdelay $0x1  }
0x2b9: {  	s0 =	sadd.f32 s0, s7;
	_ =	sdelay $0x1  }
0x2ba: {  	s0 =	sadd.f32 s0, s8;
	_ =	sdelay $0x1  }
0x2bb: {  	s0 =	sadd.f32 s0, s9;
	_ =	sdelay $0x1  }
0x2bc: {  	s0 =	sadd.f32 s0, s10;
	_ =	sdelay $0x1  }
0x2bd: {  	s0 =	sadd.f32 s0, s11;
	_ =	sdelay $0x1  }
0x2be: {  	s0 =	sadd.f32 s0, s12;
	_ =	sdelay $0x1  }
0x2bf: {  	s0 =	sadd.f32 s0, s13;
	_ =	sdelay $0x1  }
0x2c0: {  	s0 =	sadd.f32 s0, s14;
	_ =	sdelay $0x1  }
0x2c1: {  	s0 =	sadd.f32 s0, s15;
	_ =	sdelay $0x1  }
0x2c2: {  	s0 =	sadd.f32 s0, s16;
	_ =	sdelay $0x1  }
0x2c3: {  	s0 =	sadd.f32 s0, s17;
	_ =	sdelay $0x1  }
0x2c4: {  	s0 =	sadd.f32 s0, s31  }
.LBB2_39:
0x2c5: {  	s1 =	simm.s32 $0x80;
	s3 =	simm.s32 $0x400;
	s4 =	simm.s32 $0x0  }
0x2c6: {  	[tilespmem:s4], [sflag:$0x1] =	stream.strided.gather [hbm4b:s21+s1], $0x2280, s3, s1, $0x38;
	[tilespmem:$0x2390] =	vst v63  }
0x2c7: {  	s21 =	simm.s32 $0x1  }
0x2c8: {  	_ =	swait.ge [sflag:s21], $0x2280  }
0x2c9: {  	[sflag:s21] =	ssyncset.done $0x0  }
0x2ca: {  	s31 =	simm.s32 $0x2280;
	[sflag:s21] =	ssyncadd.s32 $0xFFFFDD80  }
0x2cb: {  	[tilespmem:s31], [sflag:$0x1] =	stream.linear.gather [hbm4b:s20+s4], $0x80, $0x38;
	[tilespmem:$0x2390] =	vst v63  }
0x2cc: {  	_ =	swait.ge [sflag:s21], $0x80  }
0x2cd: {  	s5 =	sadd.f32 s30, s25;
	[sflag:s21] =	ssyncset.done $0x0  }
0x2ce: {  	s6 =	simm.s32 $0x0;
	s1 =	sadd.f32 s23, s24;
	[sflag:s21] =	ssyncadd.s32 $0xFFFFFF80  }
0x2cf: {  	v1 =	vimm.f32 $0.0e+00;
	s3 =	simm.s32 $0x40;
	s4 =	sadd.f32 s28, s29;
	v2 =	vld [tilespmem:s6+$0x0]  }
.LBB2_40:
0x2d0: {  	p0 =	sne.s32 s3, $0x8840  }
.Ltmp21:
0x2d1: {  	_ = 	snop;
	(pc) =	sbr.rel @p0 .LBB2_40-.Ltmp21, $3  }
0x2d2: {  	_ =	sdelay $0x1  }
0x2d3: {  	s6 =	sshra.s32 s3, $0x2;
	s3 =	sadd.s32 $0x40, s3;
	v1 =	vadd.f32 v2, v1  }
0x2d4: {  	v2 =	vld [tilespmem:s6+$0x0]  }
0x2d5: {  	_ =	sdelay $0x3  }
0x2d6: {  	v1 =	vadd.f32 v2, v1  }
0x2d7: {  	(v2sf) =	vpush v0, $0x2  }
0x2d8: {  	(v2sf) =	vpush v1, $0x0  }
0x2d9: {  	(v2sf) =	vpush v1, $0x1  }
0x2da: {  	(v2sf) =	vpush v1, $0x2  }
0x2db: {  	(v2sf) =	vpush v1, $0x3  }
0x2dc: {  	(v2sf) =	vpush v1, $0x4  }
0x2dd: {  	(v2sf) =	vpush v1, $0x5  }
0x2de: {  	(v2sf) =	vpush v1, $0x6  }
0x2df: {  	(v2sf) =	vpush v1, $0x7  }
0x2e0: {  	(v2sf) =	vpush v1, $0x8  }
0x2e1: {  	(v2sf) =	vpush v1, $0x9  }
0x2e2: {  	(v2sf) =	vpush v1, $0xA  }
0x2e3: {  	v0 =	vld [tilespmem:$0x2280];
	(v2sf) =	vpush v1, $0xB  }
0x2e4: {  	(v2sf) =	vpush v1, $0xC  }
0x2e5: {  	(v2sf) =	vpush v1, $0xD  }
0x2e6: {  	s17 =	spop (v2sf);
	(v2sf) =	vpush v1, $0xE  }
0x2e7: {  	s3 =	spop (v2sf);
	(v2sf) =	vpush v1, $0xF  }
0x2e8: {  	s6 =	spop (v2sf);
	(v2sf) =	vpush v0, $0x0  }
0x2e9: {  	s7 =	spop (v2sf)  }
0x2ea: {  	s28 =	spop (v2sf)  }
0x2eb: {  	s29 =	spop (v2sf)  }
0x2ec: {  	s30 =	spop (v2sf)  }
0x2ed: {  	s31 =	spop (v2sf)  }
0x2ee: {  	s8 =	spop (v2sf)  }
0x2ef: {  	s9 =	spop (v2sf)  }
0x2f0: {  	(v2sf) =	vpush v0, $0x1;
	s10 =	spop (v2sf)  }
0x2f1: {  	s11 =	spop (v2sf)  }
0x2f2: {  	s12 =	spop (v2sf)  }
0x2f3: {  	s13 =	spop (v2sf)  }
0x2f4: {  	s14 =	spop (v2sf)  }
0x2f5: {  	s15 =	spop (v2sf)  }
0x2f6: {  	s16 =	spop (v2sf)  }
0x2f7: {  	s20 =	spop (v2sf)  }
0x2f8: {  	s25 =	smul.f32 $3.000000000e+00, s20;
	_ =	sdelay $0x1  }
0x2f9: {  	p0 =	sge.f32 s25, $8.732000000e+03  }
.Ltmp22:
0x2fa: {  	_ = 	snop;
	(pc) =	sbr.rel @p0 .LBB2_42-.Ltmp22, $4  }
0x2fb: {  	s4 =	sadd.f32 s26, s4  }
0x2fc: {  	s22 =	sadd.f32 s22, s1  }
0x2fd: {  	s23 =	sadd.f32 s0, s4  }
0x2fe: {  	s21 =	sadd.f32 s17, s5;
	s24 =	spop (v2sf)  }
0x2ff: {  	s1 =	simm.s32 $0x0  }
0x300: {  	v1 =	vimm.f32 $0.0e+00;
	s0 =	simm.s32 $0x40;
	v2 =	vld [tilespmem:s1+$0x0]  }
.LBB2_44:
0x301: {  	p0 =	sne.s32 s0, $0x8840  }
.Ltmp23:
0x302: {  	_ = 	snop;
	(pc) =	sbr.rel @p0 .LBB2_44-.Ltmp23, $3  }
0x303: {  	_ =	sdelay $0x1  }
0x304: {  	s1 =	sshra.s32 s0, $0x2;
	s0 =	sadd.s32 $0x40, s0;
	v1 =	vmax.f32 v1, v2  }
0x305: {  	v2 =	vld [tilespmem:s1+$0x0]  }
0x306: {  	_ =	sdelay $0x3  }
0x307: {  	v1 =	vmax.f32 v1, v2  }
0x308: {  	(v2sf) =	vpush v1, $0x0  }
0x309: {  	(v2sf) =	vpush v1, $0x1  }
0x30a: {  	(v2sf) =	vpush v1, $0x2  }
0x30b: {  	(v2sf) =	vpush v1, $0x3  }
0x30c: {  	(v2sf) =	vpush v1, $0x4  }
0x30d: {  	(v2sf) =	vpush v1, $0x5  }
0x30e: {  	(v2sf) =	vpush v1, $0x6  }
0x30f: {  	(v2sf) =	vpush v1, $0x7  }
0x310: {  	(v2sf) =	vpush v1, $0x8  }
0x311: {  	(v2sf) =	vpush v1, $0x9  }
0x312: {  	(v2sf) =	vpush v1, $0xA  }
0x313: {  	(v2sf) =	vpush v1, $0xB  }
0x314: {  	(v2sf) =	vpush v1, $0xC  }
0x315: {  	(v2sf) =	vpush v1, $0xD  }
0x316: {  	(v2sf) =	vpush v1, $0xE  }
0x317: {  	s0 =	spop (v2sf);
	(v2sf) =	vpush v1, $0xF  }
0x318: {  	s30 =	scvt.f32.s32 s20;
	s1 =	spop (v2sf)  }
0x319: {  	s3 =	spop (v2sf);
	s0 =	smax.f32 s0, s1  }
0x31a: {  	s4 =	spop (v2sf);
	s0 =	smax.f32 s0, s3  }
0x31b: {  	s10 =	spop (v2sf);
	s0 =	smax.f32 s0, s4  }
0x31c: {  	s11 =	spop (v2sf);
	s0 =	smax.f32 s0, s10  }
0x31d: {  	s12 =	spop (v2sf);
	s0 =	smax.f32 s0, s11  }
0x31e: {  	s13 =	spop (v2sf);
	s0 =	smax.f32 s0, s12  }
0x31f: {  	s14 =	spop (v2sf);
	s0 =	smax.f32 s0, s13  }
0x320: {  	s15 =	spop (v2sf);
	s0 =	smax.f32 s0, s14  }
0x321: {  	s16 =	spop (v2sf);
	s0 =	smax.f32 s0, s15  }
0x322: {  	s17 =	spop (v2sf);
	s0 =	smax.f32 s0, s16  }
0x323: {  	s26 =	spop (v2sf);
	s0 =	smax.f32 s0, s17  }
0x324: {  	s28 =	spop (v2sf);
	s0 =	smax.f32 s0, s26  }
0x325: {  	s29 =	spop (v2sf);
	s0 =	smax.f32 s0, s28  }
0x326: {  	s0 =	smax.f32 s0, s29;
	s31 =	spop (v2sf)  }
0x327: {  	s5 =	simm.s32 $0x0;
	s0 =	smax.f32 s0, s31  }
0x328: {  	s6 =	simm.f32 $0.0e+00;
	v1 =	vimm.s32 $0x0;
	s1 =	smul.u32 $0x3, s30;
	s4 =	sadd.f32 $1.000000000e+00, s0  }
.LBB2_46:
0x329: {  	_ = 	snop  }
0x32a: {  	s0 =	sadd.f32 s4, s6;
	_ =	sdelay $0x1  }
0x32b: {  	s3 =	simm.s32 $0x0;
	s7 =	smul.f32 $5.000000000e-01, s0  }
0x32c: {  	v4 =	vld [tilespmem:s3+$0x0]  }
0x32d: {  	v3 =	vimm.s32 $0x0;
	s0 =	simm.s32 $0x40;
	v2 =	vmov s7  }
.LBB2_47:
0x32e: {  	p0 =	sne.s32 s0, $0x8840  }
.Ltmp24:
0x32f: {  	_ = 	snop;
	(pc) =	sbr.rel @p0 .LBB2_47-.Ltmp24, $4  }
0x330: {  	_ = 	snop  }
0x331: {  	s3 =	sshra.s32 s0, $0x2;
	s0 =	sadd.s32 $0x40, s0;
	vm0 =	vge.f32 v4, v2  }
0x332: {  	v4 =	vld [tilespmem:s3+$0x0];
	v5 =	vsel vm0, $0x1, v1  }
0x333: {  	v3 =	vadd.s32 v5, v3  }
0x334: {  	_ =	sdelay $0x2  }
0x335: {  	vm0 =	vge.f32 v4, v2  }
0x336: {  	v2 =	vsel vm0, $0x1, v1  }
0x337: {  	v2 =	vadd.s32 v2, v3  }
0x338: {  	(v2sf) =	vpush v2, $0x0  }
0x339: {  	(v2sf) =	vpush v2, $0x1  }
0x33a: {  	(v2sf) =	vpush v2, $0x2  }
0x33b: {  	(v2sf) =	vpush v2, $0x3  }
0x33c: {  	(v2sf) =	vpush v2, $0x4  }
0x33d: {  	(v2sf) =	vpush v2, $0x5  }
0x33e: {  	(v2sf) =	vpush v2, $0x6  }
0x33f: {  	(v2sf) =	vpush v2, $0x7  }
0x340: {  	(v2sf) =	vpush v2, $0x8  }
0x341: {  	(v2sf) =	vpush v2, $0x9  }
0x342: {  	(v2sf) =	vpush v2, $0xA  }
0x343: {  	(v2sf) =	vpush v2, $0xB  }
0x344: {  	(v2sf) =	vpush v2, $0xC  }
0x345: {  	(v2sf) =	vpush v2, $0xD  }
0x346: {  	(v2sf) =	vpush v2, $0xE  }
0x347: {  	s0 =	spop (v2sf);
	(v2sf) =	vpush v2, $0xF  }
0x348: {  	s3 =	spop (v2sf)  }
0x349: {  	s0 =	sadd.s32 s3, s0;
	s9 =	spop (v2sf)  }
0x34a: {  	s0 =	sadd.s32 s9, s0;
	s10 =	spop (v2sf)  }
0x34b: {  	s0 =	sadd.s32 s10, s0;
	s11 =	spop (v2sf)  }
0x34c: {  	s0 =	sadd.s32 s11, s0;
	s12 =	spop (v2sf)  }
0x34d: {  	s0 =	sadd.s32 s12, s0;
	s13 =	spop (v2sf)  }
0x34e: {  	s0 =	sadd.s32 s13, s0;
	s14 =	spop (v2sf)  }
0x34f: {  	s0 =	sadd.s32 s14, s0;
	s15 =	spop (v2sf)  }
0x350: {  	s0 =	sadd.s32 s15, s0;
	s16 =	spop (v2sf)  }
0x351: {  	s0 =	sadd.s32 s16, s0;
	s17 =	spop (v2sf)  }
0x352: {  	s0 =	sadd.s32 s17, s0;
	s26 =	spop (v2sf)  }
0x353: {  	s0 =	sadd.s32 s26, s0;
	s28 =	spop (v2sf)  }
0x354: {  	s5 =	sadd.s32 $0x1, s5;
	s0 =	sadd.s32 s28, s0;
	s29 =	spop (v2sf)  }
0x355: {  	p1 =	sne.s32 s5, $0x28;
	s0 =	sadd.s32 s29, s0;
	s30 =	spop (v2sf)  }
.Ltmp25:
0x356: {  	s0 =	sadd.s32 s30, s0;
	s31 =	spop (v2sf);
	(pc) =	sbr.rel @p1 .LBB2_46-.Ltmp25, $4  }
0x357: {  	s0 =	sadd.s32 s31, s0  }
0x358: {  	p0 =	slt.s32 s0, s1;
	s0 =	smov.u32 s7  }
0x359: {  	s0 =	smov.u32 @p0 s6  }
0x35a: {  	s4 =	smov.u32 @p0 s7;
	s6 =	smov.u32 s0  }
0x35b: {  	s3 =	simm.s32 $0x0  }
0x35c: {  	v3 =	vmov s0;
	v5 =	vld [tilespmem:s3+$0x0]  }
0x35d: {  	v4 =	vimm.f32 $0.0e+00;
	v1 =	vimm.s32 $0x0;
	s1 =	simm.s32 $0x40;
	v2 =	vimm.s32 $0x0  }
.LBB2_50:
0x35e: {  	p0 =	sne.s32 s1, $0x8840  }
.Ltmp26:
0x35f: {  	_ = 	snop;
	(pc) =	sbr.rel @p0 .LBB2_50-.Ltmp26, $4  }
0x360: {  	_ = 	snop  }
0x361: {  	s3 =	sshra.s32 s1, $0x2;
	s1 =	sadd.s32 $0x40, s1;
	vm0 =	vgt.f32 v5, v3  }
0x362: {  	v6 =	vnsel vm0, $0x0, v5;
	v5 =	vld [tilespmem:s3+$0x0];
	v7 =	vsel vm0, $0x1, v1  }
0x363: {  	v4 =	vadd.f32 v6, v4;
	v2 =	vadd.s32 v7, v2  }
0x364: {  	_ =	sdelay $0x2  }
0x365: {  	vm0 =	vgt.f32 v5, v3  }
0x366: {  	v3 =	vnsel vm0, $0x0, v5  }
0x367: {  	v3 =	vadd.f32 v3, v4;
	_ =	sdelay $0x1  }
0x368: {  	(v2sf) =	vpush v3, $0x0  }
0x369: {  	(v2sf) =	vpush v3, $0x1  }
0x36a: {  	(v2sf) =	vpush v3, $0x2  }
0x36b: {  	(v2sf) =	vpush v3, $0x3  }
0x36c: {  	(v2sf) =	vpush v3, $0x4  }
0x36d: {  	(v2sf) =	vpush v3, $0x5  }
0x36e: {  	(v2sf) =	vpush v3, $0x6  }
0x36f: {  	(v2sf) =	vpush v3, $0x7  }
0x370: {  	(v2sf) =	vpush v3, $0x8  }
0x371: {  	(v2sf) =	vpush v3, $0x9  }
0x372: {  	(v2sf) =	vpush v3, $0xA  }
0x373: {  	(v2sf) =	vpush v3, $0xB  }
0x374: {  	(v2sf) =	vpush v3, $0xC  }
0x375: {  	(v2sf) =	vpush v3, $0xD  }
0x376: {  	v1 =	vsel vm0, $0x1, v1;
	(v2sf) =	vpush v3, $0xE  }
0x377: {  	v1 =	vadd.s32 v1, v2;
	s1 =	spop (v2sf);
	(v2sf) =	vpush v3, $0xF  }
0x378: {  	s3 =	spop (v2sf);
	(v2sf) =	vpush v1, $0x0  }
0x379: {  	s4 =	spop (v2sf);
	(v2sf) =	vpush v1, $0x1  }
0x37a: {  	s5 =	spop (v2sf);
	(v2sf) =	vpush v1, $0x2  }
0x37b: {  	s6 =	spop (v2sf);
	(v2sf) =	vpush v1, $0x3  }
0x37c: {  	s7 =	spop (v2sf);
	(v2sf) =	vpush v1, $0x4  }
0x37d: {  	s8 =	spop (v2sf);
	(v2sf) =	vpush v1, $0x5  }
0x37e: {  	s9 =	spop (v2sf);
	(v2sf) =	vpush v1, $0x6  }
0x37f: {  	s1 =	sadd.f32 s3, s1;
	s16 =	spop (v2sf);
	(v2sf) =	vpush v1, $0x7  }
0x380: {  	s10 =	spop (v2sf);
	(v2sf) =	vpush v1, $0x8  }
0x381: {  	s1 =	sadd.f32 s1, s4;
	s17 =	spop (v2sf);
	(v2sf) =	vpush v1, $0x9  }
0x382: {  	s11 =	spop (v2sf);
	(v2sf) =	vpush v1, $0xA  }
0x383: {  	s1 =	sadd.f32 s1, s5;
	s5 =	spop (v2sf);
	(v2sf) =	vpush v1, $0xB  }
0x384: {  	s12 =	spop (v2sf);
	(v2sf) =	vpush v1, $0xC  }
0x385: {  	s1 =	sadd.f32 s1, s6;
	s6 =	spop (v2sf);
	(v2sf) =	vpush v1, $0xD  }
0x386: {  	s13 =	spop (v2sf);
	(v2sf) =	vpush v1, $0xE  }
0x387: {  	s1 =	sadd.f32 s1, s7;
	s26 =	spop (v2sf);
	(v2sf) =	vpush v1, $0xF  }
0x388: {  	s14 =	spop (v2sf)  }
0x389: {  	s1 =	sadd.f32 s1, s8;
	s7 =	sadd.s32 s14, s26;
	s28 =	spop (v2sf)  }
0x38a: {  	s7 =	sadd.s32 s28, s7;
	s29 =	spop (v2sf)  }
0x38b: {  	s1 =	sadd.f32 s1, s9;
	s7 =	sadd.s32 s29, s7;
	s30 =	spop (v2sf)  }
0x38c: {  	s7 =	sadd.s32 s30, s7;
	s31 =	spop (v2sf)  }
0x38d: {  	s1 =	sadd.f32 s1, s16;
	s8 =	sadd.s32 s31, s7;
	s9 =	spop (v2sf)  }
0x38e: {  	s3 =	sadd.s32 s9, s8;
	s14 =	spop (v2sf)  }
0x38f: {  	s1 =	sadd.f32 s1, s10;
	s3 =	sadd.s32 s14, s3;
	s15 =	spop (v2sf)  }
0x390: {  	s3 =	sadd.s32 s15, s3;
	s16 =	spop (v2sf)  }
0x391: {  	s1 =	sadd.f32 s1, s17;
	s3 =	sadd.s32 s16, s3;
	s17 =	spop (v2sf)  }
0x392: {  	s3 =	sadd.s32 s17, s3;
	s26 =	spop (v2sf)  }
0x393: {  	s1 =	sadd.f32 s1, s11;
	s3 =	sadd.s32 s26, s3;
	s28 =	spop (v2sf)  }
0x394: {  	s3 =	sadd.s32 s28, s3;
	s29 =	spop (v2sf)  }
0x395: {  	s1 =	sadd.f32 s1, s5;
	s3 =	sadd.s32 s29, s3;
	s30 =	spop (v2sf)  }
0x396: {  	s3 =	sadd.s32 s30, s3;
	s31 =	spop (v2sf)  }
0x397: {  	s1 =	sadd.f32 s1, s12;
	s3 =	sadd.s32 s31, s3  }
0x398: {  	s3 =	scvt.s32.f32 s3  }
0x399: {  	s1 =	sadd.f32 s1, s6  }
.Ltmp27:
0x39a: {  	s3 =	ssub.f32 s25, s3;
	(pc) =	sbr.rel .LBB2_52-.Ltmp27, $4  }
0x39b: {  	_ = 	snop  }
0x39c: {  	s1 =	sadd.f32 s1, s13;
	s0 =	smul.f32 s3, s0  }
0x39d: {  	_ = 	snop  }
0x39e: {  	s0 =	sadd.f32 s0, s1  }
.LBB2_42:
0x39f: {  	s0 =	sadd.f32 s6, s3;
	_ =	sdelay $0x1  }
0x3a0: {  	s0 =	sadd.f32 s0, s7;
	_ =	sdelay $0x1  }
0x3a1: {  	s0 =	sadd.f32 s0, s28;
	_ =	sdelay $0x1  }
0x3a2: {  	s0 =	sadd.f32 s0, s29;
	_ =	sdelay $0x1  }
0x3a3: {  	s0 =	sadd.f32 s0, s30;
	_ =	sdelay $0x1  }
0x3a4: {  	s0 =	sadd.f32 s0, s31;
	_ =	sdelay $0x1  }
0x3a5: {  	s0 =	sadd.f32 s0, s8;
	_ =	sdelay $0x1  }
0x3a6: {  	s0 =	sadd.f32 s0, s9;
	_ =	sdelay $0x1  }
0x3a7: {  	s0 =	sadd.f32 s0, s10;
	_ =	sdelay $0x1  }
0x3a8: {  	s0 =	sadd.f32 s0, s11;
	_ =	sdelay $0x1  }
0x3a9: {  	s0 =	sadd.f32 s0, s12;
	_ =	sdelay $0x1  }
0x3aa: {  	s0 =	sadd.f32 s0, s13;
	_ =	sdelay $0x1  }
0x3ab: {  	s0 =	sadd.f32 s0, s14;
	_ =	sdelay $0x1  }
0x3ac: {  	s0 =	sadd.f32 s0, s15;
	_ =	sdelay $0x1  }
0x3ad: {  	s0 =	sadd.f32 s0, s16  }
.LBB2_52:
0x3ae: {  	(v2sf) =	vpush v0, $0x2;
	_ =	sdelay $0xa  }
0x3af: {  	s1 =	sadd.f32 s24, s23;
	_ =	sdelay $0x1  }
0x3b0: {  	s0 =	sadd.f32 s0, s1;
	_ =	sdelay $0x1  }
0x3b1: {  	s29 =	sadd.f32 s20, s22;
	vm0 =	vcmask $0x300;
	v63 =	vmov s0;
	s3 =	spop (v2sf)  }
0x3b2: {  	vm14 =	vcmask $0x704;
	v0 =	vnsel vm0, $0x0, v63;
	s30 =	sadd.f32 s3, s21  }
0x3b3: {  	vm15 =	vcmask $0xB08;
	v0 =	vsel vm14, s29, v0  }
0x3b4: {  	v0 =	vsel vm15, s30, v0  }
0x3b5: {  	s20 =	simm.s32 $0x2300;
	s0 =	simm.s32 $0x1;
	[tilespmem:$0x2300] =	vst v0  }
0x3b6: {  	[spmem:s19] =	stream.linear.scatter [tilespmem:s20], [sflag:$0x1], $0x10, $0x38;
	[tilespmem:$0x2390] =	vst v63  }
0x3b7: {  	_ =	swait.ge [sflag:s0], $0x10  }
0x3b8: {  	[sflag:s0] =	ssyncset.done $0x0  }
0x3b9: {  	s31 =	stileid.u32;
	[sflag:s0] =	ssyncadd.s32 $0xFFFFFFF0  }
0x3ba: {  	p0 =	sne.s32 s31, $0x0;
	[bflag:$0x0] =	sbarrier.arrive $0xFFFF  }
0x3bb: {  	_ =	sfence.sel @p0 $0x180000  }
0x3bc: {  	[bflag:$0x0] =	sbarrier.arrive @p0 $0xFFFF  }
0x3bd: {  	_ =	strace @p0 $0x90000047  }
0x3be: {  	[bflag:$0x2] =	sbarrier.arrive @p0 $0xFFFF  }
0x3bf: {  	_ =	shalt @p0  }
.LBB2_53:
0x3c0: {  	[tilespmem:s20], [sflag:$0x1] =	stream.linear.gather [spmem:s2], $0x10, $0x38;
	[tilespmem:$0x2390] =	vst v63  }
0x3c1: {  	_ =	swait.ge [sflag:s0], $0x10  }
0x3c2: {  	[sflag:s0] =	ssyncset.done $0x0  }
0x3c3: {  	s1 =	rddreg [dreg:$0x11];
	[sflag:s0] =	ssyncadd.s32 $0xFFFFFFF0  }
0x3c4: {  	v0 =	vld [tilespmem:$0x2300];
	[tilespmem:s20], [sflag:$0x1] =	stream.linear.gather [spmem:s1], $0x10, $0x38  }
0x3c5: {  	_ =	swait.ge [sflag:s0], $0x10  }
0x3c6: {  	[sflag:s0] =	ssyncset.done $0x0  }
0x3c7: {  	[sflag:s0] =	ssyncadd.s32 $0xFFFFFFF0  }
0x3c8: {  	v1 =	vld [tilespmem:$0x2300];
	[tilespmem:s20], [sflag:$0x1] =	stream.linear.gather [spmem:s18], $0x10, $0x38  }
0x3c9: {  	_ =	swait.ge [sflag:s0], $0x10  }
0x3ca: {  	[sflag:s0] =	ssyncset.done $0x0  }
0x3cb: {  	s12 =	rddreg [dreg:$0x10];
	[sflag:s0] =	ssyncadd.s32 $0xFFFFFFF0  }
0x3cc: {  	v2 =	vld [tilespmem:$0x2300];
	[tilespmem:s20], [sflag:$0x1] =	stream.linear.gather [spmem:s12], $0x10, $0x38  }
0x3cd: {  	_ =	swait.ge [sflag:s0], $0x10  }
0x3ce: {  	[sflag:s0] =	ssyncset.done $0x0  }
0x3cf: {  	s13 =	rddreg [dreg:$0xf];
	[sflag:s0] =	ssyncadd.s32 $0xFFFFFFF0  }
0x3d0: {  	v3 =	vld [tilespmem:$0x2300];
	[tilespmem:s20], [sflag:$0x1] =	stream.linear.gather [spmem:s13], $0x10, $0x38  }
0x3d1: {  	_ =	swait.ge [sflag:s0], $0x10  }
0x3d2: {  	[sflag:s0] =	ssyncset.done $0x0  }
0x3d3: {  	s14 =	rddreg [dreg:$0xe];
	[sflag:s0] =	ssyncadd.s32 $0xFFFFFFF0  }
0x3d4: {  	v4 =	vld [tilespmem:$0x2300];
	[tilespmem:s20], [sflag:$0x1] =	stream.linear.gather [spmem:s14], $0x10, $0x38  }
0x3d5: {  	_ =	swait.ge [sflag:s0], $0x10  }
0x3d6: {  	[sflag:s0] =	ssyncset.done $0x0  }
0x3d7: {  	s15 =	rddreg [dreg:$0xd];
	[sflag:s0] =	ssyncadd.s32 $0xFFFFFFF0  }
0x3d8: {  	v5 =	vld [tilespmem:$0x2300];
	[tilespmem:s20], [sflag:$0x1] =	stream.linear.gather [spmem:s15], $0x10, $0x38  }
0x3d9: {  	_ =	swait.ge [sflag:s0], $0x10  }
0x3da: {  	[sflag:s0] =	ssyncset.done $0x0  }
0x3db: {  	s16 =	rddreg [dreg:$0xc];
	[sflag:s0] =	ssyncadd.s32 $0xFFFFFFF0  }
0x3dc: {  	v6 =	vld [tilespmem:$0x2300];
	[tilespmem:s20], [sflag:$0x1] =	stream.linear.gather [spmem:s16], $0x10, $0x38  }
0x3dd: {  	_ =	swait.ge [sflag:s0], $0x10  }
0x3de: {  	[sflag:s0] =	ssyncset.done $0x0  }
0x3df: {  	s17 =	rddreg [dreg:$0xb];
	[sflag:s0] =	ssyncadd.s32 $0xFFFFFFF0  }
0x3e0: {  	v7 =	vld [tilespmem:$0x2300];
	[tilespmem:s20], [sflag:$0x1] =	stream.linear.gather [spmem:s17], $0x10, $0x38  }
0x3e1: {  	_ =	swait.ge [sflag:s0], $0x10  }
0x3e2: {  	[sflag:s0] =	ssyncset.done $0x0  }
0x3e3: {  	s18 =	rddreg [dreg:$0xa];
	[sflag:s0] =	ssyncadd.s32 $0xFFFFFFF0  }
0x3e4: {  	v8 =	vld [tilespmem:$0x2300];
	[tilespmem:s20], [sflag:$0x1] =	stream.linear.gather [spmem:s18], $0x10, $0x38  }
0x3e5: {  	_ =	swait.ge [sflag:s0], $0x10  }
0x3e6: {  	[sflag:s0] =	ssyncset.done $0x0  }
0x3e7: {  	v0 =	vadd.f32 $0.0e+00, v0;
	s19 =	rddreg [dreg:$0x9];
	[sflag:s0] =	ssyncadd.s32 $0xFFFFFFF0  }
0x3e8: {  	v9 =	vld [tilespmem:$0x2300];
	[tilespmem:s20], [sflag:$0x1] =	stream.linear.gather [spmem:s19], $0x10, $0x38  }
0x3e9: {  	v0 =	vadd.f32 v1, v0;
	_ =	swait.ge [sflag:s0], $0x10  }
0x3ea: {  	[sflag:s0] =	ssyncset.done $0x0  }
0x3eb: {  	v0 =	vadd.f32 v2, v0;
	s21 =	rddreg [dreg:$0x8];
	[sflag:s0] =	ssyncadd.s32 $0xFFFFFFF0  }
0x3ec: {  	v10 =	vld [tilespmem:$0x2300];
	[tilespmem:s20], [sflag:$0x1] =	stream.linear.gather [spmem:s21], $0x10, $0x38  }
0x3ed: {  	v0 =	vadd.f32 v3, v0;
	_ =	swait.ge [sflag:s0], $0x10  }
0x3ee: {  	[sflag:s0] =	ssyncset.done $0x0  }
0x3ef: {  	v0 =	vadd.f32 v4, v0;
	s22 =	rddreg [dreg:$0x7];
	[sflag:s0] =	ssyncadd.s32 $0xFFFFFFF0  }
0x3f0: {  	v59 =	vld [tilespmem:$0x2300];
	[tilespmem:s20], [sflag:$0x1] =	stream.linear.gather [spmem:s22], $0x10, $0x38  }
0x3f1: {  	v0 =	vadd.f32 v5, v0;
	_ =	swait.ge [sflag:s0], $0x10  }
0x3f2: {  	[sflag:s0] =	ssyncset.done $0x0  }
0x3f3: {  	v0 =	vadd.f32 v6, v0;
	s23 =	rddreg [dreg:$0x6];
	[sflag:s0] =	ssyncadd.s32 $0xFFFFFFF0  }
0x3f4: {  	v60 =	vld [tilespmem:$0x2300];
	[tilespmem:s20], [sflag:$0x1] =	stream.linear.gather [spmem:s23], $0x10, $0x38  }
0x3f5: {  	v0 =	vadd.f32 v7, v0;
	_ =	swait.ge [sflag:s0], $0x10  }
0x3f6: {  	[sflag:s0] =	ssyncset.done $0x0  }
0x3f7: {  	v0 =	vadd.f32 v8, v0;
	s24 =	rddreg [dreg:$0x5];
	[sflag:s0] =	ssyncadd.s32 $0xFFFFFFF0  }
0x3f8: {  	v61 =	vld [tilespmem:$0x2300];
	[tilespmem:s20], [sflag:$0x1] =	stream.linear.gather [spmem:s24], $0x10, $0x38  }
0x3f9: {  	v0 =	vadd.f32 v9, v0;
	_ =	swait.ge [sflag:s0], $0x10  }
0x3fa: {  	[sflag:s0] =	ssyncset.done $0x0  }
0x3fb: {  	v0 =	vadd.f32 v10, v0;
	s25 =	rddreg [dreg:$0x4];
	[sflag:s0] =	ssyncadd.s32 $0xFFFFFFF0  }
0x3fc: {  	v62 =	vld [tilespmem:$0x2300];
	[tilespmem:s20], [sflag:$0x1] =	stream.linear.gather [spmem:s25], $0x10, $0x38  }
0x3fd: {  	v0 =	vadd.f32 v59, v0;
	_ =	swait.ge [sflag:s0], $0x10  }
0x3fe: {  	[sflag:s0] =	ssyncset.done $0x0  }
0x3ff: {  	v0 =	vadd.f32 v60, v0;
	[sflag:s0] =	ssyncadd.s32 $0xFFFFFFF0  }
0x400: {  	v63 =	vld [tilespmem:$0x2300]  }
0x401: {  	v0 =	vadd.f32 v61, v0;
	_ =	sdelay $0x1  }
0x402: {  	v0 =	vadd.f32 v62, v0;
	_ =	sdelay $0x1  }
0x403: {  	v0 =	vadd.f32 v63, v0;
	_ =	sdelay $0x1  }
0x404: {  	(v2sf) =	vpush v0, $0x2  }
0x405: {  	(v2sf) =	vpush v0, $0x0;
	_ =	sdelay $0x5  }
0x406: {  	v0 =	vbroadcast v0, $0x1;
	_ =	sdelay $0x1  }
0x407: {  	(erf) = vrcp.f32 v0;
	_ =	sdelay $0x5  }
0x408: {  	s26 =	spop (v2sf)  }
0x409: {  	s28 =	spop (v2sf)  }
0x40a: {  	s1 =	sadd.f32 s28, s26  }
0x40b: {  	v0 =	vpop (erf)  }
0x40c: {  	v0 =	vmul.f32 s1, v0;
	_ =	sdelay $0x1  }
0x40d: {  	s29 =	simm.s32 $0x0;
	s30 =	rddreg [dreg:$0x1];
	[tilespmem:$0x2300] =	vst v0  }
0x40e: {  	[hbm4b:s30+s29] =	stream.linear.scatter [tilespmem:s20], [sflag:$0x1], $0x80, $0x38;
	[tilespmem:$0x2390] =	vst v63  }
0x40f: {  	_ =	swait.ge [sflag:s0], $0x80  }
0x410: {  	[sflag:s0] =	ssyncset.done $0x0  }
0x411: {  	[sflag:s0] =	ssyncadd.s32 $0xFFFFFF80  }
0x412: {  	_ =	sfence.sel $0x180000  }
0x413: {  	[bflag:$0x0] =	sbarrier.arrive $0xFFFF  }
0x414: {  	_ =	strace $0x90000047  }
0x415: {  	[bflag:$0x2] =	sbarrier.arrive $0xFFFF  }
0x416: {  	s31 =	rddreg [dreg:$0x3]  }
0x417: {  	s0 =	sadd.s32 $0x100000, s31  }
0x418: {  	[sflag:s0] =	ssyncadd.tile.s32 $0x1;
	_ =	shalt  }
.Lfunc_end2:
_tile_overlayer_lowered:
.L_overlay_start_2:
0x419: {  	(tag) =	ssettag $0x2  }
0x41a: {  	s0 =	rddreg [dreg:$0x0];
	s2 =	stileid.u32  }
0x41b: {  	s1 =	rddreg [dreg:$0x1];
	p0 =	sne.s32 s2, $0x0  }
0x41c: {  	s3 =	rddreg [dreg:$0x2];
	[bflag:$0x3] =	sbarrier.arrive $0xFFFF;
	s2 =	simm.s32 @!p0 $0x1C01  }
0x41d: {  	[timem:s3], [sflag:s2] =	dma.local @!p0 [hbm:s0], s1  }
0x41e: {  	s0 =	simm.s32 @!p0 $0x1  }
0x41f: {  	_ =	swait.ge @!p0 [sflag:s0], s1  }
0x420: {  	s1 =	ssub.s32 @!p0 $0x0, s1;
	[sflag:s0] =	ssyncset.done @!p0 $0x0  }
0x421: {  	[sflag:s0] =	ssyncadd.s32 @!p0 s1  }
0x422: {  	[bflag:$0x3] =	sbarrier.arrive $0xFFFF  }
0x423: {  	_ =	shalt  }

</sc_bundles>
